<compile_context>
chip_gen: v7x
topology: tpu7x:2x2x1
jax: 0.10.2.dev20260603
libtpu: 0.0.44.dev20260713+nightly
codegen_flags: <defaults>
</compile_context>

<pallas_src>
import jax
import jax.numpy as jnp
from jax import lax
from jax.experimental import pallas as pl
from jax.experimental.pallas import tpu as pltpu
from jax.experimental.pallas import tpu_sc as plsc

_B = 4096
_L = 50
_NFEAT = 64
_EMB = 128
_NC, _NS = 2, 16
_NW = _NC * _NS
_CHUNK = 2
_IDXJ = _CHUNK * _L
_LANES = 16
_NK = _EMB // _LANES
_NBUF = 8


def _acc_step(buf_v, out_v, step):
    for half in range(_CHUNK):
        base = half * _L

        def body(r, accs):
            return tuple(a + buf_v[r, pl.ds(_LANES * k, _LANES)]
                         for k, a in enumerate(accs))

        init = tuple(buf_v[base, pl.ds(_LANES * k, _LANES)]
                     for k in range(_NK))
        accs = lax.fori_loop(base + 1, base + _L, body, init)
        row = step * _CHUNK + half
        for k in range(_NK):
            out_v[row, pl.ds(_LANES * k, _LANES)] = accs[k]


def _make_bag_body(bpw):
    nj = bpw // _CHUNK

    def _bag_body(table_hbm, idx_hbm, out_hbm, *scratch):
        idx_v = scratch[0]
        bufs = scratch[1:1 + _NBUF]
        out_v = scratch[1 + _NBUF]
        sems = scratch[2 + _NBUF:]
        wid = lax.axis_index("s") * _NC + lax.axis_index("c")
        pltpu.sync_copy(idx_hbm.at[wid], idx_v)

        def start(j, b):
            pltpu.async_copy(table_hbm.at[idx_v.at[j]], bufs[b], sems[b])

        def wait(b):
            pltpu.make_async_copy(table_hbm.at[idx_v.at[0]], bufs[b],
                                  sems[b]).wait()

        for b in range(_NBUF - 1):
            start(b, b)

        @pl.loop(0, nj, step=_NBUF)
        def _(j):
            for b in range(_NBUF):
                nxt = j + b + _NBUF - 1

                @pl.when(nxt < nj)
                def _():
                    start(nxt, (b + _NBUF - 1) % _NBUF)

                wait(b)
                _acc_step(bufs[b], out_v, j + b)

        pltpu.sync_copy(out_v, out_hbm.at[pl.ds(wid * bpw, bpw)])

    return _bag_body


def _emb_bag(table, idx_grouped, nrows):
    bpw = nrows // _NW
    nj = bpw // _CHUNK
    mesh = plsc.VectorSubcoreMesh(core_axis_name="c", subcore_axis_name="s")
    kfn = pl.kernel(
        _make_bag_body(bpw),
        out_type=jax.ShapeDtypeStruct((nrows, _EMB), jnp.float32),
        mesh=mesh,
        scratch_types=(
            [pltpu.VMEM((nj, _IDXJ), jnp.int32)]
            + [pltpu.VMEM((_IDXJ, _EMB), jnp.float32)] * _NBUF
            + [pltpu.VMEM((bpw, _EMB), jnp.float32)]
            + [pltpu.SemaphoreType.DMA] * _NBUF
        ),
    )
    return kfn(table, idx_grouped)


def _mlp_body(x_ref, e_ref, w1_ref, b1_ref, w2_ref, b2_ref,
              w3_ref, b3_ref, o_ref):
    bf = jnp.bfloat16
    w1 = w1_ref[...].astype(bf)
    h1 = jnp.dot(x_ref[...].astype(bf), w1[:_NFEAT],
                 preferred_element_type=jnp.float32)
    h1 += jnp.dot(e_ref[...].astype(bf), w1[_NFEAT:],
                  preferred_element_type=jnp.float32)
    h1 = jnp.maximum(h1 + b1_ref[...], 0.0)
    h2 = jnp.maximum(
        jnp.dot(h1.astype(bf), w2_ref[...].astype(bf),
                preferred_element_type=jnp.float32)
        + b2_ref[...], 0.0)
    o_ref[...] = (jnp.dot(h2, w3_ref[...], preferred_element_type=jnp.float32)
                  + b3_ref[...])


def _mlp(x_num, emb, W1, b1, W2, b2, W3, b3):
    b = x_num.shape[0]
    bm = 2048
    grid = (b // bm,)
    h1, h2, out = W1.shape[1], W2.shape[1], W3.shape[1]
    full = lambda shape: pl.BlockSpec(shape, lambda i: (0,) * len(shape))
    return pl.pallas_call(
        _mlp_body,
        grid=grid,
        in_specs=[
            pl.BlockSpec((bm, _NFEAT), lambda i: (i, 0)),
            pl.BlockSpec((bm, _EMB), lambda i: (i, 0)),
            full((_NFEAT + _EMB, h1)),
            full((h1,)),
            full((h1, h2)),
            full((h2,)),
            full((h2, out)),
            full((out,)),
        ],
        out_specs=pl.BlockSpec((bm, out), lambda i: (i, 0)),
        out_shape=jax.ShapeDtypeStruct((b, out), jnp.float32),
    )(x_num, emb, W1, b1, W2, b2, W3, b3)


def kernel(x_num, leaf_ids, table, W1, b1, W2, b2, W3, b3):
    nj = _B // _NW // _CHUNK
    idx = leaf_ids.astype(jnp.int32).reshape(_NW, nj, _IDXJ)
    emb = _emb_bag(table, idx, _B)
    return _mlp(x_num, emb, W1, b1, W2, b2, W3, b3)

# --- scband reference (transcript-rebuilt; emitter-appended) ---
"""Pipeline reference for scband-deep-component-4105988735652 (READ-ONLY COPY).

The authoritative reference and input builder live on the scoring server;
editing this copy changes nothing except your own understanding.
"""

import jax, jax.numpy as jnp
import numpy as np

B = 4096
L = 50
N_FEAT = 64
VOCAB = 200000
EMB = 128
H1 = 256
H2 = 128
OUT = 3


def setup_inputs(seed: int = 0) -> dict:
    key = jax.random.key(seed)
    ks = jax.random.split(key, 10)
    x_num = jax.random.normal(ks[0], (B, N_FEAT), dtype=jnp.float32)
    leaf_ids = jax.random.randint(ks[1], (B, L), 0, VOCAB, dtype=jnp.int64 if jax.config.jax_enable_x64 else jnp.int32)
    table = jax.random.normal(ks[2], (VOCAB, EMB), dtype=jnp.float32) * 0.02
    in_dim = N_FEAT + EMB
    W1 = jax.random.normal(ks[3], (in_dim, H1), dtype=jnp.float32) * (1.0 / np.sqrt(in_dim))
    b1 = jnp.zeros((H1,), dtype=jnp.float32)
    W2 = jax.random.normal(ks[4], (H1, H2), dtype=jnp.float32) * (1.0 / np.sqrt(H1))
    b2 = jnp.zeros((H2,), dtype=jnp.float32)
    W3 = jax.random.normal(ks[5], (H2, OUT), dtype=jnp.float32) * (1.0 / np.sqrt(H2))
    b3 = jnp.zeros((OUT,), dtype=jnp.float32)
    return {"x_num": x_num, "leaf_ids": leaf_ids, "table": table,
            "W1": W1, "b1": b1, "W2": W2, "b2": b2, "W3": W3, "b3": b3}


def reference(x_num, leaf_ids, table, W1, b1, W2, b2, W3, b3):
    # embedding lookup: [B, L, EMB]
    emb = jnp.take(table, leaf_ids, axis=0)
    emb = emb.sum(axis=1)  # [B, EMB]
    feat = jnp.concatenate([x_num, emb], axis=1)  # [B, N_FEAT + EMB]
    h = jnp.maximum(feat @ W1 + b1, 0.0)
    h = jnp.maximum(h @ W2 + b2, 0.0)
    logits = h @ W3 + b3
    return logits

if __name__ == "__main__":
    import jax
    _d = setup_inputs()
    print(jax.jit(kernel)(*tuple(_d.values())))

</pallas_src>

<mosaic_0001>
#map = affine_map<(d0, d1) -> (0, 0)>
#map1 = affine_map<(d0, d1) -> (0, 0, 0)>
module attributes {stable_mosaic.version = 14 : i64} {
  func.func @_bag_body(%arg0: i32, %arg1: i32, %arg2: memref<200000x128xf32, #tpu.memory_space<hbm>>, %arg3: memref<32x64x100xi32, #tpu.memory_space<hbm>>, %arg4: memref<4096x128xf32, #tpu.memory_space<hbm>>, %arg5: memref<64x100xi32, #tpu.memory_space<vmem>>, %arg6: memref<100x128xf32, #tpu.memory_space<vmem>>, %arg7: memref<100x128xf32, #tpu.memory_space<vmem>>, %arg8: memref<100x128xf32, #tpu.memory_space<vmem>>, %arg9: memref<100x128xf32, #tpu.memory_space<vmem>>, %arg10: memref<100x128xf32, #tpu.memory_space<vmem>>, %arg11: memref<100x128xf32, #tpu.memory_space<vmem>>, %arg12: memref<100x128xf32, #tpu.memory_space<vmem>>, %arg13: memref<100x128xf32, #tpu.memory_space<vmem>>, %arg14: memref<128x128xf32, #tpu.memory_space<vmem>>, %arg15: memref<!tpu.dma_semaphore, #tpu.memory_space<semaphore_mem>>, %arg16: memref<!tpu.dma_semaphore, #tpu.memory_space<semaphore_mem>>, %arg17: memref<!tpu.dma_semaphore, #tpu.memory_space<semaphore_mem>>, %arg18: memref<!tpu.dma_semaphore, #tpu.memory_space<semaphore_mem>>, %arg19: memref<!tpu.dma_semaphore, #tpu.memory_space<semaphore_mem>>, %arg20: memref<!tpu.dma_semaphore, #tpu.memory_space<semaphore_mem>>, %arg21: memref<!tpu.dma_semaphore, #tpu.memory_space<semaphore_mem>>, %arg22: memref<!tpu.dma_semaphore, #tpu.memory_space<semaphore_mem>>) attributes {dimension_semantics = [#tpu.dimension_semantics<core_parallel>, #tpu.dimension_semantics<subcore_parallel>], iteration_bounds = array<i64: 2, 16>, scalar_prefetch = 0 : i64, scratch_operands = 18 : i64, tpu.core_type = #tpu.core_type<sc_vector_subcore>, window_params = [{transform_indices = #map}, {transform_indices = #map1}, {transform_indices = #map}]} {
    %mul3A = arith.constant 2 : i32
    %mul3A_0 = arith.muli %arg1, %mul3A : i32
    %add3A = arith.addi %mul3A_0, %arg0 : i32
    "tpu.region"() ({
      %run_scoped3A = tpu.sem_alloc : memref<!tpu.dma_semaphore, #tpu.memory_space<semaphore_mem>>
      %dma_start3A_55 = arith.constant 0 : i32
      %dma_start3A_56 = arith.constant 0 : i32
      %dma_start3A_57 = tpu.memref_slice %arg3[%add3A, %dma_start3A_55, %dma_start3A_56] : memref<32x64x100xi32, #tpu.memory_space<hbm>> -> memref<1x64x100xi32, #tpu.memory_space<hbm>>
      %dma_start3A_58 = tpu.memref_squeeze %dma_start3A_57 : memref<1x64x100xi32, #tpu.memory_space<hbm>> -> memref<64x100xi32, #tpu.memory_space<hbm>>
      %dma_start3A_59 = arith.constant 0 : i32
      %dma_start3A_60 = arith.constant 0 : i32
      %dma_start3A_61 = tpu.memref_slice %arg3[%add3A, %dma_start3A_59, %dma_start3A_60] : memref<32x64x100xi32, #tpu.memory_space<hbm>> -> memref<1x64x100xi32, #tpu.memory_space<hbm>>
      %dma_start3A_62 = tpu.memref_squeeze %dma_start3A_61 : memref<1x64x100xi32, #tpu.memory_space<hbm>> -> memref<64x100xi32, #tpu.memory_space<hbm>>
      tpu.enqueue_dma source(%dma_start3A_62 : memref<64x100xi32, #tpu.memory_space<hbm>>) target(%arg5 : memref<64x100xi32, #tpu.memory_space<vmem>>) target_semaphore(%run_scoped3A : memref<!tpu.dma_semaphore, #tpu.memory_space<semaphore_mem>>)
      %dma_wait3A = arith.constant 0 : i32
      %dma_wait3A_63 = arith.constant 0 : i32
      %dma_wait3A_64 = tpu.memref_slice %arg3[%add3A, %dma_wait3A, %dma_wait3A_63] : memref<32x64x100xi32, #tpu.memory_space<hbm>> -> memref<1x64x100xi32, #tpu.memory_space<hbm>>
      %dma_wait3A_65 = tpu.memref_squeeze %dma_wait3A_64 : memref<1x64x100xi32, #tpu.memory_space<hbm>> -> memref<64x100xi32, #tpu.memory_space<hbm>>
      %dma_wait3A_66 = arith.constant 0 : i32
      %dma_wait3A_67 = arith.constant 0 : i32
      %dma_wait3A_68 = tpu.memref_slice %arg3[%add3A, %dma_wait3A_66, %dma_wait3A_67] : memref<32x64x100xi32, #tpu.memory_space<hbm>> -> memref<1x64x100xi32, #tpu.memory_space<hbm>>
      %dma_wait3A_69 = tpu.memref_squeeze %dma_wait3A_68 : memref<1x64x100xi32, #tpu.memory_space<hbm>> -> memref<64x100xi32, #tpu.memory_space<hbm>>
      tpu.wait_dma2 semaphore(%run_scoped3A : memref<!tpu.dma_semaphore, #tpu.memory_space<semaphore_mem>>) src(%dma_wait3A_69 : memref<64x100xi32, #tpu.memory_space<hbm>>) dst(%arg5 : memref<64x100xi32, #tpu.memory_space<vmem>>)
      tpu.yield
    }) : () -> ()
    %dma_start3A = arith.constant 0 : i32
    %dma_start3A_1 = arith.constant 0 : i32
    %dma_start3A_2 = tpu.memref_slice %arg5[%dma_start3A, %dma_start3A_1] : memref<64x100xi32, #tpu.memory_space<vmem>> -> memref<1x100xi32, #tpu.memory_space<vmem>>
    %dma_start3A_3 = tpu.memref_squeeze %dma_start3A_2 : memref<1x100xi32, #tpu.memory_space<vmem>> -> memref<100xi32, #tpu.memory_space<vmem>>
    %dma_start3A_4 = arith.constant 0 : i32
    %dma_start3A_5 = arith.constant 0 : i32
    %dma_start3A_6 = tpu.memref_slice %arg2[%dma_start3A_4, %dma_start3A_5] : memref<200000x128xf32, #tpu.memory_space<hbm>> -> memref<200000x128xf32, #tpu.memory_space<hbm>>
    tpu.enqueue_indirect_dma source(%dma_start3A_6 : memref<200000x128xf32, #tpu.memory_space<hbm>>) target(%arg6 : memref<100x128xf32, #tpu.memory_space<vmem>>) offsets(%dma_start3A_3 : memref<100xi32, #tpu.memory_space<vmem>>) semaphore(%arg15 : memref<!tpu.dma_semaphore, #tpu.memory_space<semaphore_mem>>)
    %dma_start3A_7 = arith.constant 1 : i32
    %dma_start3A_8 = arith.constant 0 : i32
    %dma_start3A_9 = tpu.memref_slice %arg5[%dma_start3A_7, %dma_start3A_8] : memref<64x100xi32, #tpu.memory_space<vmem>> -> memref<1x100xi32, #tpu.memory_space<vmem>>
    %dma_start3A_10 = tpu.memref_squeeze %dma_start3A_9 : memref<1x100xi32, #tpu.memory_space<vmem>> -> memref<100xi32, #tpu.memory_space<vmem>>
    %dma_start3A_11 = arith.constant 0 : i32
    %dma_start3A_12 = arith.constant 0 : i32
    %dma_start3A_13 = tpu.memref_slice %arg2[%dma_start3A_11, %dma_start3A_12] : memref<200000x128xf32, #tpu.memory_space<hbm>> -> memref<200000x128xf32, #tpu.memory_space<hbm>>
    tpu.enqueue_indirect_dma source(%dma_start3A_13 : memref<200000x128xf32, #tpu.memory_space<hbm>>) target(%arg7 : memref<100x128xf32, #tpu.memory_space<vmem>>) offsets(%dma_start3A_10 : memref<100xi32, #tpu.memory_space<vmem>>) semaphore(%arg16 : memref<!tpu.dma_semaphore, #tpu.memory_space<semaphore_mem>>)
    %dma_start3A_14 = arith.constant 2 : i32
    %dma_start3A_15 = arith.constant 0 : i32
    %dma_start3A_16 = tpu.memref_slice %arg5[%dma_start3A_14, %dma_start3A_15] : memref<64x100xi32, #tpu.memory_space<vmem>> -> memref<1x100xi32, #tpu.memory_space<vmem>>
    %dma_start3A_17 = tpu.memref_squeeze %dma_start3A_16 : memref<1x100xi32, #tpu.memory_space<vmem>> -> memref<100xi32, #tpu.memory_space<vmem>>
    %dma_start3A_18 = arith.constant 0 : i32
    %dma_start3A_19 = arith.constant 0 : i32
    %dma_start3A_20 = tpu.memref_slice %arg2[%dma_start3A_18, %dma_start3A_19] : memref<200000x128xf32, #tpu.memory_space<hbm>> -> memref<200000x128xf32, #tpu.memory_space<hbm>>
    tpu.enqueue_indirect_dma source(%dma_start3A_20 : memref<200000x128xf32, #tpu.memory_space<hbm>>) target(%arg8 : memref<100x128xf32, #tpu.memory_space<vmem>>) offsets(%dma_start3A_17 : memref<100xi32, #tpu.memory_space<vmem>>) semaphore(%arg17 : memref<!tpu.dma_semaphore, #tpu.memory_space<semaphore_mem>>)
    %dma_start3A_21 = arith.constant 3 : i32
    %dma_start3A_22 = arith.constant 0 : i32
    %dma_start3A_23 = tpu.memref_slice %arg5[%dma_start3A_21, %dma_start3A_22] : memref<64x100xi32, #tpu.memory_space<vmem>> -> memref<1x100xi32, #tpu.memory_space<vmem>>
    %dma_start3A_24 = tpu.memref_squeeze %dma_start3A_23 : memref<1x100xi32, #tpu.memory_space<vmem>> -> memref<100xi32, #tpu.memory_space<vmem>>
    %dma_start3A_25 = arith.constant 0 : i32
    %dma_start3A_26 = arith.constant 0 : i32
    %dma_start3A_27 = tpu.memref_slice %arg2[%dma_start3A_25, %dma_start3A_26] : memref<200000x128xf32, #tpu.memory_space<hbm>> -> memref<200000x128xf32, #tpu.memory_space<hbm>>
    tpu.enqueue_indirect_dma source(%dma_start3A_27 : memref<200000x128xf32, #tpu.memory_space<hbm>>) target(%arg9 : memref<100x128xf32, #tpu.memory_space<vmem>>) offsets(%dma_start3A_24 : memref<100xi32, #tpu.memory_space<vmem>>) semaphore(%arg18 : memref<!tpu.dma_semaphore, #tpu.memory_space<semaphore_mem>>)
    %dma_start3A_28 = arith.constant 4 : i32
    %dma_start3A_29 = arith.constant 0 : i32
    %dma_start3A_30 = tpu.memref_slice %arg5[%dma_start3A_28, %dma_start3A_29] : memref<64x100xi32, #tpu.memory_space<vmem>> -> memref<1x100xi32, #tpu.memory_space<vmem>>
    %dma_start3A_31 = tpu.memref_squeeze %dma_start3A_30 : memref<1x100xi32, #tpu.memory_space<vmem>> -> memref<100xi32, #tpu.memory_space<vmem>>
    %dma_start3A_32 = arith.constant 0 : i32
    %dma_start3A_33 = arith.constant 0 : i32
    %dma_start3A_34 = tpu.memref_slice %arg2[%dma_start3A_32, %dma_start3A_33] : memref<200000x128xf32, #tpu.memory_space<hbm>> -> memref<200000x128xf32, #tpu.memory_space<hbm>>
    tpu.enqueue_indirect_dma source(%dma_start3A_34 : memref<200000x128xf32, #tpu.memory_space<hbm>>) target(%arg10 : memref<100x128xf32, #tpu.memory_space<vmem>>) offsets(%dma_start3A_31 : memref<100xi32, #tpu.memory_space<vmem>>) semaphore(%arg19 : memref<!tpu.dma_semaphore, #tpu.memory_space<semaphore_mem>>)
    %dma_start3A_35 = arith.constant 5 : i32
    %dma_start3A_36 = arith.constant 0 : i32
    %dma_start3A_37 = tpu.memref_slice %arg5[%dma_start3A_35, %dma_start3A_36] : memref<64x100xi32, #tpu.memory_space<vmem>> -> memref<1x100xi32, #tpu.memory_space<vmem>>
    %dma_start3A_38 = tpu.memref_squeeze %dma_start3A_37 : memref<1x100xi32, #tpu.memory_space<vmem>> -> memref<100xi32, #tpu.memory_space<vmem>>
    %dma_start3A_39 = arith.constant 0 : i32
    %dma_start3A_40 = arith.constant 0 : i32
    %dma_start3A_41 = tpu.memref_slice %arg2[%dma_start3A_39, %dma_start3A_40] : memref<200000x128xf32, #tpu.memory_space<hbm>> -> memref<200000x128xf32, #tpu.memory_space<hbm>>
    tpu.enqueue_indirect_dma source(%dma_start3A_41 : memref<200000x128xf32, #tpu.memory_space<hbm>>) target(%arg11 : memref<100x128xf32, #tpu.memory_space<vmem>>) offsets(%dma_start3A_38 : memref<100xi32, #tpu.memory_space<vmem>>) semaphore(%arg20 : memref<!tpu.dma_semaphore, #tpu.memory_space<semaphore_mem>>)
    %dma_start3A_42 = arith.constant 6 : i32
    %dma_start3A_43 = arith.constant 0 : i32
    %dma_start3A_44 = tpu.memref_slice %arg5[%dma_start3A_42, %dma_start3A_43] : memref<64x100xi32, #tpu.memory_space<vmem>> -> memref<1x100xi32, #tpu.memory_space<vmem>>
    %dma_start3A_45 = tpu.memref_squeeze %dma_start3A_44 : memref<1x100xi32, #tpu.memory_space<vmem>> -> memref<100xi32, #tpu.memory_space<vmem>>
    %dma_start3A_46 = arith.constant 0 : i32
    %dma_start3A_47 = arith.constant 0 : i32
    %dma_start3A_48 = tpu.memref_slice %arg2[%dma_start3A_46, %dma_start3A_47] : memref<200000x128xf32, #tpu.memory_space<hbm>> -> memref<200000x128xf32, #tpu.memory_space<hbm>>
    tpu.enqueue_indirect_dma source(%dma_start3A_48 : memref<200000x128xf32, #tpu.memory_space<hbm>>) target(%arg12 : memref<100x128xf32, #tpu.memory_space<vmem>>) offsets(%dma_start3A_45 : memref<100xi32, #tpu.memory_space<vmem>>) semaphore(%arg21 : memref<!tpu.dma_semaphore, #tpu.memory_space<semaphore_mem>>)
    %scan3A = arith.constant 0 : i32
    %scan3A_49 = arith.constant 8 : i32
    %scan3A_50 = arith.addi %scan3A, %scan3A_49 : i32
    %scan3A_51 = arith.constant 1 : i32
    scf.for %scan3A_55 = %scan3A to %scan3A_50 step %scan3A_51  : i32 {
      %mul3A_56 = arith.constant 8 : i32
      %mul3A_57 = arith.muli %scan3A_55, %mul3A_56 : i32
      %add3A_58 = arith.constant 0 : i32
      %add3A_59 = arith.addi %add3A_58, %mul3A_57 : i32
      %add3A_60 = arith.constant 0 : i32
      %add3A_61 = arith.addi %add3A_59, %add3A_60 : i32
      %add3A_62 = arith.constant 8 : i32
      %add3A_63 = arith.addi %add3A_61, %add3A_62 : i32
      %sub3A = arith.constant 1 : i32
      %sub3A_64 = arith.subi %add3A_63, %sub3A : i32
      %lt3A = arith.constant 64 : i32
      %lt3A_65 = arith.cmpi slt, %sub3A_64, %lt3A : i32
      %convert_element_type3A = arith.extui %lt3A_65 : i1 to i32
      %cond3A = arith.constant 0 : i32
      %cond3A_66 = arith.cmpi ne, %convert_element_type3A, %cond3A : i32
      scf.if %cond3A_66 {
        %dma_start3A_1653 = arith.constant 0 : i32
        %dma_start3A_1654 = tpu.memref_slice %arg5[%sub3A_64, %dma_start3A_1653] : memref<64x100xi32, #tpu.memory_space<vmem>> -> memref<1x100xi32, #tpu.memory_space<vmem>>
        %dma_start3A_1655 = tpu.memref_squeeze %dma_start3A_1654 : memref<1x100xi32, #tpu.memory_space<vmem>> -> memref<100xi32, #tpu.memory_space<vmem>>
        %dma_start3A_1656 = arith.constant 0 : i32
        %dma_start3A_1657 = arith.constant 0 : i32
        %dma_start3A_1658 = tpu.memref_slice %arg2[%dma_start3A_1656, %dma_start3A_1657] : memref<200000x128xf32, #tpu.memory_space<hbm>> -> memref<200000x128xf32, #tpu.memory_space<hbm>>
        tpu.enqueue_indirect_dma source(%dma_start3A_1658 : memref<200000x128xf32, #tpu.memory_space<hbm>>) target(%arg13 : memref<100x128xf32, #tpu.memory_space<vmem>>) offsets(%dma_start3A_1655 : memref<100xi32, #tpu.memory_space<vmem>>) semaphore(%arg22 : memref<!tpu.dma_semaphore, #tpu.memory_space<semaphore_mem>>)
      } else {
      }
      %dma_wait3A = arith.constant 0 : i32
      %dma_wait3A_67 = arith.constant 0 : i32
      %dma_wait3A_68 = tpu.memref_slice %arg5[%dma_wait3A, %dma_wait3A_67] : memref<64x100xi32, #tpu.memory_space<vmem>> -> memref<1x100xi32, #tpu.memory_space<vmem>>
      %dma_wait3A_69 = tpu.memref_squeeze %dma_wait3A_68 : memref<1x100xi32, #tpu.memory_space<vmem>> -> memref<100xi32, #tpu.memory_space<vmem>>
      %dma_wait3A_70 = arith.constant 0 : i32
      %dma_wait3A_71 = arith.constant 0 : i32
      %dma_wait3A_72 = tpu.memref_slice %arg2[%dma_wait3A_70, %dma_wait3A_71] : memref<200000x128xf32, #tpu.memory_space<hbm>> -> memref<200000x128xf32, #tpu.memory_space<hbm>>
      tpu.wait_indirect_dma semaphore(%arg15 : memref<!tpu.dma_semaphore, #tpu.memory_space<semaphore_mem>>) src(%dma_wait3A_72 : memref<200000x128xf32, #tpu.memory_space<hbm>>) dst(%arg6 : memref<100x128xf32, #tpu.memory_space<vmem>>)
      %add3A_73 = arith.constant 0 : i32
      %add3A_74 = arith.addi %add3A_59, %add3A_73 : i32
      %get3A = arith.constant 0 : i32
      %get3A_75 = arith.index_cast %get3A : i32 to index
      %get3A_76 = arith.constant 0 : index
      %get3A_77 = tpu.vector_load %arg6[%get3A_75, %get3A_76] {strides = array<i32>} : memref<100x128xf32, #tpu.memory_space<vmem>>, vector<1x16xf32>,
      %get3A_78 = vector.shape_cast %get3A_77 : vector<1x16xf32> to vector<16xf32>
      %get3A_79 = arith.constant 0 : i32
      %get3A_80 = arith.index_cast %get3A_79 : i32 to index
      %get3A_81 = arith.constant 16 : index
      %get3A_82 = tpu.vector_load %arg6[%get3A_80, %get3A_81] {strides = array<i32>} : memref<100x128xf32, #tpu.memory_space<vmem>>, vector<1x16xf32>,
      %get3A_83 = vector.shape_cast %get3A_82 : vector<1x16xf32> to vector<16xf32>
      %get3A_84 = arith.constant 0 : i32
      %get3A_85 = arith.index_cast %get3A_84 : i32 to index
      %get3A_86 = arith.constant 32 : index
      %get3A_87 = tpu.vector_load %arg6[%get3A_85, %get3A_86] {strides = array<i32>} : memref<100x128xf32, #tpu.memory_space<vmem>>, vector<1x16xf32>,
      %get3A_88 = vector.shape_cast %get3A_87 : vector<1x16xf32> to vector<16xf32>
      %get3A_89 = arith.constant 0 : i32
      %get3A_90 = arith.index_cast %get3A_89 : i32 to index
      %get3A_91 = arith.constant 48 : index
      %get3A_92 = tpu.vector_load %arg6[%get3A_90, %get3A_91] {strides = array<i32>} : memref<100x128xf32, #tpu.memory_space<vmem>>, vector<1x16xf32>,
      %get3A_93 = vector.shape_cast %get3A_92 : vector<1x16xf32> to vector<16xf32>
      %get3A_94 = arith.constant 0 : i32
      %get3A_95 = arith.index_cast %get3A_94 : i32 to index
      %get3A_96 = arith.constant 64 : index
      %get3A_97 = tpu.vector_load %arg6[%get3A_95, %get3A_96] {strides = array<i32>} : memref<100x128xf32, #tpu.memory_space<vmem>>, vector<1x16xf32>,
      %get3A_98 = vector.shape_cast %get3A_97 : vector<1x16xf32> to vector<16xf32>
      %get3A_99 = arith.constant 0 : i32
      %get3A_100 = arith.index_cast %get3A_99 : i32 to index
      %get3A_101 = arith.constant 80 : index
      %get3A_102 = tpu.vector_load %arg6[%get3A_100, %get3A_101] {strides = array<i32>} : memref<100x128xf32, #tpu.memory_space<vmem>>, vector<1x16xf32>,
      %get3A_103 = vector.shape_cast %get3A_102 : vector<1x16xf32> to vector<16xf32>
      %get3A_104 = arith.constant 0 : i32
      %get3A_105 = arith.index_cast %get3A_104 : i32 to index
      %get3A_106 = arith.constant 96 : index
      %get3A_107 = tpu.vector_load %arg6[%get3A_105, %get3A_106] {strides = array<i32>} : memref<100x128xf32, #tpu.memory_space<vmem>>, vector<1x16xf32>,
      %get3A_108 = vector.shape_cast %get3A_107 : vector<1x16xf32> to vector<16xf32>
      %get3A_109 = arith.constant 0 : i32
      %get3A_110 = arith.index_cast %get3A_109 : i32 to index
      %get3A_111 = arith.constant 112 : index
      %get3A_112 = tpu.vector_load %arg6[%get3A_110, %get3A_111] {strides = array<i32>} : memref<100x128xf32, #tpu.memory_space<vmem>>, vector<1x16xf32>,
      %get3A_113 = vector.shape_cast %get3A_112 : vector<1x16xf32> to vector<16xf32>
      %scan3A_114 = arith.constant 1 : i32
      %scan3A_115 = arith.constant 49 : i32
      %scan3A_116 = arith.addi %scan3A_114, %scan3A_115 : i32
      %scan3A_117 = arith.constant 1 : i32
      %scan3A_118:8 = scf.for %scan3A_1653 = %scan3A_114 to %scan3A_116 step %scan3A_117 iter_args(%scan3A_1654 = %get3A_78, %scan3A_1655 = %get3A_83, %scan3A_1656 = %get3A_88, %scan3A_1657 = %get3A_93, %scan3A_1658 = %get3A_98, %scan3A_1659 = %get3A_103, %scan3A_1660 = %get3A_108, %scan3A_1661 = %get3A_113) -> (vector<16xf32>, vector<16xf32>, vector<16xf32>, vector<16xf32>, vector<16xf32>, vector<16xf32>, vector<16xf32>, vector<16xf32>)  : i32 {
        %get3A_1662 = arith.index_cast %scan3A_1653 : i32 to index
        %get3A_1663 = arith.constant 0 : index
        %get3A_1664 = tpu.vector_load %arg6[%get3A_1662, %get3A_1663] {strides = array<i32>} : memref<100x128xf32, #tpu.memory_space<vmem>>, vector<1x16xf32>,
        %get3A_1665 = vector.shape_cast %get3A_1664 : vector<1x16xf32> to vector<16xf32>
        %add3A_1666 = arith.addf %scan3A_1654, %get3A_1665 : vector<16xf32>
        %get3A_1667 = arith.index_cast %scan3A_1653 : i32 to index
        %get3A_1668 = arith.constant 16 : index
        %get3A_1669 = tpu.vector_load %arg6[%get3A_1667, %get3A_1668] {strides = array<i32>} : memref<100x128xf32, #tpu.memory_space<vmem>>, vector<1x16xf32>,
        %get3A_1670 = vector.shape_cast %get3A_1669 : vector<1x16xf32> to vector<16xf32>
        %add3A_1671 = arith.addf %scan3A_1655, %get3A_1670 : vector<16xf32>
        %get3A_1672 = arith.index_cast %scan3A_1653 : i32 to index
        %get3A_1673 = arith.constant 32 : index
        %get3A_1674 = tpu.vector_load %arg6[%get3A_1672, %get3A_1673] {strides = array<i32>} : memref<100x128xf32, #tpu.memory_space<vmem>>, vector<1x16xf32>,
        %get3A_1675 = vector.shape_cast %get3A_1674 : vector<1x16xf32> to vector<16xf32>
        %add3A_1676 = arith.addf %scan3A_1656, %get3A_1675 : vector<16xf32>
        %get3A_1677 = arith.index_cast %scan3A_1653 : i32 to index
        %get3A_1678 = arith.constant 48 : index
        %get3A_1679 = tpu.vector_load %arg6[%get3A_1677, %get3A_1678] {strides = array<i32>} : memref<100x128xf32, #tpu.memory_space<vmem>>, vector<1x16xf32>,
        %get3A_1680 = vector.shape_cast %get3A_1679 : vector<1x16xf32> to vector<16xf32>
        %add3A_1681 = arith.addf %scan3A_1657, %get3A_1680 : vector<16xf32>
        %get3A_1682 = arith.index_cast %scan3A_1653 : i32 to index
        %get3A_1683 = arith.constant 64 : index
        %get3A_1684 = tpu.vector_load %arg6[%get3A_1682, %get3A_1683] {strides = array<i32>} : memref<100x128xf32, #tpu.memory_space<vmem>>, vector<1x16xf32>,
        %get3A_1685 = vector.shape_cast %get3A_1684 : vector<1x16xf32> to vector<16xf32>
        %add3A_1686 = arith.addf %scan3A_1658, %get3A_1685 : vector<16xf32>
        %get3A_1687 = arith.index_cast %scan3A_1653 : i32 to index
        %get3A_1688 = arith.constant 80 : index
        %get3A_1689 = tpu.vector_load %arg6[%get3A_1687, %get3A_1688] {strides = array<i32>} : memref<100x128xf32, #tpu.memory_space<vmem>>, vector<1x16xf32>,
        %get3A_1690 = vector.shape_cast %get3A_1689 : vector<1x16xf32> to vector<16xf32>
        %add3A_1691 = arith.addf %scan3A_1659, %get3A_1690 : vector<16xf32>
        %get3A_1692 = arith.index_cast %scan3A_1653 : i32 to index
        %get3A_1693 = arith.constant 96 : index
        %get3A_1694 = tpu.vector_load %arg6[%get3A_1692, %get3A_1693] {strides = array<i32>} : memref<100x128xf32, #tpu.memory_space<vmem>>, vector<1x16xf32>,
        %get3A_1695 = vector.shape_cast %get3A_1694 : vector<1x16xf32> to vector<16xf32>
        %add3A_1696 = arith.addf %scan3A_1660, %get3A_1695 : vector<16xf32>
        %get3A_1697 = arith.index_cast %scan3A_1653 : i32 to index
        %get3A_1698 = arith.constant 112 : index
        %get3A_1699 = tpu.vector_load %arg6[%get3A_1697, %get3A_1698] {strides = array<i32>} : memref<100x128xf32, #tpu.memory_space<vmem>>, vector<1x16xf32>,
        %get3A_1700 = vector.shape_cast %get3A_1699 : vector<1x16xf32> to vector<16xf32>
        %add3A_1701 = arith.addf %scan3A_1661, %get3A_1700 : vector<16xf32>
        scf.yield %add3A_1666, %add3A_1671, %add3A_1676, %add3A_1681, %add3A_1686, %add3A_1691, %add3A_1696, %add3A_1701 : vector<16xf32>, vector<16xf32>, vector<16xf32>, vector<16xf32>, vector<16xf32>, vector<16xf32>, vector<16xf32>, vector<16xf32>
      }
      %scan3A_119 = arith.constant 49 : i32
      %mul3A_120 = arith.constant 2 : i32
      %mul3A_121 = arith.muli %add3A_74, %mul3A_120 : i32
      %add3A_122 = arith.constant 0 : i32
      %add3A_123 = arith.addi %mul3A_121, %add3A_122 : i32
      %swap3A = arith.index_cast %add3A_123 : i32 to index
      %swap3A_124 = arith.constant 0 : index
      %swap3A_125 = tpu.vector_load %arg14[%swap3A, %swap3A_124] {strides = array<i32>} : memref<128x128xf32, #tpu.memory_space<vmem>>, vector<1x16xf32>,
      %swap3A_126 = vector.shape_cast %swap3A_125 : vector<1x16xf32> to vector<16xf32>
      %swap3A_127 = vector.shape_cast %scan3A_118#0 : vector<16xf32> to vector<1x16xf32>
      tpu.vector_store %arg14[%swap3A, %swap3A_124], %swap3A_127 {strides = array<i32>} : memref<128x128xf32, #tpu.memory_space<vmem>>, vector<1x16xf32>,
      %swap3A_128 = arith.index_cast %add3A_123 : i32 to index
      %swap3A_129 = arith.constant 16 : index
      %swap3A_130 = tpu.vector_load %arg14[%swap3A_128, %swap3A_129] {strides = array<i32>} : memref<128x128xf32, #tpu.memory_space<vmem>>, vector<1x16xf32>,
      %swap3A_131 = vector.shape_cast %swap3A_130 : vector<1x16xf32> to vector<16xf32>
      %swap3A_132 = vector.shape_cast %scan3A_118#1 : vector<16xf32> to vector<1x16xf32>
      tpu.vector_store %arg14[%swap3A_128, %swap3A_129], %swap3A_132 {strides = array<i32>} : memref<128x128xf32, #tpu.memory_space<vmem>>, vector<1x16xf32>,
      %swap3A_133 = arith.index_cast %add3A_123 : i32 to index
      %swap3A_134 = arith.constant 32 : index
      %swap3A_135 = tpu.vector_load %arg14[%swap3A_133, %swap3A_134] {strides = array<i32>} : memref<128x128xf32, #tpu.memory_space<vmem>>, vector<1x16xf32>,
      %swap3A_136 = vector.shape_cast %swap3A_135 : vector<1x16xf32> to vector<16xf32>
      %swap3A_137 = vector.shape_cast %scan3A_118#2 : vector<16xf32> to vector<1x16xf32>
      tpu.vector_store %arg14[%swap3A_133, %swap3A_134], %swap3A_137 {strides = array<i32>} : memref<128x128xf32, #tpu.memory_space<vmem>>, vector<1x16xf32>,
      %swap3A_138 = arith.index_cast %add3A_123 : i32 to index
      %swap3A_139 = arith.constant 48 : index
      %swap3A_140 = tpu.vector_load %arg14[%swap3A_138, %swap3A_139] {strides = array<i32>} : memref<128x128xf32, #tpu.memory_space<vmem>>, vector<1x16xf32>,
      %swap3A_141 = vector.shape_cast %swap3A_140 : vector<1x16xf32> to vector<16xf32>
      %swap3A_142 = vector.shape_cast %scan3A_118#3 : vector<16xf32> to vector<1x16xf32>
      tpu.vector_store %arg14[%swap3A_138, %swap3A_139], %swap3A_142 {strides = array<i32>} : memref<128x128xf32, #tpu.memory_space<vmem>>, vector<1x16xf32>,
      %swap3A_143 = arith.index_cast %add3A_123 : i32 to index
      %swap3A_144 = arith.constant 64 : index
      %swap3A_145 = tpu.vector_load %arg14[%swap3A_143, %swap3A_144] {strides = array<i32>} : memref<128x128xf32, #tpu.memory_space<vmem>>, vector<1x16xf32>,
      %swap3A_146 = vector.shape_cast %swap3A_145 : vector<1x16xf32> to vector<16xf32>
      %swap3A_147 = vector.shape_cast %scan3A_118#4 : vector<16xf32> to vector<1x16xf32>
      tpu.vector_store %arg14[%swap3A_143, %swap3A_144], %swap3A_147 {strides = array<i32>} : memref<128x128xf32, #tpu.memory_space<vmem>>, vector<1x16xf32>,
      %swap3A_148 = arith.index_cast %add3A_123 : i32 to index
      %swap3A_149 = arith.constant 80 : index
      %swap3A_150 = tpu.vector_load %arg14[%swap3A_148, %swap3A_149] {strides = array<i32>} : memref<128x128xf32, #tpu.memory_space<vmem>>, vector<1x16xf32>,
      %swap3A_151 = vector.shape_cast %swap3A_150 : vector<1x16xf32> to vector<16xf32>
      %swap3A_152 = vector.shape_cast %scan3A_118#5 : vector<16xf32> to vector<1x16xf32>
      tpu.vector_store %arg14[%swap3A_148, %swap3A_149], %swap3A_152 {strides = array<i32>} : memref<128x128xf32, #tpu.memory_space<vmem>>, vector<1x16xf32>,
      %swap3A_153 = arith.index_cast %add3A_123 : i32 to index
      %swap3A_154 = arith.constant 96 : index
      %swap3A_155 = tpu.vector_load %arg14[%swap3A_153, %swap3A_154] {strides = array<i32>} : memref<128x128xf32, #tpu.memory_space<vmem>>, vector<1x16xf32>,
      %swap3A_156 = vector.shape_cast %swap3A_155 : vector<1x16xf32> to vector<16xf32>
      %swap3A_157 = vector.shape_cast %scan3A_118#6 : vector<16xf32> to vector<1x16xf32>
      tpu.vector_store %arg14[%swap3A_153, %swap3A_154], %swap3A_157 {strides = array<i32>} : memref<128x128xf32, #tpu.memory_space<vmem>>, vector<1x16xf32>,
      %swap3A_158 = arith.index_cast %add3A_123 : i32 to index
      %swap3A_159 = arith.constant 112 : index
      %swap3A_160 = tpu.vector_load %arg14[%swap3A_158, %swap3A_159] {strides = array<i32>} : memref<128x128xf32, #tpu.memory_space<vmem>>, vector<1x16xf32>,
      %swap3A_161 = vector.shape_cast %swap3A_160 : vector<1x16xf32> to vector<16xf32>
      %swap3A_162 = vector.shape_cast %scan3A_118#7 : vector<16xf32> to vector<1x16xf32>
      tpu.vector_store %arg14[%swap3A_158, %swap3A_159], %swap3A_162 {strides = array<i32>} : memref<128x128xf32, #tpu.memory_space<vmem>>, vector<1x16xf32>,
      %get3A_163 = arith.constant 50 : i32
      %get3A_164 = arith.index_cast %get3A_163 : i32 to index
      %get3A_165 = arith.constant 0 : index
      %get3A_166 = tpu.vector_load %arg6[%get3A_164, %get3A_165] {strides = array<i32>} : memref<100x128xf32, #tpu.memory_space<vmem>>, vector<1x16xf32>,
      %get3A_167 = vector.shape_cast %get3A_166 : vector<1x16xf32> to vector<16xf32>
      %get3A_168 = arith.constant 50 : i32
      %get3A_169 = arith.index_cast %get3A_168 : i32 to index
      %get3A_170 = arith.constant 16 : index
      %get3A_171 = tpu.vector_load %arg6[%get3A_169, %get3A_170] {strides = array<i32>} : memref<100x128xf32, #tpu.memory_space<vmem>>, vector<1x16xf32>,
      %get3A_172 = vector.shape_cast %get3A_171 : vector<1x16xf32> to vector<16xf32>
      %get3A_173 = arith.constant 50 : i32
      %get3A_174 = arith.index_cast %get3A_173 : i32 to index
      %get3A_175 = arith.constant 32 : index
      %get3A_176 = tpu.vector_load %arg6[%get3A_174, %get3A_175] {strides = array<i32>} : memref<100x128xf32, #tpu.memory_space<vmem>>, vector<1x16xf32>,
      %get3A_177 = vector.shape_cast %get3A_176 : vector<1x16xf32> to vector<16xf32>
      %get3A_178 = arith.constant 50 : i32
      %get3A_179 = arith.index_cast %get3A_178 : i32 to index
      %get3A_180 = arith.constant 48 : index
      %get3A_181 = tpu.vector_load %arg6[%get3A_179, %get3A_180] {strides = array<i32>} : memref<100x128xf32, #tpu.memory_space<vmem>>, vector<1x16xf32>,
      %get3A_182 = vector.shape_cast %get3A_181 : vector<1x16xf32> to vector<16xf32>
      %get3A_183 = arith.constant 50 : i32
      %get3A_184 = arith.index_cast %get3A_183 : i32 to index
      %get3A_185 = arith.constant 64 : index
      %get3A_186 = tpu.vector_load %arg6[%get3A_184, %get3A_185] {strides = array<i32>} : memref<100x128xf32, #tpu.memory_space<vmem>>, vector<1x16xf32>,
      %get3A_187 = vector.shape_cast %get3A_186 : vector<1x16xf32> to vector<16xf32>
      %get3A_188 = arith.constant 50 : i32
      %get3A_189 = arith.index_cast %get3A_188 : i32 to index
      %get3A_190 = arith.constant 80 : index
      %get3A_191 = tpu.vector_load %arg6[%get3A_189, %get3A_190] {strides = array<i32>} : memref<100x128xf32, #tpu.memory_space<vmem>>, vector<1x16xf32>,
      %get3A_192 = vector.shape_cast %get3A_191 : vector<1x16xf32> to vector<16xf32>
      %get3A_193 = arith.constant 50 : i32
      %get3A_194 = arith.index_cast %get3A_193 : i32 to index
      %get3A_195 = arith.constant 96 : index
      %get3A_196 = tpu.vector_load %arg6[%get3A_194, %get3A_195] {strides = array<i32>} : memref<100x128xf32, #tpu.memory_space<vmem>>, vector<1x16xf32>,
      %get3A_197 = vector.shape_cast %get3A_196 : vector<1x16xf32> to vector<16xf32>
      %get3A_198 = arith.constant 50 : i32
      %get3A_199 = arith.index_cast %get3A_198 : i32 to index
      %get3A_200 = arith.constant 112 : index
      %get3A_201 = tpu.vector_load %arg6[%get3A_199, %get3A_200] {strides = array<i32>} : memref<100x128xf32, #tpu.memory_space<vmem>>, vector<1x16xf32>,
      %get3A_202 = vector.shape_cast %get3A_201 : vector<1x16xf32> to vector<16xf32>
      %scan3A_203 = arith.constant 51 : i32
      %scan3A_204 = arith.constant 49 : i32
      %scan3A_205 = arith.addi %scan3A_203, %scan3A_204 : i32
      %scan3A_206 = arith.constant 1 : i32
      %scan3A_207:8 = scf.for %scan3A_1653 = %scan3A_203 to %scan3A_205 step %scan3A_206 iter_args(%scan3A_1654 = %get3A_167, %scan3A_1655 = %get3A_172, %scan3A_1656 = %get3A_177, %scan3A_1657 = %get3A_182, %scan3A_1658 = %get3A_187, %scan3A_1659 = %get3A_192, %scan3A_1660 = %get3A_197, %scan3A_1661 = %get3A_202) -> (vector<16xf32>, vector<16xf32>, vector<16xf32>, vector<16xf32>, vector<16xf32>, vector<16xf32>, vector<16xf32>, vector<16xf32>)  : i32 {
        %get3A_1662 = arith.index_cast %scan3A_1653 : i32 to index
        %get3A_1663 = arith.constant 0 : index
        %get3A_1664 = tpu.vector_load %arg6[%get3A_1662, %get3A_1663] {strides = array<i32>} : memref<100x128xf32, #tpu.memory_space<vmem>>, vector<1x16xf32>,
        %get3A_1665 = vector.shape_cast %get3A_1664 : vector<1x16xf32> to vector<16xf32>
        %add3A_1666 = arith.addf %scan3A_1654, %get3A_1665 : vector<16xf32>
        %get3A_1667 = arith.index_cast %scan3A_1653 : i32 to index
        %get3A_1668 = arith.constant 16 : index
        %get3A_1669 = tpu.vector_load %arg6[%get3A_1667, %get3A_1668] {strides = array<i32>} : memref<100x128xf32, #tpu.memory_space<vmem>>, vector<1x16xf32>,
        %get3A_1670 = vector.shape_cast %get3A_1669 : vector<1x16xf32> to vector<16xf32>
        %add3A_1671 = arith.addf %scan3A_1655, %get3A_1670 : vector<16xf32>
        %get3A_1672 = arith.index_cast %scan3A_1653 : i32 to index
        %get3A_1673 = arith.constant 32 : index
        %get3A_1674 = tpu.vector_load %arg6[%get3A_1672, %get3A_1673] {strides = array<i32>} : memref<100x128xf32, #tpu.memory_space<vmem>>, vector<1x16xf32>,
        %get3A_1675 = vector.shape_cast %get3A_1674 : vector<1x16xf32> to vector<16xf32>
        %add3A_1676 = arith.addf %scan3A_1656, %get3A_1675 : vector<16xf32>
        %get3A_1677 = arith.index_cast %scan3A_1653 : i32 to index
        %get3A_1678 = arith.constant 48 : index
        %get3A_1679 = tpu.vector_load %arg6[%get3A_1677, %get3A_1678] {strides = array<i32>} : memref<100x128xf32, #tpu.memory_space<vmem>>, vector<1x16xf32>,
        %get3A_1680 = vector.shape_cast %get3A_1679 : vector<1x16xf32> to vector<16xf32>
        %add3A_1681 = arith.addf %scan3A_1657, %get3A_1680 : vector<16xf32>
        %get3A_1682 = arith.index_cast %scan3A_1653 : i32 to index
        %get3A_1683 = arith.constant 64 : index
        %get3A_1684 = tpu.vector_load %arg6[%get3A_1682, %get3A_1683] {strides = array<i32>} : memref<100x128xf32, #tpu.memory_space<vmem>>, vector<1x16xf32>,
        %get3A_1685 = vector.shape_cast %get3A_1684 : vector<1x16xf32> to vector<16xf32>
        %add3A_1686 = arith.addf %scan3A_1658, %get3A_1685 : vector<16xf32>
        %get3A_1687 = arith.index_cast %scan3A_1653 : i32 to index
        %get3A_1688 = arith.constant 80 : index
        %get3A_1689 = tpu.vector_load %arg6[%get3A_1687, %get3A_1688] {strides = array<i32>} : memref<100x128xf32, #tpu.memory_space<vmem>>, vector<1x16xf32>,
        %get3A_1690 = vector.shape_cast %get3A_1689 : vector<1x16xf32> to vector<16xf32>
        %add3A_1691 = arith.addf %scan3A_1659, %get3A_1690 : vector<16xf32>
        %get3A_1692 = arith.index_cast %scan3A_1653 : i32 to index
        %get3A_1693 = arith.constant 96 : index
        %get3A_1694 = tpu.vector_load %arg6[%get3A_1692, %get3A_1693] {strides = array<i32>} : memref<100x128xf32, #tpu.memory_space<vmem>>, vector<1x16xf32>,
        %get3A_1695 = vector.shape_cast %get3A_1694 : vector<1x16xf32> to vector<16xf32>
        %add3A_1696 = arith.addf %scan3A_1660, %get3A_1695 : vector<16xf32>
        %get3A_1697 = arith.index_cast %scan3A_1653 : i32 to index
        %get3A_1698 = arith.constant 112 : index
        %get3A_1699 = tpu.vector_load %arg6[%get3A_1697, %get3A_1698] {strides = array<i32>} : memref<100x128xf32, #tpu.memory_space<vmem>>, vector<1x16xf32>,
        %get3A_1700 = vector.shape_cast %get3A_1699 : vector<1x16xf32> to vector<16xf32>
        %add3A_1701 = arith.addf %scan3A_1661, %get3A_1700 : vector<16xf32>
        scf.yield %add3A_1666, %add3A_1671, %add3A_1676, %add3A_1681, %add3A_1686, %add3A_1691, %add3A_1696, %add3A_1701 : vector<16xf32>, vector<16xf32>, vector<16xf32>, vector<16xf32>, vector<16xf32>, vector<16xf32>, vector<16xf32>, vector<16xf32>
      }
      %scan3A_208 = arith.constant 49 : i32
      %mul3A_209 = arith.constant 2 : i32
      %mul3A_210 = arith.muli %add3A_74, %mul3A_209 : i32
      %add3A_211 = arith.constant 1 : i32
      %add3A_212 = arith.addi %mul3A_210, %add3A_211 : i32
      %swap3A_213 = arith.index_cast %add3A_212 : i32 to index
      %swap3A_214 = arith.constant 0 : index
      %swap3A_215 = tpu.vector_load %arg14[%swap3A_213, %swap3A_214] {strides = array<i32>} : memref<128x128xf32, #tpu.memory_space<vmem>>, vector<1x16xf32>,
      %swap3A_216 = vector.shape_cast %swap3A_215 : vector<1x16xf32> to vector<16xf32>
      %swap3A_217 = vector.shape_cast %scan3A_207#0 : vector<16xf32> to vector<1x16xf32>
      tpu.vector_store %arg14[%swap3A_213, %swap3A_214], %swap3A_217 {strides = array<i32>} : memref<128x128xf32, #tpu.memory_space<vmem>>, vector<1x16xf32>,
      %swap3A_218 = arith.index_cast %add3A_212 : i32 to index
      %swap3A_219 = arith.constant 16 : index
      %swap3A_220 = tpu.vector_load %arg14[%swap3A_218, %swap3A_219] {strides = array<i32>} : memref<128x128xf32, #tpu.memory_space<vmem>>, vector<1x16xf32>,
      %swap3A_221 = vector.shape_cast %swap3A_220 : vector<1x16xf32> to vector<16xf32>
      %swap3A_222 = vector.shape_cast %scan3A_207#1 : vector<16xf32> to vector<1x16xf32>
      tpu.vector_store %arg14[%swap3A_218, %swap3A_219], %swap3A_222 {strides = array<i32>} : memref<128x128xf32, #tpu.memory_space<vmem>>, vector<1x16xf32>,
      %swap3A_223 = arith.index_cast %add3A_212 : i32 to index
      %swap3A_224 = arith.constant 32 : index
      %swap3A_225 = tpu.vector_load %arg14[%swap3A_223, %swap3A_224] {strides = array<i32>} : memref<128x128xf32, #tpu.memory_space<vmem>>, vector<1x16xf32>,
      %swap3A_226 = vector.shape_cast %swap3A_225 : vector<1x16xf32> to vector<16xf32>
      %swap3A_227 = vector.shape_cast %scan3A_207#2 : vector<16xf32> to vector<1x16xf32>
      tpu.vector_store %arg14[%swap3A_223, %swap3A_224], %swap3A_227 {strides = array<i32>} : memref<128x128xf32, #tpu.memory_space<vmem>>, vector<1x16xf32>,
      %swap3A_228 = arith.index_cast %add3A_212 : i32 to index
      %swap3A_229 = arith.constant 48 : index
      %swap3A_230 = tpu.vector_load %arg14[%swap3A_228, %swap3A_229] {strides = array<i32>} : memref<128x128xf32, #tpu.memory_space<vmem>>, vector<1x16xf32>,
      %swap3A_231 = vector.shape_cast %swap3A_230 : vector<1x16xf32> to vector<16xf32>
      %swap3A_232 = vector.shape_cast %scan3A_207#3 : vector<16xf32> to vector<1x16xf32>
      tpu.vector_store %arg14[%swap3A_228, %swap3A_229], %swap3A_232 {strides = array<i32>} : memref<128x128xf32, #tpu.memory_space<vmem>>, vector<1x16xf32>,
      %swap3A_233 = arith.index_cast %add3A_212 : i32 to index
      %swap3A_234 = arith.constant 64 : index
      %swap3A_235 = tpu.vector_load %arg14[%swap3A_233, %swap3A_234] {strides = array<i32>} : memref<128x128xf32, #tpu.memory_space<vmem>>, vector<1x16xf32>,
      %swap3A_236 = vector.shape_cast %swap3A_235 : vector<1x16xf32> to vector<16xf32>
      %swap3A_237 = vector.shape_cast %scan3A_207#4 : vector<16xf32> to vector<1x16xf32>
      tpu.vector_store %arg14[%swap3A_233, %swap3A_234], %swap3A_237 {strides = array<i32>} : memref<128x128xf32, #tpu.memory_space<vmem>>, vector<1x16xf32>,
      %swap3A_238 = arith.index_cast %add3A_212 : i32 to index
      %swap3A_239 = arith.constant 80 : index
      %swap3A_240 = tpu.vector_load %arg14[%swap3A_238, %swap3A_239] {strides = array<i32>} : memref<128x128xf32, #tpu.memory_space<vmem>>, vector<1x16xf32>,
      %swap3A_241 = vector.shape_cast %swap3A_240 : vector<1x16xf32> to vector<16xf32>
      %swap3A_242 = vector.shape_cast %scan3A_207#5 : vector<16xf32> to vector<1x16xf32>
      tpu.vector_store %arg14[%swap3A_238, %swap3A_239], %swap3A_242 {strides = array<i32>} : memref<128x128xf32, #tpu.memory_space<vmem>>, vector<1x16xf32>,
      %swap3A_243 = arith.index_cast %add3A_212 : i32 to index
      %swap3A_244 = arith.constant 96 : index
      %swap3A_245 = tpu.vector_load %arg14[%swap3A_243, %swap3A_244] {strides = array<i32>} : memref<128x128xf32, #tpu.memory_space<vmem>>, vector<1x16xf32>,
      %swap3A_246 = vector.shape_cast %swap3A_245 : vector<1x16xf32> to vector<16xf32>
      %swap3A_247 = vector.shape_cast %scan3A_207#6 : vector<16xf32> to vector<1x16xf32>
      tpu.vector_store %arg14[%swap3A_243, %swap3A_244], %swap3A_247 {strides = array<i32>} : memref<128x128xf32, #tpu.memory_space<vmem>>, vector<1x16xf32>,
      %swap3A_248 = arith.index_cast %add3A_212 : i32 to index
      %swap3A_249 = arith.constant 112 : index
      %swap3A_250 = tpu.vector_load %arg14[%swap3A_248, %swap3A_249] {strides = array<i32>} : memref<128x128xf32, #tpu.memory_space<vmem>>, vector<1x16xf32>,
      %swap3A_251 = vector.shape_cast %swap3A_250 : vector<1x16xf32> to vector<16xf32>
      %swap3A_252 = vector.shape_cast %scan3A_207#7 : vector<16xf32> to vector<1x16xf32>
      tpu.vector_store %arg14[%swap3A_248, %swap3A_249], %swap3A_252 {strides = array<i32>} : memref<128x128xf32, #tpu.memory_space<vmem>>, vector<1x16xf32>,
      %add3A_253 = arith.constant 1 : i32
      %add3A_254 = arith.addi %add3A_59, %add3A_253 : i32
      %add3A_255 = arith.constant 8 : i32
      %add3A_256 = arith.addi %add3A_254, %add3A_255 : i32
      %sub3A_257 = arith.constant 1 : i32
      %sub3A_258 = arith.subi %add3A_256, %sub3A_257 : i32
      %lt3A_259 = arith.constant 64 : i32
      %lt3A_260 = arith.cmpi slt, %sub3A_258, %lt3A_259 : i32
      %convert_element_type3A_261 = arith.extui %lt3A_260 : i1 to i32
      %cond3A_262 = arith.constant 0 : i32
      %cond3A_263 = arith.cmpi ne, %convert_element_type3A_261, %cond3A_262 : i32
      scf.if %cond3A_263 {
        %dma_start3A_1653 = arith.constant 0 : i32
        %dma_start3A_1654 = tpu.memref_slice %arg5[%sub3A_258, %dma_start3A_1653] : memref<64x100xi32, #tpu.memory_space<vmem>> -> memref<1x100xi32, #tpu.memory_space<vmem>>
        %dma_start3A_1655 = tpu.memref_squeeze %dma_start3A_1654 : memref<1x100xi32, #tpu.memory_space<vmem>> -> memref<100xi32, #tpu.memory_space<vmem>>
        %dma_start3A_1656 = arith.constant 0 : i32
        %dma_start3A_1657 = arith.constant 0 : i32
        %dma_start3A_1658 = tpu.memref_slice %arg2[%dma_start3A_1656, %dma_start3A_1657] : memref<200000x128xf32, #tpu.memory_space<hbm>> -> memref<200000x128xf32, #tpu.memory_space<hbm>>
        tpu.enqueue_indirect_dma source(%dma_start3A_1658 : memref<200000x128xf32, #tpu.memory_space<hbm>>) target(%arg6 : memref<100x128xf32, #tpu.memory_space<vmem>>) offsets(%dma_start3A_1655 : memref<100xi32, #tpu.memory_space<vmem>>) semaphore(%arg15 : memref<!tpu.dma_semaphore, #tpu.memory_space<semaphore_mem>>)
      } else {
      }
      %dma_wait3A_264 = arith.constant 0 : i32
      %dma_wait3A_265 = arith.constant 0 : i32
      %dma_wait3A_266 = tpu.memref_slice %arg5[%dma_wait3A_264, %dma_wait3A_265] : memref<64x100xi32, #tpu.memory_space<vmem>> -> memref<1x100xi32, #tpu.memory_space<vmem>>
      %dma_wait3A_267 = tpu.memref_squeeze %dma_wait3A_266 : memref<1x100xi32, #tpu.memory_space<vmem>> -> memref<100xi32, #tpu.memory_space<vmem>>
      %dma_wait3A_268 = arith.constant 0 : i32
      %dma_wait3A_269 = arith.constant 0 : i32
      %dma_wait3A_270 = tpu.memref_slice %arg2[%dma_wait3A_268, %dma_wait3A_269] : memref<200000x128xf32, #tpu.memory_space<hbm>> -> memref<200000x128xf32, #tpu.memory_space<hbm>>
      tpu.wait_indirect_dma semaphore(%arg16 : memref<!tpu.dma_semaphore, #tpu.memory_space<semaphore_mem>>) src(%dma_wait3A_270 : memref<200000x128xf32, #tpu.memory_space<hbm>>) dst(%arg7 : memref<100x128xf32, #tpu.memory_space<vmem>>)
      %add3A_271 = arith.constant 1 : i32
      %add3A_272 = arith.addi %add3A_59, %add3A_271 : i32
      %get3A_273 = arith.constant 0 : i32
      %get3A_274 = arith.index_cast %get3A_273 : i32 to index
      %get3A_275 = arith.constant 0 : index
      %get3A_276 = tpu.vector_load %arg7[%get3A_274, %get3A_275] {strides = array<i32>} : memref<100x128xf32, #tpu.memory_space<vmem>>, vector<1x16xf32>,
      %get3A_277 = vector.shape_cast %get3A_276 : vector<1x16xf32> to vector<16xf32>
      %get3A_278 = arith.constant 0 : i32
      %get3A_279 = arith.index_cast %get3A_278 : i32 to index
      %get3A_280 = arith.constant 16 : index
      %get3A_281 = tpu.vector_load %arg7[%get3A_279, %get3A_280] {strides = array<i32>} : memref<100x128xf32, #tpu.memory_space<vmem>>, vector<1x16xf32>,
      %get3A_282 = vector.shape_cast %get3A_281 : vector<1x16xf32> to vector<16xf32>
      %get3A_283 = arith.constant 0 : i32
      %get3A_284 = arith.index_cast %get3A_283 : i32 to index
      %get3A_285 = arith.constant 32 : index
      %get3A_286 = tpu.vector_load %arg7[%get3A_284, %get3A_285] {strides = array<i32>} : memref<100x128xf32, #tpu.memory_space<vmem>>, vector<1x16xf32>,
      %get3A_287 = vector.shape_cast %get3A_286 : vector<1x16xf32> to vector<16xf32>
      %get3A_288 = arith.constant 0 : i32
      %get3A_289 = arith.index_cast %get3A_288 : i32 to index
      %get3A_290 = arith.constant 48 : index
      %get3A_291 = tpu.vector_load %arg7[%get3A_289, %get3A_290] {strides = array<i32>} : memref<100x128xf32, #tpu.memory_space<vmem>>, vector<1x16xf32>,
      %get3A_292 = vector.shape_cast %get3A_291 : vector<1x16xf32> to vector<16xf32>
      %get3A_293 = arith.constant 0 : i32
      %get3A_294 = arith.index_cast %get3A_293 : i32 to index
      %get3A_295 = arith.constant 64 : index
      %get3A_296 = tpu.vector_load %arg7[%get3A_294, %get3A_295] {strides = array<i32>} : memref<100x128xf32, #tpu.memory_space<vmem>>, vector<1x16xf32>,
      %get3A_297 = vector.shape_cast %get3A_296 : vector<1x16xf32> to vector<16xf32>
      %get3A_298 = arith.constant 0 : i32
      %get3A_299 = arith.index_cast %get3A_298 : i32 to index
      %get3A_300 = arith.constant 80 : index
      %get3A_301 = tpu.vector_load %arg7[%get3A_299, %get3A_300] {strides = array<i32>} : memref<100x128xf32, #tpu.memory_space<vmem>>, vector<1x16xf32>,
      %get3A_302 = vector.shape_cast %get3A_301 : vector<1x16xf32> to vector<16xf32>
      %get3A_303 = arith.constant 0 : i32
      %get3A_304 = arith.index_cast %get3A_303 : i32 to index
      %get3A_305 = arith.constant 96 : index
      %get3A_306 = tpu.vector_load %arg7[%get3A_304, %get3A_305] {strides = array<i32>} : memref<100x128xf32, #tpu.memory_space<vmem>>, vector<1x16xf32>,
      %get3A_307 = vector.shape_cast %get3A_306 : vector<1x16xf32> to vector<16xf32>
      %get3A_308 = arith.constant 0 : i32
      %get3A_309 = arith.index_cast %get3A_308 : i32 to index
      %get3A_310 = arith.constant 112 : index
      %get3A_311 = tpu.vector_load %arg7[%get3A_309, %get3A_310] {strides = array<i32>} : memref<100x128xf32, #tpu.memory_space<vmem>>, vector<1x16xf32>,
      %get3A_312 = vector.shape_cast %get3A_311 : vector<1x16xf32> to vector<16xf32>
      %scan3A_313 = arith.constant 1 : i32
      %scan3A_314 = arith.constant 49 : i32
      %scan3A_315 = arith.addi %scan3A_313, %scan3A_314 : i32
      %scan3A_316 = arith.constant 1 : i32
      %scan3A_317:8 = scf.for %scan3A_1653 = %scan3A_313 to %scan3A_315 step %scan3A_316 iter_args(%scan3A_1654 = %get3A_277, %scan3A_1655 = %get3A_282, %scan3A_1656 = %get3A_287, %scan3A_1657 = %get3A_292, %scan3A_1658 = %get3A_297, %scan3A_1659 = %get3A_302, %scan3A_1660 = %get3A_307, %scan3A_1661 = %get3A_312) -> (vector<16xf32>, vector<16xf32>, vector<16xf32>, vector<16xf32>, vector<16xf32>, vector<16xf32>, vector<16xf32>, vector<16xf32>)  : i32 {
        %get3A_1662 = arith.index_cast %scan3A_1653 : i32 to index
        %get3A_1663 = arith.constant 0 : index
        %get3A_1664 = tpu.vector_load %arg7[%get3A_1662, %get3A_1663] {strides = array<i32>} : memref<100x128xf32, #tpu.memory_space<vmem>>, vector<1x16xf32>,
        %get3A_1665 = vector.shape_cast %get3A_1664 : vector<1x16xf32> to vector<16xf32>
        %add3A_1666 = arith.addf %scan3A_1654, %get3A_1665 : vector<16xf32>
        %get3A_1667 = arith.index_cast %scan3A_1653 : i32 to index
        %get3A_1668 = arith.constant 16 : index
        %get3A_1669 = tpu.vector_load %arg7[%get3A_1667, %get3A_1668] {strides = array<i32>} : memref<100x128xf32, #tpu.memory_space<vmem>>, vector<1x16xf32>,
        %get3A_1670 = vector.shape_cast %get3A_1669 : vector<1x16xf32> to vector<16xf32>
        %add3A_1671 = arith.addf %scan3A_1655, %get3A_1670 : vector<16xf32>
        %get3A_1672 = arith.index_cast %scan3A_1653 : i32 to index
        %get3A_1673 = arith.constant 32 : index
        %get3A_1674 = tpu.vector_load %arg7[%get3A_1672, %get3A_1673] {strides = array<i32>} : memref<100x128xf32, #tpu.memory_space<vmem>>, vector<1x16xf32>,
        %get3A_1675 = vector.shape_cast %get3A_1674 : vector<1x16xf32> to vector<16xf32>
        %add3A_1676 = arith.addf %scan3A_1656, %get3A_1675 : vector<16xf32>
        %get3A_1677 = arith.index_cast %scan3A_1653 : i32 to index
        %get3A_1678 = arith.constant 48 : index
        %get3A_1679 = tpu.vector_load %arg7[%get3A_1677, %get3A_1678] {strides = array<i32>} : memref<100x128xf32, #tpu.memory_space<vmem>>, vector<1x16xf32>,
        %get3A_1680 = vector.shape_cast %get3A_1679 : vector<1x16xf32> to vector<16xf32>
        %add3A_1681 = arith.addf %scan3A_1657, %get3A_1680 : vector<16xf32>
        %get3A_1682 = arith.index_cast %scan3A_1653 : i32 to index
        %get3A_1683 = arith.constant 64 : index
        %get3A_1684 = tpu.vector_load %arg7[%get3A_1682, %get3A_1683] {strides = array<i32>} : memref<100x128xf32, #tpu.memory_space<vmem>>, vector<1x16xf32>,
        %get3A_1685 = vector.shape_cast %get3A_1684 : vector<1x16xf32> to vector<16xf32>
        %add3A_1686 = arith.addf %scan3A_1658, %get3A_1685 : vector<16xf32>
        %get3A_1687 = arith.index_cast %scan3A_1653 : i32 to index
        %get3A_1688 = arith.constant 80 : index
        %get3A_1689 = tpu.vector_load %arg7[%get3A_1687, %get3A_1688] {strides = array<i32>} : memref<100x128xf32, #tpu.memory_space<vmem>>, vector<1x16xf32>,
        %get3A_1690 = vector.shape_cast %get3A_1689 : vector<1x16xf32> to vector<16xf32>
        %add3A_1691 = arith.addf %scan3A_1659, %get3A_1690 : vector<16xf32>
        %get3A_1692 = arith.index_cast %scan3A_1653 : i32 to index
        %get3A_1693 = arith.constant 96 : index
        %get3A_1694 = tpu.vector_load %arg7[%get3A_1692, %get3A_1693] {strides = array<i32>} : memref<100x128xf32, #tpu.memory_space<vmem>>, vector<1x16xf32>,
        %get3A_1695 = vector.shape_cast %get3A_1694 : vector<1x16xf32> to vector<16xf32>
        %add3A_1696 = arith.addf %scan3A_1660, %get3A_1695 : vector<16xf32>
        %get3A_1697 = arith.index_cast %scan3A_1653 : i32 to index
        %get3A_1698 = arith.constant 112 : index
        %get3A_1699 = tpu.vector_load %arg7[%get3A_1697, %get3A_1698] {strides = array<i32>} : memref<100x128xf32, #tpu.memory_space<vmem>>, vector<1x16xf32>,
        %get3A_1700 = vector.shape_cast %get3A_1699 : vector<1x16xf32> to vector<16xf32>
        %add3A_1701 = arith.addf %scan3A_1661, %get3A_1700 : vector<16xf32>
        scf.yield %add3A_1666, %add3A_1671, %add3A_1676, %add3A_1681, %add3A_1686, %add3A_1691, %add3A_1696, %add3A_1701 : vector<16xf32>, vector<16xf32>, vector<16xf32>, vector<16xf32>, vector<16xf32>, vector<16xf32>, vector<16xf32>, vector<16xf32>
      }
      %scan3A_318 = arith.constant 49 : i32
      %mul3A_319 = arith.constant 2 : i32
      %mul3A_320 = arith.muli %add3A_272, %mul3A_319 : i32
      %add3A_321 = arith.constant 0 : i32
      %add3A_322 = arith.addi %mul3A_320, %add3A_321 : i32
      %swap3A_323 = arith.index_cast %add3A_322 : i32 to index
      %swap3A_324 = arith.constant 0 : index
      %swap3A_325 = tpu.vector_load %arg14[%swap3A_323, %swap3A_324] {strides = array<i32>} : memref<128x128xf32, #tpu.memory_space<vmem>>, vector<1x16xf32>,
      %swap3A_326 = vector.shape_cast %swap3A_325 : vector<1x16xf32> to vector<16xf32>
      %swap3A_327 = vector.shape_cast %scan3A_317#0 : vector<16xf32> to vector<1x16xf32>
      tpu.vector_store %arg14[%swap3A_323, %swap3A_324], %swap3A_327 {strides = array<i32>} : memref<128x128xf32, #tpu.memory_space<vmem>>, vector<1x16xf32>,
      %swap3A_328 = arith.index_cast %add3A_322 : i32 to index
      %swap3A_329 = arith.constant 16 : index
      %swap3A_330 = tpu.vector_load %arg14[%swap3A_328, %swap3A_329] {strides = array<i32>} : memref<128x128xf32, #tpu.memory_space<vmem>>, vector<1x16xf32>,
      %swap3A_331 = vector.shape_cast %swap3A_330 : vector<1x16xf32> to vector<16xf32>
      %swap3A_332 = vector.shape_cast %scan3A_317#1 : vector<16xf32> to vector<1x16xf32>
      tpu.vector_store %arg14[%swap3A_328, %swap3A_329], %swap3A_332 {strides = array<i32>} : memref<128x128xf32, #tpu.memory_space<vmem>>, vector<1x16xf32>,
      %swap3A_333 = arith.index_cast %add3A_322 : i32 to index
      %swap3A_334 = arith.constant 32 : index
      %swap3A_335 = tpu.vector_load %arg14[%swap3A_333, %swap3A_334] {strides = array<i32>} : memref<128x128xf32, #tpu.memory_space<vmem>>, vector<1x16xf32>,
      %swap3A_336 = vector.shape_cast %swap3A_335 : vector<1x16xf32> to vector<16xf32>
      %swap3A_337 = vector.shape_cast %scan3A_317#2 : vector<16xf32> to vector<1x16xf32>
      tpu.vector_store %arg14[%swap3A_333, %swap3A_334], %swap3A_337 {strides = array<i32>} : memref<128x128xf32, #tpu.memory_space<vmem>>, vector<1x16xf32>,
      %swap3A_338 = arith.index_cast %add3A_322 : i32 to index
      %swap3A_339 = arith.constant 48 : index
      %swap3A_340 = tpu.vector_load %arg14[%swap3A_338, %swap3A_339] {strides = array<i32>} : memref<128x128xf32, #tpu.memory_space<vmem>>, vector<1x16xf32>,
      %swap3A_341 = vector.shape_cast %swap3A_340 : vector<1x16xf32> to vector<16xf32>
      %swap3A_342 = vector.shape_cast %scan3A_317#3 : vector<16xf32> to vector<1x16xf32>
      tpu.vector_store %arg14[%swap3A_338, %swap3A_339], %swap3A_342 {strides = array<i32>} : memref<128x128xf32, #tpu.memory_space<vmem>>, vector<1x16xf32>,
      %swap3A_343 = arith.index_cast %add3A_322 : i32 to index
      %swap3A_344 = arith.constant 64 : index
      %swap3A_345 = tpu.vector_load %arg14[%swap3A_343, %swap3A_344] {strides = array<i32>} : memref<128x128xf32, #tpu.memory_space<vmem>>, vector<1x16xf32>,
      %swap3A_346 = vector.shape_cast %swap3A_345 : vector<1x16xf32> to vector<16xf32>
      %swap3A_347 = vector.shape_cast %scan3A_317#4 : vector<16xf32> to vector<1x16xf32>
      tpu.vector_store %arg14[%swap3A_343, %swap3A_344], %swap3A_347 {strides = array<i32>} : memref<128x128xf32, #tpu.memory_space<vmem>>, vector<1x16xf32>,
      %swap3A_348 = arith.index_cast %add3A_322 : i32 to index
      %swap3A_349 = arith.constant 80 : index
      %swap3A_350 = tpu.vector_load %arg14[%swap3A_348, %swap3A_349] {strides = array<i32>} : memref<128x128xf32, #tpu.memory_space<vmem>>, vector<1x16xf32>,
      %swap3A_351 = vector.shape_cast %swap3A_350 : vector<1x16xf32> to vector<16xf32>
      %swap3A_352 = vector.shape_cast %scan3A_317#5 : vector<16xf32> to vector<1x16xf32>
      tpu.vector_store %arg14[%swap3A_348, %swap3A_349], %swap3A_352 {strides = array<i32>} : memref<128x128xf32, #tpu.memory_space<vmem>>, vector<1x16xf32>,
      %swap3A_353 = arith.index_cast %add3A_322 : i32 to index
      %swap3A_354 = arith.constant 96 : index
      %swap3A_355 = tpu.vector_load %arg14[%swap3A_353, %swap3A_354] {strides = array<i32>} : memref<128x128xf32, #tpu.memory_space<vmem>>, vector<1x16xf32>,
      %swap3A_356 = vector.shape_cast %swap3A_355 : vector<1x16xf32> to vector<16xf32>
      %swap3A_357 = vector.shape_cast %scan3A_317#6 : vector<16xf32> to vector<1x16xf32>
      tpu.vector_store %arg14[%swap3A_353, %swap3A_354], %swap3A_357 {strides = array<i32>} : memref<128x128xf32, #tpu.memory_space<vmem>>, vector<1x16xf32>,
      %swap3A_358 = arith.index_cast %add3A_322 : i32 to index
      %swap3A_359 = arith.constant 112 : index
      %swap3A_360 = tpu.vector_load %arg14[%swap3A_358, %swap3A_359] {strides = array<i32>} : memref<128x128xf32, #tpu.memory_space<vmem>>, vector<1x16xf32>,
      %swap3A_361 = vector.shape_cast %swap3A_360 : vector<1x16xf32> to vector<16xf32>
      %swap3A_362 = vector.shape_cast %scan3A_317#7 : vector<16xf32> to vector<1x16xf32>
      tpu.vector_store %arg14[%swap3A_358, %swap3A_359], %swap3A_362 {strides = array<i32>} : memref<128x128xf32, #tpu.memory_space<vmem>>, vector<1x16xf32>,
      %get3A_363 = arith.constant 50 : i32
      %get3A_364 = arith.index_cast %get3A_363 : i32 to index
      %get3A_365 = arith.constant 0 : index
      %get3A_366 = tpu.vector_load %arg7[%get3A_364, %get3A_365] {strides = array<i32>} : memref<100x128xf32, #tpu.memory_space<vmem>>, vector<1x16xf32>,
      %get3A_367 = vector.shape_cast %get3A_366 : vector<1x16xf32> to vector<16xf32>
      %get3A_368 = arith.constant 50 : i32
      %get3A_369 = arith.index_cast %get3A_368 : i32 to index
      %get3A_370 = arith.constant 16 : index
      %get3A_371 = tpu.vector_load %arg7[%get3A_369, %get3A_370] {strides = array<i32>} : memref<100x128xf32, #tpu.memory_space<vmem>>, vector<1x16xf32>,
      %get3A_372 = vector.shape_cast %get3A_371 : vector<1x16xf32> to vector<16xf32>
      %get3A_373 = arith.constant 50 : i32
      %get3A_374 = arith.index_cast %get3A_373 : i32 to index
      %get3A_375 = arith.constant 32 : index
      %get3A_376 = tpu.vector_load %arg7[%get3A_374, %get3A_375] {strides = array<i32>} : memref<100x128xf32, #tpu.memory_space<vmem>>, vector<1x16xf32>,
      %get3A_377 = vector.shape_cast %get3A_376 : vector<1x16xf32> to vector<16xf32>
      %get3A_378 = arith.constant 50 : i32
      %get3A_379 = arith.index_cast %get3A_378 : i32 to index
      %get3A_380 = arith.constant 48 : index
      %get3A_381 = tpu.vector_load %arg7[%get3A_379, %get3A_380] {strides = array<i32>} : memref<100x128xf32, #tpu.memory_space<vmem>>, vector<1x16xf32>,
      %get3A_382 = vector.shape_cast %get3A_381 : vector<1x16xf32> to vector<16xf32>
      %get3A_383 = arith.constant 50 : i32
      %get3A_384 = arith.index_cast %get3A_383 : i32 to index
      %get3A_385 = arith.constant 64 : index
      %get3A_386 = tpu.vector_load %arg7[%get3A_384, %get3A_385] {strides = array<i32>} : memref<100x128xf32, #tpu.memory_space<vmem>>, vector<1x16xf32>,
      %get3A_387 = vector.shape_cast %get3A_386 : vector<1x16xf32> to vector<16xf32>
      %get3A_388 = arith.constant 50 : i32
      %get3A_389 = arith.index_cast %get3A_388 : i32 to index
      %get3A_390 = arith.constant 80 : index
      %get3A_391 = tpu.vector_load %arg7[%get3A_389, %get3A_390] {strides = array<i32>} : memref<100x128xf32, #tpu.memory_space<vmem>>, vector<1x16xf32>,
      %get3A_392 = vector.shape_cast %get3A_391 : vector<1x16xf32> to vector<16xf32>
      %get3A_393 = arith.constant 50 : i32
      %get3A_394 = arith.index_cast %get3A_393 : i32 to index
      %get3A_395 = arith.constant 96 : index
      %get3A_396 = tpu.vector_load %arg7[%get3A_394, %get3A_395] {strides = array<i32>} : memref<100x128xf32, #tpu.memory_space<vmem>>, vector<1x16xf32>,
      %get3A_397 = vector.shape_cast %get3A_396 : vector<1x16xf32> to vector<16xf32>
      %get3A_398 = arith.constant 50 : i32
      %get3A_399 = arith.index_cast %get3A_398 : i32 to index
      %get3A_400 = arith.constant 112 : index
      %get3A_401 = tpu.vector_load %arg7[%get3A_399, %get3A_400] {strides = array<i32>} : memref<100x128xf32, #tpu.memory_space<vmem>>, vector<1x16xf32>,
      %get3A_402 = vector.shape_cast %get3A_401 : vector<1x16xf32> to vector<16xf32>
      %scan3A_403 = arith.constant 51 : i32
      %scan3A_404 = arith.constant 49 : i32
      %scan3A_405 = arith.addi %scan3A_403, %scan3A_404 : i32
      %scan3A_406 = arith.constant 1 : i32
      %scan3A_407:8 = scf.for %scan3A_1653 = %scan3A_403 to %scan3A_405 step %scan3A_406 iter_args(%scan3A_1654 = %get3A_367, %scan3A_1655 = %get3A_372, %scan3A_1656 = %get3A_377, %scan3A_1657 = %get3A_382, %scan3A_1658 = %get3A_387, %scan3A_1659 = %get3A_392, %scan3A_1660 = %get3A_397, %scan3A_1661 = %get3A_402) -> (vector<16xf32>, vector<16xf32>, vector<16xf32>, vector<16xf32>, vector<16xf32>, vector<16xf32>, vector<16xf32>, vector<16xf32>)  : i32 {
        %get3A_1662 = arith.index_cast %scan3A_1653 : i32 to index
        %get3A_1663 = arith.constant 0 : index
        %get3A_1664 = tpu.vector_load %arg7[%get3A_1662, %get3A_1663] {strides = array<i32>} : memref<100x128xf32, #tpu.memory_space<vmem>>, vector<1x16xf32>,
        %get3A_1665 = vector.shape_cast %get3A_1664 : vector<1x16xf32> to vector<16xf32>
        %add3A_1666 = arith.addf %scan3A_1654, %get3A_1665 : vector<16xf32>
        %get3A_1667 = arith.index_cast %scan3A_1653 : i32 to index
        %get3A_1668 = arith.constant 16 : index
        %get3A_1669 = tpu.vector_load %arg7[%get3A_1667, %get3A_1668] {strides = array<i32>} : memref<100x128xf32, #tpu.memory_space<vmem>>, vector<1x16xf32>,
        %get3A_1670 = vector.shape_cast %get3A_1669 : vector<1x16xf32> to vector<16xf32>
        %add3A_1671 = arith.addf %scan3A_1655, %get3A_1670 : vector<16xf32>
        %get3A_1672 = arith.index_cast %scan3A_1653 : i32 to index
        %get3A_1673 = arith.constant 32 : index
        %get3A_1674 = tpu.vector_load %arg7[%get3A_1672, %get3A_1673] {strides = array<i32>} : memref<100x128xf32, #tpu.memory_space<vmem>>, vector<1x16xf32>,
        %get3A_1675 = vector.shape_cast %get3A_1674 : vector<1x16xf32> to vector<16xf32>
        %add3A_1676 = arith.addf %scan3A_1656, %get3A_1675 : vector<16xf32>
        %get3A_1677 = arith.index_cast %scan3A_1653 : i32 to index
        %get3A_1678 = arith.constant 48 : index
        %get3A_1679 = tpu.vector_load %arg7[%get3A_1677, %get3A_1678] {strides = array<i32>} : memref<100x128xf32, #tpu.memory_space<vmem>>, vector<1x16xf32>,
        %get3A_1680 = vector.shape_cast %get3A_1679 : vector<1x16xf32> to vector<16xf32>
        %add3A_1681 = arith.addf %scan3A_1657, %get3A_1680 : vector<16xf32>
        %get3A_1682 = arith.index_cast %scan3A_1653 : i32 to index
        %get3A_1683 = arith.constant 64 : index
        %get3A_1684 = tpu.vector_load %arg7[%get3A_1682, %get3A_1683] {strides = array<i32>} : memref<100x128xf32, #tpu.memory_space<vmem>>, vector<1x16xf32>,
        %get3A_1685 = vector.shape_cast %get3A_1684 : vector<1x16xf32> to vector<16xf32>
        %add3A_1686 = arith.addf %scan3A_1658, %get3A_1685 : vector<16xf32>
        %get3A_1687 = arith.index_cast %scan3A_1653 : i32 to index
        %get3A_1688 = arith.constant 80 : index
        %get3A_1689 = tpu.vector_load %arg7[%get3A_1687, %get3A_1688] {strides = array<i32>} : memref<100x128xf32, #tpu.memory_space<vmem>>, vector<1x16xf32>,
        %get3A_1690 = vector.shape_cast %get3A_1689 : vector<1x16xf32> to vector<16xf32>
        %add3A_1691 = arith.addf %scan3A_1659, %get3A_1690 : vector<16xf32>
        %get3A_1692 = arith.index_cast %scan3A_1653 : i32 to index
        %get3A_1693 = arith.constant 96 : index
        %get3A_1694 = tpu.vector_load %arg7[%get3A_1692, %get3A_1693] {strides = array<i32>} : memref<100x128xf32, #tpu.memory_space<vmem>>, vector<1x16xf32>,
        %get3A_1695 = vector.shape_cast %get3A_1694 : vector<1x16xf32> to vector<16xf32>
        %add3A_1696 = arith.addf %scan3A_1660, %get3A_1695 : vector<16xf32>
        %get3A_1697 = arith.index_cast %scan3A_1653 : i32 to index
        %get3A_1698 = arith.constant 112 : index
        %get3A_1699 = tpu.vector_load %arg7[%get3A_1697, %get3A_1698] {strides = array<i32>} : memref<100x128xf32, #tpu.memory_space<vmem>>, vector<1x16xf32>,
        %get3A_1700 = vector.shape_cast %get3A_1699 : vector<1x16xf32> to vector<16xf32>
        %add3A_1701 = arith.addf %scan3A_1661, %get3A_1700 : vector<16xf32>
        scf.yield %add3A_1666, %add3A_1671, %add3A_1676, %add3A_1681, %add3A_1686, %add3A_1691, %add3A_1696, %add3A_1701 : vector<16xf32>, vector<16xf32>, vector<16xf32>, vector<16xf32>, vector<16xf32>, vector<16xf32>, vector<16xf32>, vector<16xf32>
      }
      %scan3A_408 = arith.constant 49 : i32
      %mul3A_409 = arith.constant 2 : i32
      %mul3A_410 = arith.muli %add3A_272, %mul3A_409 : i32
      %add3A_411 = arith.constant 1 : i32
      %add3A_412 = arith.addi %mul3A_410, %add3A_411 : i32
      %swap3A_413 = arith.index_cast %add3A_412 : i32 to index
      %swap3A_414 = arith.constant 0 : index
      %swap3A_415 = tpu.vector_load %arg14[%swap3A_413, %swap3A_414] {strides = array<i32>} : memref<128x128xf32, #tpu.memory_space<vmem>>, vector<1x16xf32>,
      %swap3A_416 = vector.shape_cast %swap3A_415 : vector<1x16xf32> to vector<16xf32>
      %swap3A_417 = vector.shape_cast %scan3A_407#0 : vector<16xf32> to vector<1x16xf32>
      tpu.vector_store %arg14[%swap3A_413, %swap3A_414], %swap3A_417 {strides = array<i32>} : memref<128x128xf32, #tpu.memory_space<vmem>>, vector<1x16xf32>,
      %swap3A_418 = arith.index_cast %add3A_412 : i32 to index
      %swap3A_419 = arith.constant 16 : index
      %swap3A_420 = tpu.vector_load %arg14[%swap3A_418, %swap3A_419] {strides = array<i32>} : memref<128x128xf32, #tpu.memory_space<vmem>>, vector<1x16xf32>,
      %swap3A_421 = vector.shape_cast %swap3A_420 : vector<1x16xf32> to vector<16xf32>
      %swap3A_422 = vector.shape_cast %scan3A_407#1 : vector<16xf32> to vector<1x16xf32>
      tpu.vector_store %arg14[%swap3A_418, %swap3A_419], %swap3A_422 {strides = array<i32>} : memref<128x128xf32, #tpu.memory_space<vmem>>, vector<1x16xf32>,
      %swap3A_423 = arith.index_cast %add3A_412 : i32 to index
      %swap3A_424 = arith.constant 32 : index
      %swap3A_425 = tpu.vector_load %arg14[%swap3A_423, %swap3A_424] {strides = array<i32>} : memref<128x128xf32, #tpu.memory_space<vmem>>, vector<1x16xf32>,
      %swap3A_426 = vector.shape_cast %swap3A_425 : vector<1x16xf32> to vector<16xf32>
      %swap3A_427 = vector.shape_cast %scan3A_407#2 : vector<16xf32> to vector<1x16xf32>
      tpu.vector_store %arg14[%swap3A_423, %swap3A_424], %swap3A_427 {strides = array<i32>} : memref<128x128xf32, #tpu.memory_space<vmem>>, vector<1x16xf32>,
      %swap3A_428 = arith.index_cast %add3A_412 : i32 to index
      %swap3A_429 = arith.constant 48 : index
      %swap3A_430 = tpu.vector_load %arg14[%swap3A_428, %swap3A_429] {strides = array<i32>} : memref<128x128xf32, #tpu.memory_space<vmem>>, vector<1x16xf32>,
      %swap3A_431 = vector.shape_cast %swap3A_430 : vector<1x16xf32> to vector<16xf32>
      %swap3A_432 = vector.shape_cast %scan3A_407#3 : vector<16xf32> to vector<1x16xf32>
      tpu.vector_store %arg14[%swap3A_428, %swap3A_429], %swap3A_432 {strides = array<i32>} : memref<128x128xf32, #tpu.memory_space<vmem>>, vector<1x16xf32>,
      %swap3A_433 = arith.index_cast %add3A_412 : i32 to index
      %swap3A_434 = arith.constant 64 : index
      %swap3A_435 = tpu.vector_load %arg14[%swap3A_433, %swap3A_434] {strides = array<i32>} : memref<128x128xf32, #tpu.memory_space<vmem>>, vector<1x16xf32>,
      %swap3A_436 = vector.shape_cast %swap3A_435 : vector<1x16xf32> to vector<16xf32>
      %swap3A_437 = vector.shape_cast %scan3A_407#4 : vector<16xf32> to vector<1x16xf32>
      tpu.vector_store %arg14[%swap3A_433, %swap3A_434], %swap3A_437 {strides = array<i32>} : memref<128x128xf32, #tpu.memory_space<vmem>>, vector<1x16xf32>,
      %swap3A_438 = arith.index_cast %add3A_412 : i32 to index
      %swap3A_439 = arith.constant 80 : index
      %swap3A_440 = tpu.vector_load %arg14[%swap3A_438, %swap3A_439] {strides = array<i32>} : memref<128x128xf32, #tpu.memory_space<vmem>>, vector<1x16xf32>,
      %swap3A_441 = vector.shape_cast %swap3A_440 : vector<1x16xf32> to vector<16xf32>
      %swap3A_442 = vector.shape_cast %scan3A_407#5 : vector<16xf32> to vector<1x16xf32>
      tpu.vector_store %arg14[%swap3A_438, %swap3A_439], %swap3A_442 {strides = array<i32>} : memref<128x128xf32, #tpu.memory_space<vmem>>, vector<1x16xf32>,
      %swap3A_443 = arith.index_cast %add3A_412 : i32 to index
      %swap3A_444 = arith.constant 96 : index
      %swap3A_445 = tpu.vector_load %arg14[%swap3A_443, %swap3A_444] {strides = array<i32>} : memref<128x128xf32, #tpu.memory_space<vmem>>, vector<1x16xf32>,
      %swap3A_446 = vector.shape_cast %swap3A_445 : vector<1x16xf32> to vector<16xf32>
      %swap3A_447 = vector.shape_cast %scan3A_407#6 : vector<16xf32> to vector<1x16xf32>
      tpu.vector_store %arg14[%swap3A_443, %swap3A_444], %swap3A_447 {strides = array<i32>} : memref<128x128xf32, #tpu.memory_space<vmem>>, vector<1x16xf32>,
      %swap3A_448 = arith.index_cast %add3A_412 : i32 to index
      %swap3A_449 = arith.constant 112 : index
      %swap3A_450 = tpu.vector_load %arg14[%swap3A_448, %swap3A_449] {strides = array<i32>} : memref<128x128xf32, #tpu.memory_space<vmem>>, vector<1x16xf32>,
      %swap3A_451 = vector.shape_cast %swap3A_450 : vector<1x16xf32> to vector<16xf32>
      %swap3A_452 = vector.shape_cast %scan3A_407#7 : vector<16xf32> to vector<1x16xf32>
      tpu.vector_store %arg14[%swap3A_448, %swap3A_449], %swap3A_452 {strides = array<i32>} : memref<128x128xf32, #tpu.memory_space<vmem>>, vector<1x16xf32>,
      %add3A_453 = arith.constant 2 : i32
      %add3A_454 = arith.addi %add3A_59, %add3A_453 : i32
      %add3A_455 = arith.constant 8 : i32
      %add3A_456 = arith.addi %add3A_454, %add3A_455 : i32
      %sub3A_457 = arith.constant 1 : i32
      %sub3A_458 = arith.subi %add3A_456, %sub3A_457 : i32
      %lt3A_459 = arith.constant 64 : i32
      %lt3A_460 = arith.cmpi slt, %sub3A_458, %lt3A_459 : i32
      %convert_element_type3A_461 = arith.extui %lt3A_460 : i1 to i32
      %cond3A_462 = arith.constant 0 : i32
      %cond3A_463 = arith.cmpi ne, %convert_element_type3A_461, %cond3A_462 : i32
      scf.if %cond3A_463 {
        %dma_start3A_1653 = arith.constant 0 : i32
        %dma_start3A_1654 = tpu.memref_slice %arg5[%sub3A_458, %dma_start3A_1653] : memref<64x100xi32, #tpu.memory_space<vmem>> -> memref<1x100xi32, #tpu.memory_space<vmem>>
        %dma_start3A_1655 = tpu.memref_squeeze %dma_start3A_1654 : memref<1x100xi32, #tpu.memory_space<vmem>> -> memref<100xi32, #tpu.memory_space<vmem>>
        %dma_start3A_1656 = arith.constant 0 : i32
        %dma_start3A_1657 = arith.constant 0 : i32
        %dma_start3A_1658 = tpu.memref_slice %arg2[%dma_start3A_1656, %dma_start3A_1657] : memref<200000x128xf32, #tpu.memory_space<hbm>> -> memref<200000x128xf32, #tpu.memory_space<hbm>>
        tpu.enqueue_indirect_dma source(%dma_start3A_1658 : memref<200000x128xf32, #tpu.memory_space<hbm>>) target(%arg7 : memref<100x128xf32, #tpu.memory_space<vmem>>) offsets(%dma_start3A_1655 : memref<100xi32, #tpu.memory_space<vmem>>) semaphore(%arg16 : memref<!tpu.dma_semaphore, #tpu.memory_space<semaphore_mem>>)
      } else {
      }
      %dma_wait3A_464 = arith.constant 0 : i32
      %dma_wait3A_465 = arith.constant 0 : i32
      %dma_wait3A_466 = tpu.memref_slice %arg5[%dma_wait3A_464, %dma_wait3A_465] : memref<64x100xi32, #tpu.memory_space<vmem>> -> memref<1x100xi32, #tpu.memory_space<vmem>>
      %dma_wait3A_467 = tpu.memref_squeeze %dma_wait3A_466 : memref<1x100xi32, #tpu.memory_space<vmem>> -> memref<100xi32, #tpu.memory_space<vmem>>
      %dma_wait3A_468 = arith.constant 0 : i32
      %dma_wait3A_469 = arith.constant 0 : i32
      %dma_wait3A_470 = tpu.memref_slice %arg2[%dma_wait3A_468, %dma_wait3A_469] : memref<200000x128xf32, #tpu.memory_space<hbm>> -> memref<200000x128xf32, #tpu.memory_space<hbm>>
      tpu.wait_indirect_dma semaphore(%arg17 : memref<!tpu.dma_semaphore, #tpu.memory_space<semaphore_mem>>) src(%dma_wait3A_470 : memref<200000x128xf32, #tpu.memory_space<hbm>>) dst(%arg8 : memref<100x128xf32, #tpu.memory_space<vmem>>)
      %add3A_471 = arith.constant 2 : i32
      %add3A_472 = arith.addi %add3A_59, %add3A_471 : i32
      %get3A_473 = arith.constant 0 : i32
      %get3A_474 = arith.index_cast %get3A_473 : i32 to index
      %get3A_475 = arith.constant 0 : index
      %get3A_476 = tpu.vector_load %arg8[%get3A_474, %get3A_475] {strides = array<i32>} : memref<100x128xf32, #tpu.memory_space<vmem>>, vector<1x16xf32>,
      %get3A_477 = vector.shape_cast %get3A_476 : vector<1x16xf32> to vector<16xf32>
      %get3A_478 = arith.constant 0 : i32
      %get3A_479 = arith.index_cast %get3A_478 : i32 to index
      %get3A_480 = arith.constant 16 : index
      %get3A_481 = tpu.vector_load %arg8[%get3A_479, %get3A_480] {strides = array<i32>} : memref<100x128xf32, #tpu.memory_space<vmem>>, vector<1x16xf32>,
      %get3A_482 = vector.shape_cast %get3A_481 : vector<1x16xf32> to vector<16xf32>
      %get3A_483 = arith.constant 0 : i32
      %get3A_484 = arith.index_cast %get3A_483 : i32 to index
      %get3A_485 = arith.constant 32 : index
      %get3A_486 = tpu.vector_load %arg8[%get3A_484, %get3A_485] {strides = array<i32>} : memref<100x128xf32, #tpu.memory_space<vmem>>, vector<1x16xf32>,
      %get3A_487 = vector.shape_cast %get3A_486 : vector<1x16xf32> to vector<16xf32>
      %get3A_488 = arith.constant 0 : i32
      %get3A_489 = arith.index_cast %get3A_488 : i32 to index
      %get3A_490 = arith.constant 48 : index
      %get3A_491 = tpu.vector_load %arg8[%get3A_489, %get3A_490] {strides = array<i32>} : memref<100x128xf32, #tpu.memory_space<vmem>>, vector<1x16xf32>,
      %get3A_492 = vector.shape_cast %get3A_491 : vector<1x16xf32> to vector<16xf32>
      %get3A_493 = arith.constant 0 : i32
      %get3A_494 = arith.index_cast %get3A_493 : i32 to index
      %get3A_495 = arith.constant 64 : index
      %get3A_496 = tpu.vector_load %arg8[%get3A_494, %get3A_495] {strides = array<i32>} : memref<100x128xf32, #tpu.memory_space<vmem>>, vector<1x16xf32>,
      %get3A_497 = vector.shape_cast %get3A_496 : vector<1x16xf32> to vector<16xf32>
      %get3A_498 = arith.constant 0 : i32
      %get3A_499 = arith.index_cast %get3A_498 : i32 to index
      %get3A_500 = arith.constant 80 : index
      %get3A_501 = tpu.vector_load %arg8[%get3A_499, %get3A_500] {strides = array<i32>} : memref<100x128xf32, #tpu.memory_space<vmem>>, vector<1x16xf32>,
      %get3A_502 = vector.shape_cast %get3A_501 : vector<1x16xf32> to vector<16xf32>
      %get3A_503 = arith.constant 0 : i32
      %get3A_504 = arith.index_cast %get3A_503 : i32 to index
      %get3A_505 = arith.constant 96 : index
      %get3A_506 = tpu.vector_load %arg8[%get3A_504, %get3A_505] {strides = array<i32>} : memref<100x128xf32, #tpu.memory_space<vmem>>, vector<1x16xf32>,
      %get3A_507 = vector.shape_cast %get3A_506 : vector<1x16xf32> to vector<16xf32>
      %get3A_508 = arith.constant 0 : i32
      %get3A_509 = arith.index_cast %get3A_508 : i32 to index
      %get3A_510 = arith.constant 112 : index
      %get3A_511 = tpu.vector_load %arg8[%get3A_509, %get3A_510] {strides = array<i32>} : memref<100x128xf32, #tpu.memory_space<vmem>>, vector<1x16xf32>,
      %get3A_512 = vector.shape_cast %get3A_511 : vector<1x16xf32> to vector<16xf32>
      %scan3A_513 = arith.constant 1 : i32
      %scan3A_514 = arith.constant 49 : i32
      %scan3A_515 = arith.addi %scan3A_513, %scan3A_514 : i32
      %scan3A_516 = arith.constant 1 : i32
      %scan3A_517:8 = scf.for %scan3A_1653 = %scan3A_513 to %scan3A_515 step %scan3A_516 iter_args(%scan3A_1654 = %get3A_477, %scan3A_1655 = %get3A_482, %scan3A_1656 = %get3A_487, %scan3A_1657 = %get3A_492, %scan3A_1658 = %get3A_497, %scan3A_1659 = %get3A_502, %scan3A_1660 = %get3A_507, %scan3A_1661 = %get3A_512) -> (vector<16xf32>, vector<16xf32>, vector<16xf32>, vector<16xf32>, vector<16xf32>, vector<16xf32>, vector<16xf32>, vector<16xf32>)  : i32 {
        %get3A_1662 = arith.index_cast %scan3A_1653 : i32 to index
        %get3A_1663 = arith.constant 0 : index
        %get3A_1664 = tpu.vector_load %arg8[%get3A_1662, %get3A_1663] {strides = array<i32>} : memref<100x128xf32, #tpu.memory_space<vmem>>, vector<1x16xf32>,
        %get3A_1665 = vector.shape_cast %get3A_1664 : vector<1x16xf32> to vector<16xf32>
        %add3A_1666 = arith.addf %scan3A_1654, %get3A_1665 : vector<16xf32>
        %get3A_1667 = arith.index_cast %scan3A_1653 : i32 to index
        %get3A_1668 = arith.constant 16 : index
        %get3A_1669 = tpu.vector_load %arg8[%get3A_1667, %get3A_1668] {strides = array<i32>} : memref<100x128xf32, #tpu.memory_space<vmem>>, vector<1x16xf32>,
        %get3A_1670 = vector.shape_cast %get3A_1669 : vector<1x16xf32> to vector<16xf32>
        %add3A_1671 = arith.addf %scan3A_1655, %get3A_1670 : vector<16xf32>
        %get3A_1672 = arith.index_cast %scan3A_1653 : i32 to index
        %get3A_1673 = arith.constant 32 : index
        %get3A_1674 = tpu.vector_load %arg8[%get3A_1672, %get3A_1673] {strides = array<i32>} : memref<100x128xf32, #tpu.memory_space<vmem>>, vector<1x16xf32>,
        %get3A_1675 = vector.shape_cast %get3A_1674 : vector<1x16xf32> to vector<16xf32>
        %add3A_1676 = arith.addf %scan3A_1656, %get3A_1675 : vector<16xf32>
        %get3A_1677 = arith.index_cast %scan3A_1653 : i32 to index
        %get3A_1678 = arith.constant 48 : index
        %get3A_1679 = tpu.vector_load %arg8[%get3A_1677, %get3A_1678] {strides = array<i32>} : memref<100x128xf32, #tpu.memory_space<vmem>>, vector<1x16xf32>,
        %get3A_1680 = vector.shape_cast %get3A_1679 : vector<1x16xf32> to vector<16xf32>
        %add3A_1681 = arith.addf %scan3A_1657, %get3A_1680 : vector<16xf32>
        %get3A_1682 = arith.index_cast %scan3A_1653 : i32 to index
        %get3A_1683 = arith.constant 64 : index
        %get3A_1684 = tpu.vector_load %arg8[%get3A_1682, %get3A_1683] {strides = array<i32>} : memref<100x128xf32, #tpu.memory_space<vmem>>, vector<1x16xf32>,
        %get3A_1685 = vector.shape_cast %get3A_1684 : vector<1x16xf32> to vector<16xf32>
        %add3A_1686 = arith.addf %scan3A_1658, %get3A_1685 : vector<16xf32>
        %get3A_1687 = arith.index_cast %scan3A_1653 : i32 to index
        %get3A_1688 = arith.constant 80 : index
        %get3A_1689 = tpu.vector_load %arg8[%get3A_1687, %get3A_1688] {strides = array<i32>} : memref<100x128xf32, #tpu.memory_space<vmem>>, vector<1x16xf32>,
        %get3A_1690 = vector.shape_cast %get3A_1689 : vector<1x16xf32> to vector<16xf32>
        %add3A_1691 = arith.addf %scan3A_1659, %get3A_1690 : vector<16xf32>
        %get3A_1692 = arith.index_cast %scan3A_1653 : i32 to index
        %get3A_1693 = arith.constant 96 : index
        %get3A_1694 = tpu.vector_load %arg8[%get3A_1692, %get3A_1693] {strides = array<i32>} : memref<100x128xf32, #tpu.memory_space<vmem>>, vector<1x16xf32>,
        %get3A_1695 = vector.shape_cast %get3A_1694 : vector<1x16xf32> to vector<16xf32>
        %add3A_1696 = arith.addf %scan3A_1660, %get3A_1695 : vector<16xf32>
        %get3A_1697 = arith.index_cast %scan3A_1653 : i32 to index
        %get3A_1698 = arith.constant 112 : index
        %get3A_1699 = tpu.vector_load %arg8[%get3A_1697, %get3A_1698] {strides = array<i32>} : memref<100x128xf32, #tpu.memory_space<vmem>>, vector<1x16xf32>,
        %get3A_1700 = vector.shape_cast %get3A_1699 : vector<1x16xf32> to vector<16xf32>
        %add3A_1701 = arith.addf %scan3A_1661, %get3A_1700 : vector<16xf32>
        scf.yield %add3A_1666, %add3A_1671, %add3A_1676, %add3A_1681, %add3A_1686, %add3A_1691, %add3A_1696, %add3A_1701 : vector<16xf32>, vector<16xf32>, vector<16xf32>, vector<16xf32>, vector<16xf32>, vector<16xf32>, vector<16xf32>, vector<16xf32>
      }
      %scan3A_518 = arith.constant 49 : i32
      %mul3A_519 = arith.constant 2 : i32
      %mul3A_520 = arith.muli %add3A_472, %mul3A_519 : i32
      %add3A_521 = arith.constant 0 : i32
      %add3A_522 = arith.addi %mul3A_520, %add3A_521 : i32
      %swap3A_523 = arith.index_cast %add3A_522 : i32 to index
      %swap3A_524 = arith.constant 0 : index
      %swap3A_525 = tpu.vector_load %arg14[%swap3A_523, %swap3A_524] {strides = array<i32>} : memref<128x128xf32, #tpu.memory_space<vmem>>, vector<1x16xf32>,
      %swap3A_526 = vector.shape_cast %swap3A_525 : vector<1x16xf32> to vector<16xf32>
      %swap3A_527 = vector.shape_cast %scan3A_517#0 : vector<16xf32> to vector<1x16xf32>
      tpu.vector_store %arg14[%swap3A_523, %swap3A_524], %swap3A_527 {strides = array<i32>} : memref<128x128xf32, #tpu.memory_space<vmem>>, vector<1x16xf32>,
      %swap3A_528 = arith.index_cast %add3A_522 : i32 to index
      %swap3A_529 = arith.constant 16 : index
      %swap3A_530 = tpu.vector_load %arg14[%swap3A_528, %swap3A_529] {strides = array<i32>} : memref<128x128xf32, #tpu.memory_space<vmem>>, vector<1x16xf32>,
      %swap3A_531 = vector.shape_cast %swap3A_530 : vector<1x16xf32> to vector<16xf32>
      %swap3A_532 = vector.shape_cast %scan3A_517#1 : vector<16xf32> to vector<1x16xf32>
      tpu.vector_store %arg14[%swap3A_528, %swap3A_529], %swap3A_532 {strides = array<i32>} : memref<128x128xf32, #tpu.memory_space<vmem>>, vector<1x16xf32>,
      %swap3A_533 = arith.index_cast %add3A_522 : i32 to index
      %swap3A_534 = arith.constant 32 : index
      %swap3A_535 = tpu.vector_load %arg14[%swap3A_533, %swap3A_534] {strides = array<i32>} : memref<128x128xf32, #tpu.memory_space<vmem>>, vector<1x16xf32>,
      %swap3A_536 = vector.shape_cast %swap3A_535 : vector<1x16xf32> to vector<16xf32>
      %swap3A_537 = vector.shape_cast %scan3A_517#2 : vector<16xf32> to vector<1x16xf32>
      tpu.vector_store %arg14[%swap3A_533, %swap3A_534], %swap3A_537 {strides = array<i32>} : memref<128x128xf32, #tpu.memory_space<vmem>>, vector<1x16xf32>,
      %swap3A_538 = arith.index_cast %add3A_522 : i32 to index
      %swap3A_539 = arith.constant 48 : index
      %swap3A_540 = tpu.vector_load %arg14[%swap3A_538, %swap3A_539] {strides = array<i32>} : memref<128x128xf32, #tpu.memory_space<vmem>>, vector<1x16xf32>,
      %swap3A_541 = vector.shape_cast %swap3A_540 : vector<1x16xf32> to vector<16xf32>
      %swap3A_542 = vector.shape_cast %scan3A_517#3 : vector<16xf32> to vector<1x16xf32>
      tpu.vector_store %arg14[%swap3A_538, %swap3A_539], %swap3A_542 {strides = array<i32>} : memref<128x128xf32, #tpu.memory_space<vmem>>, vector<1x16xf32>,
      %swap3A_543 = arith.index_cast %add3A_522 : i32 to index
      %swap3A_544 = arith.constant 64 : index
      %swap3A_545 = tpu.vector_load %arg14[%swap3A_543, %swap3A_544] {strides = array<i32>} : memref<128x128xf32, #tpu.memory_space<vmem>>, vector<1x16xf32>,
      %swap3A_546 = vector.shape_cast %swap3A_545 : vector<1x16xf32> to vector<16xf32>
      %swap3A_547 = vector.shape_cast %scan3A_517#4 : vector<16xf32> to vector<1x16xf32>
      tpu.vector_store %arg14[%swap3A_543, %swap3A_544], %swap3A_547 {strides = array<i32>} : memref<128x128xf32, #tpu.memory_space<vmem>>, vector<1x16xf32>,
      %swap3A_548 = arith.index_cast %add3A_522 : i32 to index
      %swap3A_549 = arith.constant 80 : index
      %swap3A_550 = tpu.vector_load %arg14[%swap3A_548, %swap3A_549] {strides = array<i32>} : memref<128x128xf32, #tpu.memory_space<vmem>>, vector<1x16xf32>,
      %swap3A_551 = vector.shape_cast %swap3A_550 : vector<1x16xf32> to vector<16xf32>
      %swap3A_552 = vector.shape_cast %scan3A_517#5 : vector<16xf32> to vector<1x16xf32>
      tpu.vector_store %arg14[%swap3A_548, %swap3A_549], %swap3A_552 {strides = array<i32>} : memref<128x128xf32, #tpu.memory_space<vmem>>, vector<1x16xf32>,
      %swap3A_553 = arith.index_cast %add3A_522 : i32 to index
      %swap3A_554 = arith.constant 96 : index
      %swap3A_555 = tpu.vector_load %arg14[%swap3A_553, %swap3A_554] {strides = array<i32>} : memref<128x128xf32, #tpu.memory_space<vmem>>, vector<1x16xf32>,
      %swap3A_556 = vector.shape_cast %swap3A_555 : vector<1x16xf32> to vector<16xf32>
      %swap3A_557 = vector.shape_cast %scan3A_517#6 : vector<16xf32> to vector<1x16xf32>
      tpu.vector_store %arg14[%swap3A_553, %swap3A_554], %swap3A_557 {strides = array<i32>} : memref<128x128xf32, #tpu.memory_space<vmem>>, vector<1x16xf32>,
      %swap3A_558 = arith.index_cast %add3A_522 : i32 to index
      %swap3A_559 = arith.constant 112 : index
      %swap3A_560 = tpu.vector_load %arg14[%swap3A_558, %swap3A_559] {strides = array<i32>} : memref<128x128xf32, #tpu.memory_space<vmem>>, vector<1x16xf32>,
      %swap3A_561 = vector.shape_cast %swap3A_560 : vector<1x16xf32> to vector<16xf32>
      %swap3A_562 = vector.shape_cast %scan3A_517#7 : vector<16xf32> to vector<1x16xf32>
      tpu.vector_store %arg14[%swap3A_558, %swap3A_559], %swap3A_562 {strides = array<i32>} : memref<128x128xf32, #tpu.memory_space<vmem>>, vector<1x16xf32>,
      %get3A_563 = arith.constant 50 : i32
      %get3A_564 = arith.index_cast %get3A_563 : i32 to index
      %get3A_565 = arith.constant 0 : index
      %get3A_566 = tpu.vector_load %arg8[%get3A_564, %get3A_565] {strides = array<i32>} : memref<100x128xf32, #tpu.memory_space<vmem>>, vector<1x16xf32>,
      %get3A_567 = vector.shape_cast %get3A_566 : vector<1x16xf32> to vector<16xf32>
      %get3A_568 = arith.constant 50 : i32
      %get3A_569 = arith.index_cast %get3A_568 : i32 to index
      %get3A_570 = arith.constant 16 : index
      %get3A_571 = tpu.vector_load %arg8[%get3A_569, %get3A_570] {strides = array<i32>} : memref<100x128xf32, #tpu.memory_space<vmem>>, vector<1x16xf32>,
      %get3A_572 = vector.shape_cast %get3A_571 : vector<1x16xf32> to vector<16xf32>
      %get3A_573 = arith.constant 50 : i32
      %get3A_574 = arith.index_cast %get3A_573 : i32 to index
      %get3A_575 = arith.constant 32 : index
      %get3A_576 = tpu.vector_load %arg8[%get3A_574, %get3A_575] {strides = array<i32>} : memref<100x128xf32, #tpu.memory_space<vmem>>, vector<1x16xf32>,
      %get3A_577 = vector.shape_cast %get3A_576 : vector<1x16xf32> to vector<16xf32>
      %get3A_578 = arith.constant 50 : i32
      %get3A_579 = arith.index_cast %get3A_578 : i32 to index
      %get3A_580 = arith.constant 48 : index
      %get3A_581 = tpu.vector_load %arg8[%get3A_579, %get3A_580] {strides = array<i32>} : memref<100x128xf32, #tpu.memory_space<vmem>>, vector<1x16xf32>,
      %get3A_582 = vector.shape_cast %get3A_581 : vector<1x16xf32> to vector<16xf32>
      %get3A_583 = arith.constant 50 : i32
      %get3A_584 = arith.index_cast %get3A_583 : i32 to index
      %get3A_585 = arith.constant 64 : index
      %get3A_586 = tpu.vector_load %arg8[%get3A_584, %get3A_585] {strides = array<i32>} : memref<100x128xf32, #tpu.memory_space<vmem>>, vector<1x16xf32>,
      %get3A_587 = vector.shape_cast %get3A_586 : vector<1x16xf32> to vector<16xf32>
      %get3A_588 = arith.constant 50 : i32
      %get3A_589 = arith.index_cast %get3A_588 : i32 to index
      %get3A_590 = arith.constant 80 : index
      %get3A_591 = tpu.vector_load %arg8[%get3A_589, %get3A_590] {strides = array<i32>} : memref<100x128xf32, #tpu.memory_space<vmem>>, vector<1x16xf32>,
      %get3A_592 = vector.shape_cast %get3A_591 : vector<1x16xf32> to vector<16xf32>
      %get3A_593 = arith.constant 50 : i32
      %get3A_594 = arith.index_cast %get3A_593 : i32 to index
      %get3A_595 = arith.constant 96 : index
      %get3A_596 = tpu.vector_load %arg8[%get3A_594, %get3A_595] {strides = array<i32>} : memref<100x128xf32, #tpu.memory_space<vmem>>, vector<1x16xf32>,
      %get3A_597 = vector.shape_cast %get3A_596 : vector<1x16xf32> to vector<16xf32>
      %get3A_598 = arith.constant 50 : i32
      %get3A_599 = arith.index_cast %get3A_598 : i32 to index
      %get3A_600 = arith.constant 112 : index
      %get3A_601 = tpu.vector_load %arg8[%get3A_599, %get3A_600] {strides = array<i32>} : memref<100x128xf32, #tpu.memory_space<vmem>>, vector<1x16xf32>,
      %get3A_602 = vector.shape_cast %get3A_601 : vector<1x16xf32> to vector<16xf32>
      %scan3A_603 = arith.constant 51 : i32
      %scan3A_604 = arith.constant 49 : i32
      %scan3A_605 = arith.addi %scan3A_603, %scan3A_604 : i32
      %scan3A_606 = arith.constant 1 : i32
      %scan3A_607:8 = scf.for %scan3A_1653 = %scan3A_603 to %scan3A_605 step %scan3A_606 iter_args(%scan3A_1654 = %get3A_567, %scan3A_1655 = %get3A_572, %scan3A_1656 = %get3A_577, %scan3A_1657 = %get3A_582, %scan3A_1658 = %get3A_587, %scan3A_1659 = %get3A_592, %scan3A_1660 = %get3A_597, %scan3A_1661 = %get3A_602) -> (vector<16xf32>, vector<16xf32>, vector<16xf32>, vector<16xf32>, vector<16xf32>, vector<16xf32>, vector<16xf32>, vector<16xf32>)  : i32 {
        %get3A_1662 = arith.index_cast %scan3A_1653 : i32 to index
        %get3A_1663 = arith.constant 0 : index
        %get3A_1664 = tpu.vector_load %arg8[%get3A_1662, %get3A_1663] {strides = array<i32>} : memref<100x128xf32, #tpu.memory_space<vmem>>, vector<1x16xf32>,
        %get3A_1665 = vector.shape_cast %get3A_1664 : vector<1x16xf32> to vector<16xf32>
        %add3A_1666 = arith.addf %scan3A_1654, %get3A_1665 : vector<16xf32>
        %get3A_1667 = arith.index_cast %scan3A_1653 : i32 to index
        %get3A_1668 = arith.constant 16 : index
        %get3A_1669 = tpu.vector_load %arg8[%get3A_1667, %get3A_1668] {strides = array<i32>} : memref<100x128xf32, #tpu.memory_space<vmem>>, vector<1x16xf32>,
        %get3A_1670 = vector.shape_cast %get3A_1669 : vector<1x16xf32> to vector<16xf32>
        %add3A_1671 = arith.addf %scan3A_1655, %get3A_1670 : vector<16xf32>
        %get3A_1672 = arith.index_cast %scan3A_1653 : i32 to index
        %get3A_1673 = arith.constant 32 : index
        %get3A_1674 = tpu.vector_load %arg8[%get3A_1672, %get3A_1673] {strides = array<i32>} : memref<100x128xf32, #tpu.memory_space<vmem>>, vector<1x16xf32>,
        %get3A_1675 = vector.shape_cast %get3A_1674 : vector<1x16xf32> to vector<16xf32>
        %add3A_1676 = arith.addf %scan3A_1656, %get3A_1675 : vector<16xf32>
        %get3A_1677 = arith.index_cast %scan3A_1653 : i32 to index
        %get3A_1678 = arith.constant 48 : index
        %get3A_1679 = tpu.vector_load %arg8[%get3A_1677, %get3A_1678] {strides = array<i32>} : memref<100x128xf32, #tpu.memory_space<vmem>>, vector<1x16xf32>,
        %get3A_1680 = vector.shape_cast %get3A_1679 : vector<1x16xf32> to vector<16xf32>
        %add3A_1681 = arith.addf %scan3A_1657, %get3A_1680 : vector<16xf32>
        %get3A_1682 = arith.index_cast %scan3A_1653 : i32 to index
        %get3A_1683 = arith.constant 64 : index
        %get3A_1684 = tpu.vector_load %arg8[%get3A_1682, %get3A_1683] {strides = array<i32>} : memref<100x128xf32, #tpu.memory_space<vmem>>, vector<1x16xf32>,
        %get3A_1685 = vector.shape_cast %get3A_1684 : vector<1x16xf32> to vector<16xf32>
        %add3A_1686 = arith.addf %scan3A_1658, %get3A_1685 : vector<16xf32>
        %get3A_1687 = arith.index_cast %scan3A_1653 : i32 to index
        %get3A_1688 = arith.constant 80 : index
        %get3A_1689 = tpu.vector_load %arg8[%get3A_1687, %get3A_1688] {strides = array<i32>} : memref<100x128xf32, #tpu.memory_space<vmem>>, vector<1x16xf32>,
        %get3A_1690 = vector.shape_cast %get3A_1689 : vector<1x16xf32> to vector<16xf32>
        %add3A_1691 = arith.addf %scan3A_1659, %get3A_1690 : vector<16xf32>
        %get3A_1692 = arith.index_cast %scan3A_1653 : i32 to index
        %get3A_1693 = arith.constant 96 : index
        %get3A_1694 = tpu.vector_load %arg8[%get3A_1692, %get3A_1693] {strides = array<i32>} : memref<100x128xf32, #tpu.memory_space<vmem>>, vector<1x16xf32>,
        %get3A_1695 = vector.shape_cast %get3A_1694 : vector<1x16xf32> to vector<16xf32>
        %add3A_1696 = arith.addf %scan3A_1660, %get3A_1695 : vector<16xf32>
        %get3A_1697 = arith.index_cast %scan3A_1653 : i32 to index
        %get3A_1698 = arith.constant 112 : index
        %get3A_1699 = tpu.vector_load %arg8[%get3A_1697, %get3A_1698] {strides = array<i32>} : memref<100x128xf32, #tpu.memory_space<vmem>>, vector<1x16xf32>,
        %get3A_1700 = vector.shape_cast %get3A_1699 : vector<1x16xf32> to vector<16xf32>
        %add3A_1701 = arith.addf %scan3A_1661, %get3A_1700 : vector<16xf32>
        scf.yield %add3A_1666, %add3A_1671, %add3A_1676, %add3A_1681, %add3A_1686, %add3A_1691, %add3A_1696, %add3A_1701 : vector<16xf32>, vector<16xf32>, vector<16xf32>, vector<16xf32>, vector<16xf32>, vector<16xf32>, vector<16xf32>, vector<16xf32>
      }
      %scan3A_608 = arith.constant 49 : i32
      %mul3A_609 = arith.constant 2 : i32
      %mul3A_610 = arith.muli %add3A_472, %mul3A_609 : i32
      %add3A_611 = arith.constant 1 : i32
      %add3A_612 = arith.addi %mul3A_610, %add3A_611 : i32
      %swap3A_613 = arith.index_cast %add3A_612 : i32 to index
      %swap3A_614 = arith.constant 0 : index
      %swap3A_615 = tpu.vector_load %arg14[%swap3A_613, %swap3A_614] {strides = array<i32>} : memref<128x128xf32, #tpu.memory_space<vmem>>, vector<1x16xf32>,
      %swap3A_616 = vector.shape_cast %swap3A_615 : vector<1x16xf32> to vector<16xf32>
      %swap3A_617 = vector.shape_cast %scan3A_607#0 : vector<16xf32> to vector<1x16xf32>
      tpu.vector_store %arg14[%swap3A_613, %swap3A_614], %swap3A_617 {strides = array<i32>} : memref<128x128xf32, #tpu.memory_space<vmem>>, vector<1x16xf32>,
      %swap3A_618 = arith.index_cast %add3A_612 : i32 to index
      %swap3A_619 = arith.constant 16 : index
      %swap3A_620 = tpu.vector_load %arg14[%swap3A_618, %swap3A_619] {strides = array<i32>} : memref<128x128xf32, #tpu.memory_space<vmem>>, vector<1x16xf32>,
      %swap3A_621 = vector.shape_cast %swap3A_620 : vector<1x16xf32> to vector<16xf32>
      %swap3A_622 = vector.shape_cast %scan3A_607#1 : vector<16xf32> to vector<1x16xf32>
      tpu.vector_store %arg14[%swap3A_618, %swap3A_619], %swap3A_622 {strides = array<i32>} : memref<128x128xf32, #tpu.memory_space<vmem>>, vector<1x16xf32>,
      %swap3A_623 = arith.index_cast %add3A_612 : i32 to index
      %swap3A_624 = arith.constant 32 : index
      %swap3A_625 = tpu.vector_load %arg14[%swap3A_623, %swap3A_624] {strides = array<i32>} : memref<128x128xf32, #tpu.memory_space<vmem>>, vector<1x16xf32>,
      %swap3A_626 = vector.shape_cast %swap3A_625 : vector<1x16xf32> to vector<16xf32>
      %swap3A_627 = vector.shape_cast %scan3A_607#2 : vector<16xf32> to vector<1x16xf32>
      tpu.vector_store %arg14[%swap3A_623, %swap3A_624], %swap3A_627 {strides = array<i32>} : memref<128x128xf32, #tpu.memory_space<vmem>>, vector<1x16xf32>,
      %swap3A_628 = arith.index_cast %add3A_612 : i32 to index
      %swap3A_629 = arith.constant 48 : index
      %swap3A_630 = tpu.vector_load %arg14[%swap3A_628, %swap3A_629] {strides = array<i32>} : memref<128x128xf32, #tpu.memory_space<vmem>>, vector<1x16xf32>,
      %swap3A_631 = vector.shape_cast %swap3A_630 : vector<1x16xf32> to vector<16xf32>
      %swap3A_632 = vector.shape_cast %scan3A_607#3 : vector<16xf32> to vector<1x16xf32>
      tpu.vector_store %arg14[%swap3A_628, %swap3A_629], %swap3A_632 {strides = array<i32>} : memref<128x128xf32, #tpu.memory_space<vmem>>, vector<1x16xf32>,
      %swap3A_633 = arith.index_cast %add3A_612 : i32 to index
      %swap3A_634 = arith.constant 64 : index
      %swap3A_635 = tpu.vector_load %arg14[%swap3A_633, %swap3A_634] {strides = array<i32>} : memref<128x128xf32, #tpu.memory_space<vmem>>, vector<1x16xf32>,
      %swap3A_636 = vector.shape_cast %swap3A_635 : vector<1x16xf32> to vector<16xf32>
      %swap3A_637 = vector.shape_cast %scan3A_607#4 : vector<16xf32> to vector<1x16xf32>
      tpu.vector_store %arg14[%swap3A_633, %swap3A_634], %swap3A_637 {strides = array<i32>} : memref<128x128xf32, #tpu.memory_space<vmem>>, vector<1x16xf32>,
      %swap3A_638 = arith.index_cast %add3A_612 : i32 to index
      %swap3A_639 = arith.constant 80 : index
      %swap3A_640 = tpu.vector_load %arg14[%swap3A_638, %swap3A_639] {strides = array<i32>} : memref<128x128xf32, #tpu.memory_space<vmem>>, vector<1x16xf32>,
      %swap3A_641 = vector.shape_cast %swap3A_640 : vector<1x16xf32> to vector<16xf32>
      %swap3A_642 = vector.shape_cast %scan3A_607#5 : vector<16xf32> to vector<1x16xf32>
      tpu.vector_store %arg14[%swap3A_638, %swap3A_639], %swap3A_642 {strides = array<i32>} : memref<128x128xf32, #tpu.memory_space<vmem>>, vector<1x16xf32>,
      %swap3A_643 = arith.index_cast %add3A_612 : i32 to index
      %swap3A_644 = arith.constant 96 : index
      %swap3A_645 = tpu.vector_load %arg14[%swap3A_643, %swap3A_644] {strides = array<i32>} : memref<128x128xf32, #tpu.memory_space<vmem>>, vector<1x16xf32>,
      %swap3A_646 = vector.shape_cast %swap3A_645 : vector<1x16xf32> to vector<16xf32>
      %swap3A_647 = vector.shape_cast %scan3A_607#6 : vector<16xf32> to vector<1x16xf32>
      tpu.vector_store %arg14[%swap3A_643, %swap3A_644], %swap3A_647 {strides = array<i32>} : memref<128x128xf32, #tpu.memory_space<vmem>>, vector<1x16xf32>,
      %swap3A_648 = arith.index_cast %add3A_612 : i32 to index
      %swap3A_649 = arith.constant 112 : index
      %swap3A_650 = tpu.vector_load %arg14[%swap3A_648, %swap3A_649] {strides = array<i32>} : memref<128x128xf32, #tpu.memory_space<vmem>>, vector<1x16xf32>,
      %swap3A_651 = vector.shape_cast %swap3A_650 : vector<1x16xf32> to vector<16xf32>
      %swap3A_652 = vector.shape_cast %scan3A_607#7 : vector<16xf32> to vector<1x16xf32>
      tpu.vector_store %arg14[%swap3A_648, %swap3A_649], %swap3A_652 {strides = array<i32>} : memref<128x128xf32, #tpu.memory_space<vmem>>, vector<1x16xf32>,
      %add3A_653 = arith.constant 3 : i32
      %add3A_654 = arith.addi %add3A_59, %add3A_653 : i32
      %add3A_655 = arith.constant 8 : i32
      %add3A_656 = arith.addi %add3A_654, %add3A_655 : i32
      %sub3A_657 = arith.constant 1 : i32
      %sub3A_658 = arith.subi %add3A_656, %sub3A_657 : i32
      %lt3A_659 = arith.constant 64 : i32
      %lt3A_660 = arith.cmpi slt, %sub3A_658, %lt3A_659 : i32
      %convert_element_type3A_661 = arith.extui %lt3A_660 : i1 to i32
      %cond3A_662 = arith.constant 0 : i32
      %cond3A_663 = arith.cmpi ne, %convert_element_type3A_661, %cond3A_662 : i32
      scf.if %cond3A_663 {
        %dma_start3A_1653 = arith.constant 0 : i32
        %dma_start3A_1654 = tpu.memref_slice %arg5[%sub3A_658, %dma_start3A_1653] : memref<64x100xi32, #tpu.memory_space<vmem>> -> memref<1x100xi32, #tpu.memory_space<vmem>>
        %dma_start3A_1655 = tpu.memref_squeeze %dma_start3A_1654 : memref<1x100xi32, #tpu.memory_space<vmem>> -> memref<100xi32, #tpu.memory_space<vmem>>
        %dma_start3A_1656 = arith.constant 0 : i32
        %dma_start3A_1657 = arith.constant 0 : i32
        %dma_start3A_1658 = tpu.memref_slice %arg2[%dma_start3A_1656, %dma_start3A_1657] : memref<200000x128xf32, #tpu.memory_space<hbm>> -> memref<200000x128xf32, #tpu.memory_space<hbm>>
        tpu.enqueue_indirect_dma source(%dma_start3A_1658 : memref<200000x128xf32, #tpu.memory_space<hbm>>) target(%arg8 : memref<100x128xf32, #tpu.memory_space<vmem>>) offsets(%dma_start3A_1655 : memref<100xi32, #tpu.memory_space<vmem>>) semaphore(%arg17 : memref<!tpu.dma_semaphore, #tpu.memory_space<semaphore_mem>>)
      } else {
      }
      %dma_wait3A_664 = arith.constant 0 : i32
      %dma_wait3A_665 = arith.constant 0 : i32
      %dma_wait3A_666 = tpu.memref_slice %arg5[%dma_wait3A_664, %dma_wait3A_665] : memref<64x100xi32, #tpu.memory_space<vmem>> -> memref<1x100xi32, #tpu.memory_space<vmem>>
      %dma_wait3A_667 = tpu.memref_squeeze %dma_wait3A_666 : memref<1x100xi32, #tpu.memory_space<vmem>> -> memref<100xi32, #tpu.memory_space<vmem>>
      %dma_wait3A_668 = arith.constant 0 : i32
      %dma_wait3A_669 = arith.constant 0 : i32
      %dma_wait3A_670 = tpu.memref_slice %arg2[%dma_wait3A_668, %dma_wait3A_669] : memref<200000x128xf32, #tpu.memory_space<hbm>> -> memref<200000x128xf32, #tpu.memory_space<hbm>>
      tpu.wait_indirect_dma semaphore(%arg18 : memref<!tpu.dma_semaphore, #tpu.memory_space<semaphore_mem>>) src(%dma_wait3A_670 : memref<200000x128xf32, #tpu.memory_space<hbm>>) dst(%arg9 : memref<100x128xf32, #tpu.memory_space<vmem>>)
      %add3A_671 = arith.constant 3 : i32
      %add3A_672 = arith.addi %add3A_59, %add3A_671 : i32
      %get3A_673 = arith.constant 0 : i32
      %get3A_674 = arith.index_cast %get3A_673 : i32 to index
      %get3A_675 = arith.constant 0 : index
      %get3A_676 = tpu.vector_load %arg9[%get3A_674, %get3A_675] {strides = array<i32>} : memref<100x128xf32, #tpu.memory_space<vmem>>, vector<1x16xf32>,
      %get3A_677 = vector.shape_cast %get3A_676 : vector<1x16xf32> to vector<16xf32>
      %get3A_678 = arith.constant 0 : i32
      %get3A_679 = arith.index_cast %get3A_678 : i32 to index
      %get3A_680 = arith.constant 16 : index
      %get3A_681 = tpu.vector_load %arg9[%get3A_679, %get3A_680] {strides = array<i32>} : memref<100x128xf32, #tpu.memory_space<vmem>>, vector<1x16xf32>,
      %get3A_682 = vector.shape_cast %get3A_681 : vector<1x16xf32> to vector<16xf32>
      %get3A_683 = arith.constant 0 : i32
      %get3A_684 = arith.index_cast %get3A_683 : i32 to index
      %get3A_685 = arith.constant 32 : index
      %get3A_686 = tpu.vector_load %arg9[%get3A_684, %get3A_685] {strides = array<i32>} : memref<100x128xf32, #tpu.memory_space<vmem>>, vector<1x16xf32>,
      %get3A_687 = vector.shape_cast %get3A_686 : vector<1x16xf32> to vector<16xf32>
      %get3A_688 = arith.constant 0 : i32
      %get3A_689 = arith.index_cast %get3A_688 : i32 to index
      %get3A_690 = arith.constant 48 : index
      %get3A_691 = tpu.vector_load %arg9[%get3A_689, %get3A_690] {strides = array<i32>} : memref<100x128xf32, #tpu.memory_space<vmem>>, vector<1x16xf32>,
      %get3A_692 = vector.shape_cast %get3A_691 : vector<1x16xf32> to vector<16xf32>
      %get3A_693 = arith.constant 0 : i32
      %get3A_694 = arith.index_cast %get3A_693 : i32 to index
      %get3A_695 = arith.constant 64 : index
      %get3A_696 = tpu.vector_load %arg9[%get3A_694, %get3A_695] {strides = array<i32>} : memref<100x128xf32, #tpu.memory_space<vmem>>, vector<1x16xf32>,
      %get3A_697 = vector.shape_cast %get3A_696 : vector<1x16xf32> to vector<16xf32>
      %get3A_698 = arith.constant 0 : i32
      %get3A_699 = arith.index_cast %get3A_698 : i32 to index
      %get3A_700 = arith.constant 80 : index
      %get3A_701 = tpu.vector_load %arg9[%get3A_699, %get3A_700] {strides = array<i32>} : memref<100x128xf32, #tpu.memory_space<vmem>>, vector<1x16xf32>,
      %get3A_702 = vector.shape_cast %get3A_701 : vector<1x16xf32> to vector<16xf32>
      %get3A_703 = arith.constant 0 : i32
      %get3A_704 = arith.index_cast %get3A_703 : i32 to index
      %get3A_705 = arith.constant 96 : index
      %get3A_706 = tpu.vector_load %arg9[%get3A_704, %get3A_705] {strides = array<i32>} : memref<100x128xf32, #tpu.memory_space<vmem>>, vector<1x16xf32>,
      %get3A_707 = vector.shape_cast %get3A_706 : vector<1x16xf32> to vector<16xf32>
      %get3A_708 = arith.constant 0 : i32
      %get3A_709 = arith.index_cast %get3A_708 : i32 to index
      %get3A_710 = arith.constant 112 : index
      %get3A_711 = tpu.vector_load %arg9[%get3A_709, %get3A_710] {strides = array<i32>} : memref<100x128xf32, #tpu.memory_space<vmem>>, vector<1x16xf32>,
      %get3A_712 = vector.shape_cast %get3A_711 : vector<1x16xf32> to vector<16xf32>
      %scan3A_713 = arith.constant 1 : i32
      %scan3A_714 = arith.constant 49 : i32
      %scan3A_715 = arith.addi %scan3A_713, %scan3A_714 : i32
      %scan3A_716 = arith.constant 1 : i32
      %scan3A_717:8 = scf.for %scan3A_1653 = %scan3A_713 to %scan3A_715 step %scan3A_716 iter_args(%scan3A_1654 = %get3A_677, %scan3A_1655 = %get3A_682, %scan3A_1656 = %get3A_687, %scan3A_1657 = %get3A_692, %scan3A_1658 = %get3A_697, %scan3A_1659 = %get3A_702, %scan3A_1660 = %get3A_707, %scan3A_1661 = %get3A_712) -> (vector<16xf32>, vector<16xf32>, vector<16xf32>, vector<16xf32>, vector<16xf32>, vector<16xf32>, vector<16xf32>, vector<16xf32>)  : i32 {
        %get3A_1662 = arith.index_cast %scan3A_1653 : i32 to index
        %get3A_1663 = arith.constant 0 : index
        %get3A_1664 = tpu.vector_load %arg9[%get3A_1662, %get3A_1663] {strides = array<i32>} : memref<100x128xf32, #tpu.memory_space<vmem>>, vector<1x16xf32>,
        %get3A_1665 = vector.shape_cast %get3A_1664 : vector<1x16xf32> to vector<16xf32>
        %add3A_1666 = arith.addf %scan3A_1654, %get3A_1665 : vector<16xf32>
        %get3A_1667 = arith.index_cast %scan3A_1653 : i32 to index
        %get3A_1668 = arith.constant 16 : index
        %get3A_1669 = tpu.vector_load %arg9[%get3A_1667, %get3A_1668] {strides = array<i32>} : memref<100x128xf32, #tpu.memory_space<vmem>>, vector<1x16xf32>,
        %get3A_1670 = vector.shape_cast %get3A_1669 : vector<1x16xf32> to vector<16xf32>
        %add3A_1671 = arith.addf %scan3A_1655, %get3A_1670 : vector<16xf32>
        %get3A_1672 = arith.index_cast %scan3A_1653 : i32 to index
        %get3A_1673 = arith.constant 32 : index
        %get3A_1674 = tpu.vector_load %arg9[%get3A_1672, %get3A_1673] {strides = array<i32>} : memref<100x128xf32, #tpu.memory_space<vmem>>, vector<1x16xf32>,
        %get3A_1675 = vector.shape_cast %get3A_1674 : vector<1x16xf32> to vector<16xf32>
        %add3A_1676 = arith.addf %scan3A_1656, %get3A_1675 : vector<16xf32>
        %get3A_1677 = arith.index_cast %scan3A_1653 : i32 to index
        %get3A_1678 = arith.constant 48 : index
        %get3A_1679 = tpu.vector_load %arg9[%get3A_1677, %get3A_1678] {strides = array<i32>} : memref<100x128xf32, #tpu.memory_space<vmem>>, vector<1x16xf32>,
        %get3A_1680 = vector.shape_cast %get3A_1679 : vector<1x16xf32> to vector<16xf32>
        %add3A_1681 = arith.addf %scan3A_1657, %get3A_1680 : vector<16xf32>
        %get3A_1682 = arith.index_cast %scan3A_1653 : i32 to index
        %get3A_1683 = arith.constant 64 : index
        %get3A_1684 = tpu.vector_load %arg9[%get3A_1682, %get3A_1683] {strides = array<i32>} : memref<100x128xf32, #tpu.memory_space<vmem>>, vector<1x16xf32>,
        %get3A_1685 = vector.shape_cast %get3A_1684 : vector<1x16xf32> to vector<16xf32>
        %add3A_1686 = arith.addf %scan3A_1658, %get3A_1685 : vector<16xf32>
        %get3A_1687 = arith.index_cast %scan3A_1653 : i32 to index
        %get3A_1688 = arith.constant 80 : index
        %get3A_1689 = tpu.vector_load %arg9[%get3A_1687, %get3A_1688] {strides = array<i32>} : memref<100x128xf32, #tpu.memory_space<vmem>>, vector<1x16xf32>,
        %get3A_1690 = vector.shape_cast %get3A_1689 : vector<1x16xf32> to vector<16xf32>
        %add3A_1691 = arith.addf %scan3A_1659, %get3A_1690 : vector<16xf32>
        %get3A_1692 = arith.index_cast %scan3A_1653 : i32 to index
        %get3A_1693 = arith.constant 96 : index
        %get3A_1694 = tpu.vector_load %arg9[%get3A_1692, %get3A_1693] {strides = array<i32>} : memref<100x128xf32, #tpu.memory_space<vmem>>, vector<1x16xf32>,
        %get3A_1695 = vector.shape_cast %get3A_1694 : vector<1x16xf32> to vector<16xf32>
        %add3A_1696 = arith.addf %scan3A_1660, %get3A_1695 : vector<16xf32>
        %get3A_1697 = arith.index_cast %scan3A_1653 : i32 to index
        %get3A_1698 = arith.constant 112 : index
        %get3A_1699 = tpu.vector_load %arg9[%get3A_1697, %get3A_1698] {strides = array<i32>} : memref<100x128xf32, #tpu.memory_space<vmem>>, vector<1x16xf32>,
        %get3A_1700 = vector.shape_cast %get3A_1699 : vector<1x16xf32> to vector<16xf32>
        %add3A_1701 = arith.addf %scan3A_1661, %get3A_1700 : vector<16xf32>
        scf.yield %add3A_1666, %add3A_1671, %add3A_1676, %add3A_1681, %add3A_1686, %add3A_1691, %add3A_1696, %add3A_1701 : vector<16xf32>, vector<16xf32>, vector<16xf32>, vector<16xf32>, vector<16xf32>, vector<16xf32>, vector<16xf32>, vector<16xf32>
      }
      %scan3A_718 = arith.constant 49 : i32
      %mul3A_719 = arith.constant 2 : i32
      %mul3A_720 = arith.muli %add3A_672, %mul3A_719 : i32
      %add3A_721 = arith.constant 0 : i32
      %add3A_722 = arith.addi %mul3A_720, %add3A_721 : i32
      %swap3A_723 = arith.index_cast %add3A_722 : i32 to index
      %swap3A_724 = arith.constant 0 : index
      %swap3A_725 = tpu.vector_load %arg14[%swap3A_723, %swap3A_724] {strides = array<i32>} : memref<128x128xf32, #tpu.memory_space<vmem>>, vector<1x16xf32>,
      %swap3A_726 = vector.shape_cast %swap3A_725 : vector<1x16xf32> to vector<16xf32>
      %swap3A_727 = vector.shape_cast %scan3A_717#0 : vector<16xf32> to vector<1x16xf32>
      tpu.vector_store %arg14[%swap3A_723, %swap3A_724], %swap3A_727 {strides = array<i32>} : memref<128x128xf32, #tpu.memory_space<vmem>>, vector<1x16xf32>,
      %swap3A_728 = arith.index_cast %add3A_722 : i32 to index
      %swap3A_729 = arith.constant 16 : index
      %swap3A_730 = tpu.vector_load %arg14[%swap3A_728, %swap3A_729] {strides = array<i32>} : memref<128x128xf32, #tpu.memory_space<vmem>>, vector<1x16xf32>,
      %swap3A_731 = vector.shape_cast %swap3A_730 : vector<1x16xf32> to vector<16xf32>
      %swap3A_732 = vector.shape_cast %scan3A_717#1 : vector<16xf32> to vector<1x16xf32>
      tpu.vector_store %arg14[%swap3A_728, %swap3A_729], %swap3A_732 {strides = array<i32>} : memref<128x128xf32, #tpu.memory_space<vmem>>, vector<1x16xf32>,
      %swap3A_733 = arith.index_cast %add3A_722 : i32 to index
      %swap3A_734 = arith.constant 32 : index
      %swap3A_735 = tpu.vector_load %arg14[%swap3A_733, %swap3A_734] {strides = array<i32>} : memref<128x128xf32, #tpu.memory_space<vmem>>, vector<1x16xf32>,
      %swap3A_736 = vector.shape_cast %swap3A_735 : vector<1x16xf32> to vector<16xf32>
      %swap3A_737 = vector.shape_cast %scan3A_717#2 : vector<16xf32> to vector<1x16xf32>
      tpu.vector_store %arg14[%swap3A_733, %swap3A_734], %swap3A_737 {strides = array<i32>} : memref<128x128xf32, #tpu.memory_space<vmem>>, vector<1x16xf32>,
      %swap3A_738 = arith.index_cast %add3A_722 : i32 to index
      %swap3A_739 = arith.constant 48 : index
      %swap3A_740 = tpu.vector_load %arg14[%swap3A_738, %swap3A_739] {strides = array<i32>} : memref<128x128xf32, #tpu.memory_space<vmem>>, vector<1x16xf32>,
      %swap3A_741 = vector.shape_cast %swap3A_740 : vector<1x16xf32> to vector<16xf32>
      %swap3A_742 = vector.shape_cast %scan3A_717#3 : vector<16xf32> to vector<1x16xf32>
      tpu.vector_store %arg14[%swap3A_738, %swap3A_739], %swap3A_742 {strides = array<i32>} : memref<128x128xf32, #tpu.memory_space<vmem>>, vector<1x16xf32>,
      %swap3A_743 = arith.index_cast %add3A_722 : i32 to index
      %swap3A_744 = arith.constant 64 : index
      %swap3A_745 = tpu.vector_load %arg14[%swap3A_743, %swap3A_744] {strides = array<i32>} : memref<128x128xf32, #tpu.memory_space<vmem>>, vector<1x16xf32>,
      %swap3A_746 = vector.shape_cast %swap3A_745 : vector<1x16xf32> to vector<16xf32>
      %swap3A_747 = vector.shape_cast %scan3A_717#4 : vector<16xf32> to vector<1x16xf32>
      tpu.vector_store %arg14[%swap3A_743, %swap3A_744], %swap3A_747 {strides = array<i32>} : memref<128x128xf32, #tpu.memory_space<vmem>>, vector<1x16xf32>,
      %swap3A_748 = arith.index_cast %add3A_722 : i32 to index
      %swap3A_749 = arith.constant 80 : index
      %swap3A_750 = tpu.vector_load %arg14[%swap3A_748, %swap3A_749] {strides = array<i32>} : memref<128x128xf32, #tpu.memory_space<vmem>>, vector<1x16xf32>,
      %swap3A_751 = vector.shape_cast %swap3A_750 : vector<1x16xf32> to vector<16xf32>
      %swap3A_752 = vector.shape_cast %scan3A_717#5 : vector<16xf32> to vector<1x16xf32>
      tpu.vector_store %arg14[%swap3A_748, %swap3A_749], %swap3A_752 {strides = array<i32>} : memref<128x128xf32, #tpu.memory_space<vmem>>, vector<1x16xf32>,
      %swap3A_753 = arith.index_cast %add3A_722 : i32 to index
      %swap3A_754 = arith.constant 96 : index
      %swap3A_755 = tpu.vector_load %arg14[%swap3A_753, %swap3A_754] {strides = array<i32>} : memref<128x128xf32, #tpu.memory_space<vmem>>, vector<1x16xf32>,
      %swap3A_756 = vector.shape_cast %swap3A_755 : vector<1x16xf32> to vector<16xf32>
      %swap3A_757 = vector.shape_cast %scan3A_717#6 : vector<16xf32> to vector<1x16xf32>
      tpu.vector_store %arg14[%swap3A_753, %swap3A_754], %swap3A_757 {strides = array<i32>} : memref<128x128xf32, #tpu.memory_space<vmem>>, vector<1x16xf32>,
      %swap3A_758 = arith.index_cast %add3A_722 : i32 to index
      %swap3A_759 = arith.constant 112 : index
      %swap3A_760 = tpu.vector_load %arg14[%swap3A_758, %swap3A_759] {strides = array<i32>} : memref<128x128xf32, #tpu.memory_space<vmem>>, vector<1x16xf32>,
      %swap3A_761 = vector.shape_cast %swap3A_760 : vector<1x16xf32> to vector<16xf32>
      %swap3A_762 = vector.shape_cast %scan3A_717#7 : vector<16xf32> to vector<1x16xf32>
      tpu.vector_store %arg14[%swap3A_758, %swap3A_759], %swap3A_762 {strides = array<i32>} : memref<128x128xf32, #tpu.memory_space<vmem>>, vector<1x16xf32>,
      %get3A_763 = arith.constant 50 : i32
      %get3A_764 = arith.index_cast %get3A_763 : i32 to index
      %get3A_765 = arith.constant 0 : index
      %get3A_766 = tpu.vector_load %arg9[%get3A_764, %get3A_765] {strides = array<i32>} : memref<100x128xf32, #tpu.memory_space<vmem>>, vector<1x16xf32>,
      %get3A_767 = vector.shape_cast %get3A_766 : vector<1x16xf32> to vector<16xf32>
      %get3A_768 = arith.constant 50 : i32
      %get3A_769 = arith.index_cast %get3A_768 : i32 to index
      %get3A_770 = arith.constant 16 : index
      %get3A_771 = tpu.vector_load %arg9[%get3A_769, %get3A_770] {strides = array<i32>} : memref<100x128xf32, #tpu.memory_space<vmem>>, vector<1x16xf32>,
      %get3A_772 = vector.shape_cast %get3A_771 : vector<1x16xf32> to vector<16xf32>
      %get3A_773 = arith.constant 50 : i32
      %get3A_774 = arith.index_cast %get3A_773 : i32 to index
      %get3A_775 = arith.constant 32 : index
      %get3A_776 = tpu.vector_load %arg9[%get3A_774, %get3A_775] {strides = array<i32>} : memref<100x128xf32, #tpu.memory_space<vmem>>, vector<1x16xf32>,
      %get3A_777 = vector.shape_cast %get3A_776 : vector<1x16xf32> to vector<16xf32>
      %get3A_778 = arith.constant 50 : i32
      %get3A_779 = arith.index_cast %get3A_778 : i32 to index
      %get3A_780 = arith.constant 48 : index
      %get3A_781 = tpu.vector_load %arg9[%get3A_779, %get3A_780] {strides = array<i32>} : memref<100x128xf32, #tpu.memory_space<vmem>>, vector<1x16xf32>,
      %get3A_782 = vector.shape_cast %get3A_781 : vector<1x16xf32> to vector<16xf32>
      %get3A_783 = arith.constant 50 : i32
      %get3A_784 = arith.index_cast %get3A_783 : i32 to index
      %get3A_785 = arith.constant 64 : index
      %get3A_786 = tpu.vector_load %arg9[%get3A_784, %get3A_785] {strides = array<i32>} : memref<100x128xf32, #tpu.memory_space<vmem>>, vector<1x16xf32>,
      %get3A_787 = vector.shape_cast %get3A_786 : vector<1x16xf32> to vector<16xf32>
      %get3A_788 = arith.constant 50 : i32
      %get3A_789 = arith.index_cast %get3A_788 : i32 to index
      %get3A_790 = arith.constant 80 : index
      %get3A_791 = tpu.vector_load %arg9[%get3A_789, %get3A_790] {strides = array<i32>} : memref<100x128xf32, #tpu.memory_space<vmem>>, vector<1x16xf32>,
      %get3A_792 = vector.shape_cast %get3A_791 : vector<1x16xf32> to vector<16xf32>
      %get3A_793 = arith.constant 50 : i32
      %get3A_794 = arith.index_cast %get3A_793 : i32 to index
      %get3A_795 = arith.constant 96 : index
      %get3A_796 = tpu.vector_load %arg9[%get3A_794, %get3A_795] {strides = array<i32>} : memref<100x128xf32, #tpu.memory_space<vmem>>, vector<1x16xf32>,
      %get3A_797 = vector.shape_cast %get3A_796 : vector<1x16xf32> to vector<16xf32>
      %get3A_798 = arith.constant 50 : i32
      %get3A_799 = arith.index_cast %get3A_798 : i32 to index
      %get3A_800 = arith.constant 112 : index
      %get3A_801 = tpu.vector_load %arg9[%get3A_799, %get3A_800] {strides = array<i32>} : memref<100x128xf32, #tpu.memory_space<vmem>>, vector<1x16xf32>,
      %get3A_802 = vector.shape_cast %get3A_801 : vector<1x16xf32> to vector<16xf32>
      %scan3A_803 = arith.constant 51 : i32
      %scan3A_804 = arith.constant 49 : i32
      %scan3A_805 = arith.addi %scan3A_803, %scan3A_804 : i32
      %scan3A_806 = arith.constant 1 : i32
      %scan3A_807:8 = scf.for %scan3A_1653 = %scan3A_803 to %scan3A_805 step %scan3A_806 iter_args(%scan3A_1654 = %get3A_767, %scan3A_1655 = %get3A_772, %scan3A_1656 = %get3A_777, %scan3A_1657 = %get3A_782, %scan3A_1658 = %get3A_787, %scan3A_1659 = %get3A_792, %scan3A_1660 = %get3A_797, %scan3A_1661 = %get3A_802) -> (vector<16xf32>, vector<16xf32>, vector<16xf32>, vector<16xf32>, vector<16xf32>, vector<16xf32>, vector<16xf32>, vector<16xf32>)  : i32 {
        %get3A_1662 = arith.index_cast %scan3A_1653 : i32 to index
        %get3A_1663 = arith.constant 0 : index
        %get3A_1664 = tpu.vector_load %arg9[%get3A_1662, %get3A_1663] {strides = array<i32>} : memref<100x128xf32, #tpu.memory_space<vmem>>, vector<1x16xf32>,
        %get3A_1665 = vector.shape_cast %get3A_1664 : vector<1x16xf32> to vector<16xf32>
        %add3A_1666 = arith.addf %scan3A_1654, %get3A_1665 : vector<16xf32>
        %get3A_1667 = arith.index_cast %scan3A_1653 : i32 to index
        %get3A_1668 = arith.constant 16 : index
        %get3A_1669 = tpu.vector_load %arg9[%get3A_1667, %get3A_1668] {strides = array<i32>} : memref<100x128xf32, #tpu.memory_space<vmem>>, vector<1x16xf32>,
        %get3A_1670 = vector.shape_cast %get3A_1669 : vector<1x16xf32> to vector<16xf32>
        %add3A_1671 = arith.addf %scan3A_1655, %get3A_1670 : vector<16xf32>
        %get3A_1672 = arith.index_cast %scan3A_1653 : i32 to index
        %get3A_1673 = arith.constant 32 : index
        %get3A_1674 = tpu.vector_load %arg9[%get3A_1672, %get3A_1673] {strides = array<i32>} : memref<100x128xf32, #tpu.memory_space<vmem>>, vector<1x16xf32>,
        %get3A_1675 = vector.shape_cast %get3A_1674 : vector<1x16xf32> to vector<16xf32>
        %add3A_1676 = arith.addf %scan3A_1656, %get3A_1675 : vector<16xf32>
        %get3A_1677 = arith.index_cast %scan3A_1653 : i32 to index
        %get3A_1678 = arith.constant 48 : index
        %get3A_1679 = tpu.vector_load %arg9[%get3A_1677, %get3A_1678] {strides = array<i32>} : memref<100x128xf32, #tpu.memory_space<vmem>>, vector<1x16xf32>,
        %get3A_1680 = vector.shape_cast %get3A_1679 : vector<1x16xf32> to vector<16xf32>
        %add3A_1681 = arith.addf %scan3A_1657, %get3A_1680 : vector<16xf32>
        %get3A_1682 = arith.index_cast %scan3A_1653 : i32 to index
        %get3A_1683 = arith.constant 64 : index
        %get3A_1684 = tpu.vector_load %arg9[%get3A_1682, %get3A_1683] {strides = array<i32>} : memref<100x128xf32, #tpu.memory_space<vmem>>, vector<1x16xf32>,
        %get3A_1685 = vector.shape_cast %get3A_1684 : vector<1x16xf32> to vector<16xf32>
        %add3A_1686 = arith.addf %scan3A_1658, %get3A_1685 : vector<16xf32>
        %get3A_1687 = arith.index_cast %scan3A_1653 : i32 to index
        %get3A_1688 = arith.constant 80 : index
        %get3A_1689 = tpu.vector_load %arg9[%get3A_1687, %get3A_1688] {strides = array<i32>} : memref<100x128xf32, #tpu.memory_space<vmem>>, vector<1x16xf32>,
        %get3A_1690 = vector.shape_cast %get3A_1689 : vector<1x16xf32> to vector<16xf32>
        %add3A_1691 = arith.addf %scan3A_1659, %get3A_1690 : vector<16xf32>
        %get3A_1692 = arith.index_cast %scan3A_1653 : i32 to index
        %get3A_1693 = arith.constant 96 : index
        %get3A_1694 = tpu.vector_load %arg9[%get3A_1692, %get3A_1693] {strides = array<i32>} : memref<100x128xf32, #tpu.memory_space<vmem>>, vector<1x16xf32>,
        %get3A_1695 = vector.shape_cast %get3A_1694 : vector<1x16xf32> to vector<16xf32>
        %add3A_1696 = arith.addf %scan3A_1660, %get3A_1695 : vector<16xf32>
        %get3A_1697 = arith.index_cast %scan3A_1653 : i32 to index
        %get3A_1698 = arith.constant 112 : index
        %get3A_1699 = tpu.vector_load %arg9[%get3A_1697, %get3A_1698] {strides = array<i32>} : memref<100x128xf32, #tpu.memory_space<vmem>>, vector<1x16xf32>,
        %get3A_1700 = vector.shape_cast %get3A_1699 : vector<1x16xf32> to vector<16xf32>
        %add3A_1701 = arith.addf %scan3A_1661, %get3A_1700 : vector<16xf32>
        scf.yield %add3A_1666, %add3A_1671, %add3A_1676, %add3A_1681, %add3A_1686, %add3A_1691, %add3A_1696, %add3A_1701 : vector<16xf32>, vector<16xf32>, vector<16xf32>, vector<16xf32>, vector<16xf32>, vector<16xf32>, vector<16xf32>, vector<16xf32>
      }
      %scan3A_808 = arith.constant 49 : i32
      %mul3A_809 = arith.constant 2 : i32
      %mul3A_810 = arith.muli %add3A_672, %mul3A_809 : i32
      %add3A_811 = arith.constant 1 : i32
      %add3A_812 = arith.addi %mul3A_810, %add3A_811 : i32
      %swap3A_813 = arith.index_cast %add3A_812 : i32 to index
      %swap3A_814 = arith.constant 0 : index
      %swap3A_815 = tpu.vector_load %arg14[%swap3A_813, %swap3A_814] {strides = array<i32>} : memref<128x128xf32, #tpu.memory_space<vmem>>, vector<1x16xf32>,
      %swap3A_816 = vector.shape_cast %swap3A_815 : vector<1x16xf32> to vector<16xf32>
      %swap3A_817 = vector.shape_cast %scan3A_807#0 : vector<16xf32> to vector<1x16xf32>
      tpu.vector_store %arg14[%swap3A_813, %swap3A_814], %swap3A_817 {strides = array<i32>} : memref<128x128xf32, #tpu.memory_space<vmem>>, vector<1x16xf32>,
      %swap3A_818 = arith.index_cast %add3A_812 : i32 to index
      %swap3A_819 = arith.constant 16 : index
      %swap3A_820 = tpu.vector_load %arg14[%swap3A_818, %swap3A_819] {strides = array<i32>} : memref<128x128xf32, #tpu.memory_space<vmem>>, vector<1x16xf32>,
      %swap3A_821 = vector.shape_cast %swap3A_820 : vector<1x16xf32> to vector<16xf32>
      %swap3A_822 = vector.shape_cast %scan3A_807#1 : vector<16xf32> to vector<1x16xf32>
      tpu.vector_store %arg14[%swap3A_818, %swap3A_819], %swap3A_822 {strides = array<i32>} : memref<128x128xf32, #tpu.memory_space<vmem>>, vector<1x16xf32>,
      %swap3A_823 = arith.index_cast %add3A_812 : i32 to index
      %swap3A_824 = arith.constant 32 : index
      %swap3A_825 = tpu.vector_load %arg14[%swap3A_823, %swap3A_824] {strides = array<i32>} : memref<128x128xf32, #tpu.memory_space<vmem>>, vector<1x16xf32>,
      %swap3A_826 = vector.shape_cast %swap3A_825 : vector<1x16xf32> to vector<16xf32>
      %swap3A_827 = vector.shape_cast %scan3A_807#2 : vector<16xf32> to vector<1x16xf32>
      tpu.vector_store %arg14[%swap3A_823, %swap3A_824], %swap3A_827 {strides = array<i32>} : memref<128x128xf32, #tpu.memory_space<vmem>>, vector<1x16xf32>,
      %swap3A_828 = arith.index_cast %add3A_812 : i32 to index
      %swap3A_829 = arith.constant 48 : index
      %swap3A_830 = tpu.vector_load %arg14[%swap3A_828, %swap3A_829] {strides = array<i32>} : memref<128x128xf32, #tpu.memory_space<vmem>>, vector<1x16xf32>,
      %swap3A_831 = vector.shape_cast %swap3A_830 : vector<1x16xf32> to vector<16xf32>
      %swap3A_832 = vector.shape_cast %scan3A_807#3 : vector<16xf32> to vector<1x16xf32>
      tpu.vector_store %arg14[%swap3A_828, %swap3A_829], %swap3A_832 {strides = array<i32>} : memref<128x128xf32, #tpu.memory_space<vmem>>, vector<1x16xf32>,
      %swap3A_833 = arith.index_cast %add3A_812 : i32 to index
      %swap3A_834 = arith.constant 64 : index
      %swap3A_835 = tpu.vector_load %arg14[%swap3A_833, %swap3A_834] {strides = array<i32>} : memref<128x128xf32, #tpu.memory_space<vmem>>, vector<1x16xf32>,
      %swap3A_836 = vector.shape_cast %swap3A_835 : vector<1x16xf32> to vector<16xf32>
      %swap3A_837 = vector.shape_cast %scan3A_807#4 : vector<16xf32> to vector<1x16xf32>
      tpu.vector_store %arg14[%swap3A_833, %swap3A_834], %swap3A_837 {strides = array<i32>} : memref<128x128xf32, #tpu.memory_space<vmem>>, vector<1x16xf32>,
      %swap3A_838 = arith.index_cast %add3A_812 : i32 to index
      %swap3A_839 = arith.constant 80 : index
      %swap3A_840 = tpu.vector_load %arg14[%swap3A_838, %swap3A_839] {strides = array<i32>} : memref<128x128xf32, #tpu.memory_space<vmem>>, vector<1x16xf32>,
      %swap3A_841 = vector.shape_cast %swap3A_840 : vector<1x16xf32> to vector<16xf32>
      %swap3A_842 = vector.shape_cast %scan3A_807#5 : vector<16xf32> to vector<1x16xf32>
      tpu.vector_store %arg14[%swap3A_838, %swap3A_839], %swap3A_842 {strides = array<i32>} : memref<128x128xf32, #tpu.memory_space<vmem>>, vector<1x16xf32>,
      %swap3A_843 = arith.index_cast %add3A_812 : i32 to index
      %swap3A_844 = arith.constant 96 : index
      %swap3A_845 = tpu.vector_load %arg14[%swap3A_843, %swap3A_844] {strides = array<i32>} : memref<128x128xf32, #tpu.memory_space<vmem>>, vector<1x16xf32>,
      %swap3A_846 = vector.shape_cast %swap3A_845 : vector<1x16xf32> to vector<16xf32>
      %swap3A_847 = vector.shape_cast %scan3A_807#6 : vector<16xf32> to vector<1x16xf32>
      tpu.vector_store %arg14[%swap3A_843, %swap3A_844], %swap3A_847 {strides = array<i32>} : memref<128x128xf32, #tpu.memory_space<vmem>>, vector<1x16xf32>,
      %swap3A_848 = arith.index_cast %add3A_812 : i32 to index
      %swap3A_849 = arith.constant 112 : index
      %swap3A_850 = tpu.vector_load %arg14[%swap3A_848, %swap3A_849] {strides = array<i32>} : memref<128x128xf32, #tpu.memory_space<vmem>>, vector<1x16xf32>,
      %swap3A_851 = vector.shape_cast %swap3A_850 : vector<1x16xf32> to vector<16xf32>
      %swap3A_852 = vector.shape_cast %scan3A_807#7 : vector<16xf32> to vector<1x16xf32>
      tpu.vector_store %arg14[%swap3A_848, %swap3A_849], %swap3A_852 {strides = array<i32>} : memref<128x128xf32, #tpu.memory_space<vmem>>, vector<1x16xf32>,
      %add3A_853 = arith.constant 4 : i32
      %add3A_854 = arith.addi %add3A_59, %add3A_853 : i32
      %add3A_855 = arith.constant 8 : i32
      %add3A_856 = arith.addi %add3A_854, %add3A_855 : i32
      %sub3A_857 = arith.constant 1 : i32
      %sub3A_858 = arith.subi %add3A_856, %sub3A_857 : i32
      %lt3A_859 = arith.constant 64 : i32
      %lt3A_860 = arith.cmpi slt, %sub3A_858, %lt3A_859 : i32
      %convert_element_type3A_861 = arith.extui %lt3A_860 : i1 to i32
      %cond3A_862 = arith.constant 0 : i32
      %cond3A_863 = arith.cmpi ne, %convert_element_type3A_861, %cond3A_862 : i32
      scf.if %cond3A_863 {
        %dma_start3A_1653 = arith.constant 0 : i32
        %dma_start3A_1654 = tpu.memref_slice %arg5[%sub3A_858, %dma_start3A_1653] : memref<64x100xi32, #tpu.memory_space<vmem>> -> memref<1x100xi32, #tpu.memory_space<vmem>>
        %dma_start3A_1655 = tpu.memref_squeeze %dma_start3A_1654 : memref<1x100xi32, #tpu.memory_space<vmem>> -> memref<100xi32, #tpu.memory_space<vmem>>
        %dma_start3A_1656 = arith.constant 0 : i32
        %dma_start3A_1657 = arith.constant 0 : i32
        %dma_start3A_1658 = tpu.memref_slice %arg2[%dma_start3A_1656, %dma_start3A_1657] : memref<200000x128xf32, #tpu.memory_space<hbm>> -> memref<200000x128xf32, #tpu.memory_space<hbm>>
        tpu.enqueue_indirect_dma source(%dma_start3A_1658 : memref<200000x128xf32, #tpu.memory_space<hbm>>) target(%arg9 : memref<100x128xf32, #tpu.memory_space<vmem>>) offsets(%dma_start3A_1655 : memref<100xi32, #tpu.memory_space<vmem>>) semaphore(%arg18 : memref<!tpu.dma_semaphore, #tpu.memory_space<semaphore_mem>>)
      } else {
      }
      %dma_wait3A_864 = arith.constant 0 : i32
      %dma_wait3A_865 = arith.constant 0 : i32
      %dma_wait3A_866 = tpu.memref_slice %arg5[%dma_wait3A_864, %dma_wait3A_865] : memref<64x100xi32, #tpu.memory_space<vmem>> -> memref<1x100xi32, #tpu.memory_space<vmem>>
      %dma_wait3A_867 = tpu.memref_squeeze %dma_wait3A_866 : memref<1x100xi32, #tpu.memory_space<vmem>> -> memref<100xi32, #tpu.memory_space<vmem>>
      %dma_wait3A_868 = arith.constant 0 : i32
      %dma_wait3A_869 = arith.constant 0 : i32
      %dma_wait3A_870 = tpu.memref_slice %arg2[%dma_wait3A_868, %dma_wait3A_869] : memref<200000x128xf32, #tpu.memory_space<hbm>> -> memref<200000x128xf32, #tpu.memory_space<hbm>>
      tpu.wait_indirect_dma semaphore(%arg19 : memref<!tpu.dma_semaphore, #tpu.memory_space<semaphore_mem>>) src(%dma_wait3A_870 : memref<200000x128xf32, #tpu.memory_space<hbm>>) dst(%arg10 : memref<100x128xf32, #tpu.memory_space<vmem>>)
      %add3A_871 = arith.constant 4 : i32
      %add3A_872 = arith.addi %add3A_59, %add3A_871 : i32
      %get3A_873 = arith.constant 0 : i32
      %get3A_874 = arith.index_cast %get3A_873 : i32 to index
      %get3A_875 = arith.constant 0 : index
      %get3A_876 = tpu.vector_load %arg10[%get3A_874, %get3A_875] {strides = array<i32>} : memref<100x128xf32, #tpu.memory_space<vmem>>, vector<1x16xf32>,
      %get3A_877 = vector.shape_cast %get3A_876 : vector<1x16xf32> to vector<16xf32>
      %get3A_878 = arith.constant 0 : i32
      %get3A_879 = arith.index_cast %get3A_878 : i32 to index
      %get3A_880 = arith.constant 16 : index
      %get3A_881 = tpu.vector_load %arg10[%get3A_879, %get3A_880] {strides = array<i32>} : memref<100x128xf32, #tpu.memory_space<vmem>>, vector<1x16xf32>,
      %get3A_882 = vector.shape_cast %get3A_881 : vector<1x16xf32> to vector<16xf32>
      %get3A_883 = arith.constant 0 : i32
      %get3A_884 = arith.index_cast %get3A_883 : i32 to index
      %get3A_885 = arith.constant 32 : index
      %get3A_886 = tpu.vector_load %arg10[%get3A_884, %get3A_885] {strides = array<i32>} : memref<100x128xf32, #tpu.memory_space<vmem>>, vector<1x16xf32>,
      %get3A_887 = vector.shape_cast %get3A_886 : vector<1x16xf32> to vector<16xf32>
      %get3A_888 = arith.constant 0 : i32
      %get3A_889 = arith.index_cast %get3A_888 : i32 to index
      %get3A_890 = arith.constant 48 : index
      %get3A_891 = tpu.vector_load %arg10[%get3A_889, %get3A_890] {strides = array<i32>} : memref<100x128xf32, #tpu.memory_space<vmem>>, vector<1x16xf32>,
      %get3A_892 = vector.shape_cast %get3A_891 : vector<1x16xf32> to vector<16xf32>
      %get3A_893 = arith.constant 0 : i32
      %get3A_894 = arith.index_cast %get3A_893 : i32 to index
      %get3A_895 = arith.constant 64 : index
      %get3A_896 = tpu.vector_load %arg10[%get3A_894, %get3A_895] {strides = array<i32>} : memref<100x128xf32, #tpu.memory_space<vmem>>, vector<1x16xf32>,
      %get3A_897 = vector.shape_cast %get3A_896 : vector<1x16xf32> to vector<16xf32>
      %get3A_898 = arith.constant 0 : i32
      %get3A_899 = arith.index_cast %get3A_898 : i32 to index
      %get3A_900 = arith.constant 80 : index
      %get3A_901 = tpu.vector_load %arg10[%get3A_899, %get3A_900] {strides = array<i32>} : memref<100x128xf32, #tpu.memory_space<vmem>>, vector<1x16xf32>,
      %get3A_902 = vector.shape_cast %get3A_901 : vector<1x16xf32> to vector<16xf32>
      %get3A_903 = arith.constant 0 : i32
      %get3A_904 = arith.index_cast %get3A_903 : i32 to index
      %get3A_905 = arith.constant 96 : index
      %get3A_906 = tpu.vector_load %arg10[%get3A_904, %get3A_905] {strides = array<i32>} : memref<100x128xf32, #tpu.memory_space<vmem>>, vector<1x16xf32>,
      %get3A_907 = vector.shape_cast %get3A_906 : vector<1x16xf32> to vector<16xf32>
      %get3A_908 = arith.constant 0 : i32
      %get3A_909 = arith.index_cast %get3A_908 : i32 to index
      %get3A_910 = arith.constant 112 : index
      %get3A_911 = tpu.vector_load %arg10[%get3A_909, %get3A_910] {strides = array<i32>} : memref<100x128xf32, #tpu.memory_space<vmem>>, vector<1x16xf32>,
      %get3A_912 = vector.shape_cast %get3A_911 : vector<1x16xf32> to vector<16xf32>
      %scan3A_913 = arith.constant 1 : i32
      %scan3A_914 = arith.constant 49 : i32
      %scan3A_915 = arith.addi %scan3A_913, %scan3A_914 : i32
      %scan3A_916 = arith.constant 1 : i32
      %scan3A_917:8 = scf.for %scan3A_1653 = %scan3A_913 to %scan3A_915 step %scan3A_916 iter_args(%scan3A_1654 = %get3A_877, %scan3A_1655 = %get3A_882, %scan3A_1656 = %get3A_887, %scan3A_1657 = %get3A_892, %scan3A_1658 = %get3A_897, %scan3A_1659 = %get3A_902, %scan3A_1660 = %get3A_907, %scan3A_1661 = %get3A_912) -> (vector<16xf32>, vector<16xf32>, vector<16xf32>, vector<16xf32>, vector<16xf32>, vector<16xf32>, vector<16xf32>, vector<16xf32>)  : i32 {
        %get3A_1662 = arith.index_cast %scan3A_1653 : i32 to index
        %get3A_1663 = arith.constant 0 : index
        %get3A_1664 = tpu.vector_load %arg10[%get3A_1662, %get3A_1663] {strides = array<i32>} : memref<100x128xf32, #tpu.memory_space<vmem>>, vector<1x16xf32>,
        %get3A_1665 = vector.shape_cast %get3A_1664 : vector<1x16xf32> to vector<16xf32>
        %add3A_1666 = arith.addf %scan3A_1654, %get3A_1665 : vector<16xf32>
        %get3A_1667 = arith.index_cast %scan3A_1653 : i32 to index
        %get3A_1668 = arith.constant 16 : index
        %get3A_1669 = tpu.vector_load %arg10[%get3A_1667, %get3A_1668] {strides = array<i32>} : memref<100x128xf32, #tpu.memory_space<vmem>>, vector<1x16xf32>,
        %get3A_1670 = vector.shape_cast %get3A_1669 : vector<1x16xf32> to vector<16xf32>
        %add3A_1671 = arith.addf %scan3A_1655, %get3A_1670 : vector<16xf32>
        %get3A_1672 = arith.index_cast %scan3A_1653 : i32 to index
        %get3A_1673 = arith.constant 32 : index
        %get3A_1674 = tpu.vector_load %arg10[%get3A_1672, %get3A_1673] {strides = array<i32>} : memref<100x128xf32, #tpu.memory_space<vmem>>, vector<1x16xf32>,
        %get3A_1675 = vector.shape_cast %get3A_1674 : vector<1x16xf32> to vector<16xf32>
        %add3A_1676 = arith.addf %scan3A_1656, %get3A_1675 : vector<16xf32>
        %get3A_1677 = arith.index_cast %scan3A_1653 : i32 to index
        %get3A_1678 = arith.constant 48 : index
        %get3A_1679 = tpu.vector_load %arg10[%get3A_1677, %get3A_1678] {strides = array<i32>} : memref<100x128xf32, #tpu.memory_space<vmem>>, vector<1x16xf32>,
        %get3A_1680 = vector.shape_cast %get3A_1679 : vector<1x16xf32> to vector<16xf32>
        %add3A_1681 = arith.addf %scan3A_1657, %get3A_1680 : vector<16xf32>
        %get3A_1682 = arith.index_cast %scan3A_1653 : i32 to index
        %get3A_1683 = arith.constant 64 : index
        %get3A_1684 = tpu.vector_load %arg10[%get3A_1682, %get3A_1683] {strides = array<i32>} : memref<100x128xf32, #tpu.memory_space<vmem>>, vector<1x16xf32>,
        %get3A_1685 = vector.shape_cast %get3A_1684 : vector<1x16xf32> to vector<16xf32>
        %add3A_1686 = arith.addf %scan3A_1658, %get3A_1685 : vector<16xf32>
        %get3A_1687 = arith.index_cast %scan3A_1653 : i32 to index
        %get3A_1688 = arith.constant 80 : index
        %get3A_1689 = tpu.vector_load %arg10[%get3A_1687, %get3A_1688] {strides = array<i32>} : memref<100x128xf32, #tpu.memory_space<vmem>>, vector<1x16xf32>,
        %get3A_1690 = vector.shape_cast %get3A_1689 : vector<1x16xf32> to vector<16xf32>
        %add3A_1691 = arith.addf %scan3A_1659, %get3A_1690 : vector<16xf32>
        %get3A_1692 = arith.index_cast %scan3A_1653 : i32 to index
        %get3A_1693 = arith.constant 96 : index
        %get3A_1694 = tpu.vector_load %arg10[%get3A_1692, %get3A_1693] {strides = array<i32>} : memref<100x128xf32, #tpu.memory_space<vmem>>, vector<1x16xf32>,
        %get3A_1695 = vector.shape_cast %get3A_1694 : vector<1x16xf32> to vector<16xf32>
        %add3A_1696 = arith.addf %scan3A_1660, %get3A_1695 : vector<16xf32>
        %get3A_1697 = arith.index_cast %scan3A_1653 : i32 to index
        %get3A_1698 = arith.constant 112 : index
        %get3A_1699 = tpu.vector_load %arg10[%get3A_1697, %get3A_1698] {strides = array<i32>} : memref<100x128xf32, #tpu.memory_space<vmem>>, vector<1x16xf32>,
        %get3A_1700 = vector.shape_cast %get3A_1699 : vector<1x16xf32> to vector<16xf32>
        %add3A_1701 = arith.addf %scan3A_1661, %get3A_1700 : vector<16xf32>
        scf.yield %add3A_1666, %add3A_1671, %add3A_1676, %add3A_1681, %add3A_1686, %add3A_1691, %add3A_1696, %add3A_1701 : vector<16xf32>, vector<16xf32>, vector<16xf32>, vector<16xf32>, vector<16xf32>, vector<16xf32>, vector<16xf32>, vector<16xf32>
      }
      %scan3A_918 = arith.constant 49 : i32
      %mul3A_919 = arith.constant 2 : i32
      %mul3A_920 = arith.muli %add3A_872, %mul3A_919 : i32
      %add3A_921 = arith.constant 0 : i32
      %add3A_922 = arith.addi %mul3A_920, %add3A_921 : i32
      %swap3A_923 = arith.index_cast %add3A_922 : i32 to index
      %swap3A_924 = arith.constant 0 : index
      %swap3A_925 = tpu.vector_load %arg14[%swap3A_923, %swap3A_924] {strides = array<i32>} : memref<128x128xf32, #tpu.memory_space<vmem>>, vector<1x16xf32>,
      %swap3A_926 = vector.shape_cast %swap3A_925 : vector<1x16xf32> to vector<16xf32>
      %swap3A_927 = vector.shape_cast %scan3A_917#0 : vector<16xf32> to vector<1x16xf32>
      tpu.vector_store %arg14[%swap3A_923, %swap3A_924], %swap3A_927 {strides = array<i32>} : memref<128x128xf32, #tpu.memory_space<vmem>>, vector<1x16xf32>,
      %swap3A_928 = arith.index_cast %add3A_922 : i32 to index
      %swap3A_929 = arith.constant 16 : index
      %swap3A_930 = tpu.vector_load %arg14[%swap3A_928, %swap3A_929] {strides = array<i32>} : memref<128x128xf32, #tpu.memory_space<vmem>>, vector<1x16xf32>,
      %swap3A_931 = vector.shape_cast %swap3A_930 : vector<1x16xf32> to vector<16xf32>
      %swap3A_932 = vector.shape_cast %scan3A_917#1 : vector<16xf32> to vector<1x16xf32>
      tpu.vector_store %arg14[%swap3A_928, %swap3A_929], %swap3A_932 {strides = array<i32>} : memref<128x128xf32, #tpu.memory_space<vmem>>, vector<1x16xf32>,
      %swap3A_933 = arith.index_cast %add3A_922 : i32 to index
      %swap3A_934 = arith.constant 32 : index
      %swap3A_935 = tpu.vector_load %arg14[%swap3A_933, %swap3A_934] {strides = array<i32>} : memref<128x128xf32, #tpu.memory_space<vmem>>, vector<1x16xf32>,
      %swap3A_936 = vector.shape_cast %swap3A_935 : vector<1x16xf32> to vector<16xf32>
      %swap3A_937 = vector.shape_cast %scan3A_917#2 : vector<16xf32> to vector<1x16xf32>
      tpu.vector_store %arg14[%swap3A_933, %swap3A_934], %swap3A_937 {strides = array<i32>} : memref<128x128xf32, #tpu.memory_space<vmem>>, vector<1x16xf32>,
      %swap3A_938 = arith.index_cast %add3A_922 : i32 to index
      %swap3A_939 = arith.constant 48 : index
      %swap3A_940 = tpu.vector_load %arg14[%swap3A_938, %swap3A_939] {strides = array<i32>} : memref<128x128xf32, #tpu.memory_space<vmem>>, vector<1x16xf32>,
      %swap3A_941 = vector.shape_cast %swap3A_940 : vector<1x16xf32> to vector<16xf32>
      %swap3A_942 = vector.shape_cast %scan3A_917#3 : vector<16xf32> to vector<1x16xf32>
      tpu.vector_store %arg14[%swap3A_938, %swap3A_939], %swap3A_942 {strides = array<i32>} : memref<128x128xf32, #tpu.memory_space<vmem>>, vector<1x16xf32>,
      %swap3A_943 = arith.index_cast %add3A_922 : i32 to index
      %swap3A_944 = arith.constant 64 : index
      %swap3A_945 = tpu.vector_load %arg14[%swap3A_943, %swap3A_944] {strides = array<i32>} : memref<128x128xf32, #tpu.memory_space<vmem>>, vector<1x16xf32>,
      %swap3A_946 = vector.shape_cast %swap3A_945 : vector<1x16xf32> to vector<16xf32>
      %swap3A_947 = vector.shape_cast %scan3A_917#4 : vector<16xf32> to vector<1x16xf32>
      tpu.vector_store %arg14[%swap3A_943, %swap3A_944], %swap3A_947 {strides = array<i32>} : memref<128x128xf32, #tpu.memory_space<vmem>>, vector<1x16xf32>,
      %swap3A_948 = arith.index_cast %add3A_922 : i32 to index
      %swap3A_949 = arith.constant 80 : index
      %swap3A_950 = tpu.vector_load %arg14[%swap3A_948, %swap3A_949] {strides = array<i32>} : memref<128x128xf32, #tpu.memory_space<vmem>>, vector<1x16xf32>,
      %swap3A_951 = vector.shape_cast %swap3A_950 : vector<1x16xf32> to vector<16xf32>
      %swap3A_952 = vector.shape_cast %scan3A_917#5 : vector<16xf32> to vector<1x16xf32>
      tpu.vector_store %arg14[%swap3A_948, %swap3A_949], %swap3A_952 {strides = array<i32>} : memref<128x128xf32, #tpu.memory_space<vmem>>, vector<1x16xf32>,
      %swap3A_953 = arith.index_cast %add3A_922 : i32 to index
      %swap3A_954 = arith.constant 96 : index
      %swap3A_955 = tpu.vector_load %arg14[%swap3A_953, %swap3A_954] {strides = array<i32>} : memref<128x128xf32, #tpu.memory_space<vmem>>, vector<1x16xf32>,
      %swap3A_956 = vector.shape_cast %swap3A_955 : vector<1x16xf32> to vector<16xf32>
      %swap3A_957 = vector.shape_cast %scan3A_917#6 : vector<16xf32> to vector<1x16xf32>
      tpu.vector_store %arg14[%swap3A_953, %swap3A_954], %swap3A_957 {strides = array<i32>} : memref<128x128xf32, #tpu.memory_space<vmem>>, vector<1x16xf32>,
      %swap3A_958 = arith.index_cast %add3A_922 : i32 to index
      %swap3A_959 = arith.constant 112 : index
      %swap3A_960 = tpu.vector_load %arg14[%swap3A_958, %swap3A_959] {strides = array<i32>} : memref<128x128xf32, #tpu.memory_space<vmem>>, vector<1x16xf32>,
      %swap3A_961 = vector.shape_cast %swap3A_960 : vector<1x16xf32> to vector<16xf32>
      %swap3A_962 = vector.shape_cast %scan3A_917#7 : vector<16xf32> to vector<1x16xf32>
      tpu.vector_store %arg14[%swap3A_958, %swap3A_959], %swap3A_962 {strides = array<i32>} : memref<128x128xf32, #tpu.memory_space<vmem>>, vector<1x16xf32>,
      %get3A_963 = arith.constant 50 : i32
      %get3A_964 = arith.index_cast %get3A_963 : i32 to index
      %get3A_965 = arith.constant 0 : index
      %get3A_966 = tpu.vector_load %arg10[%get3A_964, %get3A_965] {strides = array<i32>} : memref<100x128xf32, #tpu.memory_space<vmem>>, vector<1x16xf32>,
      %get3A_967 = vector.shape_cast %get3A_966 : vector<1x16xf32> to vector<16xf32>
      %get3A_968 = arith.constant 50 : i32
      %get3A_969 = arith.index_cast %get3A_968 : i32 to index
      %get3A_970 = arith.constant 16 : index
      %get3A_971 = tpu.vector_load %arg10[%get3A_969, %get3A_970] {strides = array<i32>} : memref<100x128xf32, #tpu.memory_space<vmem>>, vector<1x16xf32>,
      %get3A_972 = vector.shape_cast %get3A_971 : vector<1x16xf32> to vector<16xf32>
      %get3A_973 = arith.constant 50 : i32
      %get3A_974 = arith.index_cast %get3A_973 : i32 to index
      %get3A_975 = arith.constant 32 : index
      %get3A_976 = tpu.vector_load %arg10[%get3A_974, %get3A_975] {strides = array<i32>} : memref<100x128xf32, #tpu.memory_space<vmem>>, vector<1x16xf32>,
      %get3A_977 = vector.shape_cast %get3A_976 : vector<1x16xf32> to vector<16xf32>
      %get3A_978 = arith.constant 50 : i32
      %get3A_979 = arith.index_cast %get3A_978 : i32 to index
      %get3A_980 = arith.constant 48 : index
      %get3A_981 = tpu.vector_load %arg10[%get3A_979, %get3A_980] {strides = array<i32>} : memref<100x128xf32, #tpu.memory_space<vmem>>, vector<1x16xf32>,
      %get3A_982 = vector.shape_cast %get3A_981 : vector<1x16xf32> to vector<16xf32>
      %get3A_983 = arith.constant 50 : i32
      %get3A_984 = arith.index_cast %get3A_983 : i32 to index
      %get3A_985 = arith.constant 64 : index
      %get3A_986 = tpu.vector_load %arg10[%get3A_984, %get3A_985] {strides = array<i32>} : memref<100x128xf32, #tpu.memory_space<vmem>>, vector<1x16xf32>,
      %get3A_987 = vector.shape_cast %get3A_986 : vector<1x16xf32> to vector<16xf32>
      %get3A_988 = arith.constant 50 : i32
      %get3A_989 = arith.index_cast %get3A_988 : i32 to index
      %get3A_990 = arith.constant 80 : index
      %get3A_991 = tpu.vector_load %arg10[%get3A_989, %get3A_990] {strides = array<i32>} : memref<100x128xf32, #tpu.memory_space<vmem>>, vector<1x16xf32>,
      %get3A_992 = vector.shape_cast %get3A_991 : vector<1x16xf32> to vector<16xf32>
      %get3A_993 = arith.constant 50 : i32
      %get3A_994 = arith.index_cast %get3A_993 : i32 to index
      %get3A_995 = arith.constant 96 : index
      %get3A_996 = tpu.vector_load %arg10[%get3A_994, %get3A_995] {strides = array<i32>} : memref<100x128xf32, #tpu.memory_space<vmem>>, vector<1x16xf32>,
      %get3A_997 = vector.shape_cast %get3A_996 : vector<1x16xf32> to vector<16xf32>
      %get3A_998 = arith.constant 50 : i32
      %get3A_999 = arith.index_cast %get3A_998 : i32 to index
      %get3A_1000 = arith.constant 112 : index
      %get3A_1001 = tpu.vector_load %arg10[%get3A_999, %get3A_1000] {strides = array<i32>} : memref<100x128xf32, #tpu.memory_space<vmem>>, vector<1x16xf32>,
      %get3A_1002 = vector.shape_cast %get3A_1001 : vector<1x16xf32> to vector<16xf32>
      %scan3A_1003 = arith.constant 51 : i32
      %scan3A_1004 = arith.constant 49 : i32
      %scan3A_1005 = arith.addi %scan3A_1003, %scan3A_1004 : i32
      %scan3A_1006 = arith.constant 1 : i32
      %scan3A_1007:8 = scf.for %scan3A_1653 = %scan3A_1003 to %scan3A_1005 step %scan3A_1006 iter_args(%scan3A_1654 = %get3A_967, %scan3A_1655 = %get3A_972, %scan3A_1656 = %get3A_977, %scan3A_1657 = %get3A_982, %scan3A_1658 = %get3A_987, %scan3A_1659 = %get3A_992, %scan3A_1660 = %get3A_997, %scan3A_1661 = %get3A_1002) -> (vector<16xf32>, vector<16xf32>, vector<16xf32>, vector<16xf32>, vector<16xf32>, vector<16xf32>, vector<16xf32>, vector<16xf32>)  : i32 {
        %get3A_1662 = arith.index_cast %scan3A_1653 : i32 to index
        %get3A_1663 = arith.constant 0 : index
        %get3A_1664 = tpu.vector_load %arg10[%get3A_1662, %get3A_1663] {strides = array<i32>} : memref<100x128xf32, #tpu.memory_space<vmem>>, vector<1x16xf32>,
        %get3A_1665 = vector.shape_cast %get3A_1664 : vector<1x16xf32> to vector<16xf32>
        %add3A_1666 = arith.addf %scan3A_1654, %get3A_1665 : vector<16xf32>
        %get3A_1667 = arith.index_cast %scan3A_1653 : i32 to index
        %get3A_1668 = arith.constant 16 : index
        %get3A_1669 = tpu.vector_load %arg10[%get3A_1667, %get3A_1668] {strides = array<i32>} : memref<100x128xf32, #tpu.memory_space<vmem>>, vector<1x16xf32>,
        %get3A_1670 = vector.shape_cast %get3A_1669 : vector<1x16xf32> to vector<16xf32>
        %add3A_1671 = arith.addf %scan3A_1655, %get3A_1670 : vector<16xf32>
        %get3A_1672 = arith.index_cast %scan3A_1653 : i32 to index
        %get3A_1673 = arith.constant 32 : index
        %get3A_1674 = tpu.vector_load %arg10[%get3A_1672, %get3A_1673] {strides = array<i32>} : memref<100x128xf32, #tpu.memory_space<vmem>>, vector<1x16xf32>,
        %get3A_1675 = vector.shape_cast %get3A_1674 : vector<1x16xf32> to vector<16xf32>
        %add3A_1676 = arith.addf %scan3A_1656, %get3A_1675 : vector<16xf32>
        %get3A_1677 = arith.index_cast %scan3A_1653 : i32 to index
        %get3A_1678 = arith.constant 48 : index
        %get3A_1679 = tpu.vector_load %arg10[%get3A_1677, %get3A_1678] {strides = array<i32>} : memref<100x128xf32, #tpu.memory_space<vmem>>, vector<1x16xf32>,
        %get3A_1680 = vector.shape_cast %get3A_1679 : vector<1x16xf32> to vector<16xf32>
        %add3A_1681 = arith.addf %scan3A_1657, %get3A_1680 : vector<16xf32>
        %get3A_1682 = arith.index_cast %scan3A_1653 : i32 to index
        %get3A_1683 = arith.constant 64 : index
        %get3A_1684 = tpu.vector_load %arg10[%get3A_1682, %get3A_1683] {strides = array<i32>} : memref<100x128xf32, #tpu.memory_space<vmem>>, vector<1x16xf32>,
        %get3A_1685 = vector.shape_cast %get3A_1684 : vector<1x16xf32> to vector<16xf32>
        %add3A_1686 = arith.addf %scan3A_1658, %get3A_1685 : vector<16xf32>
        %get3A_1687 = arith.index_cast %scan3A_1653 : i32 to index
        %get3A_1688 = arith.constant 80 : index
        %get3A_1689 = tpu.vector_load %arg10[%get3A_1687, %get3A_1688] {strides = array<i32>} : memref<100x128xf32, #tpu.memory_space<vmem>>, vector<1x16xf32>,
        %get3A_1690 = vector.shape_cast %get3A_1689 : vector<1x16xf32> to vector<16xf32>
        %add3A_1691 = arith.addf %scan3A_1659, %get3A_1690 : vector<16xf32>
        %get3A_1692 = arith.index_cast %scan3A_1653 : i32 to index
        %get3A_1693 = arith.constant 96 : index
        %get3A_1694 = tpu.vector_load %arg10[%get3A_1692, %get3A_1693] {strides = array<i32>} : memref<100x128xf32, #tpu.memory_space<vmem>>, vector<1x16xf32>,
        %get3A_1695 = vector.shape_cast %get3A_1694 : vector<1x16xf32> to vector<16xf32>
        %add3A_1696 = arith.addf %scan3A_1660, %get3A_1695 : vector<16xf32>
        %get3A_1697 = arith.index_cast %scan3A_1653 : i32 to index
        %get3A_1698 = arith.constant 112 : index
        %get3A_1699 = tpu.vector_load %arg10[%get3A_1697, %get3A_1698] {strides = array<i32>} : memref<100x128xf32, #tpu.memory_space<vmem>>, vector<1x16xf32>,
        %get3A_1700 = vector.shape_cast %get3A_1699 : vector<1x16xf32> to vector<16xf32>
        %add3A_1701 = arith.addf %scan3A_1661, %get3A_1700 : vector<16xf32>
        scf.yield %add3A_1666, %add3A_1671, %add3A_1676, %add3A_1681, %add3A_1686, %add3A_1691, %add3A_1696, %add3A_1701 : vector<16xf32>, vector<16xf32>, vector<16xf32>, vector<16xf32>, vector<16xf32>, vector<16xf32>, vector<16xf32>, vector<16xf32>
      }
      %scan3A_1008 = arith.constant 49 : i32
      %mul3A_1009 = arith.constant 2 : i32
      %mul3A_1010 = arith.muli %add3A_872, %mul3A_1009 : i32
      %add3A_1011 = arith.constant 1 : i32
      %add3A_1012 = arith.addi %mul3A_1010, %add3A_1011 : i32
      %swap3A_1013 = arith.index_cast %add3A_1012 : i32 to index
      %swap3A_1014 = arith.constant 0 : index
      %swap3A_1015 = tpu.vector_load %arg14[%swap3A_1013, %swap3A_1014] {strides = array<i32>} : memref<128x128xf32, #tpu.memory_space<vmem>>, vector<1x16xf32>,
      %swap3A_1016 = vector.shape_cast %swap3A_1015 : vector<1x16xf32> to vector<16xf32>
      %swap3A_1017 = vector.shape_cast %scan3A_1007#0 : vector<16xf32> to vector<1x16xf32>
      tpu.vector_store %arg14[%swap3A_1013, %swap3A_1014], %swap3A_1017 {strides = array<i32>} : memref<128x128xf32, #tpu.memory_space<vmem>>, vector<1x16xf32>,
      %swap3A_1018 = arith.index_cast %add3A_1012 : i32 to index
      %swap3A_1019 = arith.constant 16 : index
      %swap3A_1020 = tpu.vector_load %arg14[%swap3A_1018, %swap3A_1019] {strides = array<i32>} : memref<128x128xf32, #tpu.memory_space<vmem>>, vector<1x16xf32>,
      %swap3A_1021 = vector.shape_cast %swap3A_1020 : vector<1x16xf32> to vector<16xf32>
      %swap3A_1022 = vector.shape_cast %scan3A_1007#1 : vector<16xf32> to vector<1x16xf32>
      tpu.vector_store %arg14[%swap3A_1018, %swap3A_1019], %swap3A_1022 {strides = array<i32>} : memref<128x128xf32, #tpu.memory_space<vmem>>, vector<1x16xf32>,
      %swap3A_1023 = arith.index_cast %add3A_1012 : i32 to index
      %swap3A_1024 = arith.constant 32 : index
      %swap3A_1025 = tpu.vector_load %arg14[%swap3A_1023, %swap3A_1024] {strides = array<i32>} : memref<128x128xf32, #tpu.memory_space<vmem>>, vector<1x16xf32>,
      %swap3A_1026 = vector.shape_cast %swap3A_1025 : vector<1x16xf32> to vector<16xf32>
      %swap3A_1027 = vector.shape_cast %scan3A_1007#2 : vector<16xf32> to vector<1x16xf32>
      tpu.vector_store %arg14[%swap3A_1023, %swap3A_1024], %swap3A_1027 {strides = array<i32>} : memref<128x128xf32, #tpu.memory_space<vmem>>, vector<1x16xf32>,
      %swap3A_1028 = arith.index_cast %add3A_1012 : i32 to index
      %swap3A_1029 = arith.constant 48 : index
      %swap3A_1030 = tpu.vector_load %arg14[%swap3A_1028, %swap3A_1029] {strides = array<i32>} : memref<128x128xf32, #tpu.memory_space<vmem>>, vector<1x16xf32>,
      %swap3A_1031 = vector.shape_cast %swap3A_1030 : vector<1x16xf32> to vector<16xf32>
      %swap3A_1032 = vector.shape_cast %scan3A_1007#3 : vector<16xf32> to vector<1x16xf32>
      tpu.vector_store %arg14[%swap3A_1028, %swap3A_1029], %swap3A_1032 {strides = array<i32>} : memref<128x128xf32, #tpu.memory_space<vmem>>, vector<1x16xf32>,
      %swap3A_1033 = arith.index_cast %add3A_1012 : i32 to index
      %swap3A_1034 = arith.constant 64 : index
      %swap3A_1035 = tpu.vector_load %arg14[%swap3A_1033, %swap3A_1034] {strides = array<i32>} : memref<128x128xf32, #tpu.memory_space<vmem>>, vector<1x16xf32>,
      %swap3A_1036 = vector.shape_cast %swap3A_1035 : vector<1x16xf32> to vector<16xf32>
      %swap3A_1037 = vector.shape_cast %scan3A_1007#4 : vector<16xf32> to vector<1x16xf32>
      tpu.vector_store %arg14[%swap3A_1033, %swap3A_1034], %swap3A_1037 {strides = array<i32>} : memref<128x128xf32, #tpu.memory_space<vmem>>, vector<1x16xf32>,
      %swap3A_1038 = arith.index_cast %add3A_1012 : i32 to index
      %swap3A_1039 = arith.constant 80 : index
      %swap3A_1040 = tpu.vector_load %arg14[%swap3A_1038, %swap3A_1039] {strides = array<i32>} : memref<128x128xf32, #tpu.memory_space<vmem>>, vector<1x16xf32>,
      %swap3A_1041 = vector.shape_cast %swap3A_1040 : vector<1x16xf32> to vector<16xf32>
      %swap3A_1042 = vector.shape_cast %scan3A_1007#5 : vector<16xf32> to vector<1x16xf32>
      tpu.vector_store %arg14[%swap3A_1038, %swap3A_1039], %swap3A_1042 {strides = array<i32>} : memref<128x128xf32, #tpu.memory_space<vmem>>, vector<1x16xf32>,
      %swap3A_1043 = arith.index_cast %add3A_1012 : i32 to index
      %swap3A_1044 = arith.constant 96 : index
      %swap3A_1045 = tpu.vector_load %arg14[%swap3A_1043, %swap3A_1044] {strides = array<i32>} : memref<128x128xf32, #tpu.memory_space<vmem>>, vector<1x16xf32>,
      %swap3A_1046 = vector.shape_cast %swap3A_1045 : vector<1x16xf32> to vector<16xf32>
      %swap3A_1047 = vector.shape_cast %scan3A_1007#6 : vector<16xf32> to vector<1x16xf32>
      tpu.vector_store %arg14[%swap3A_1043, %swap3A_1044], %swap3A_1047 {strides = array<i32>} : memref<128x128xf32, #tpu.memory_space<vmem>>, vector<1x16xf32>,
      %swap3A_1048 = arith.index_cast %add3A_1012 : i32 to index
      %swap3A_1049 = arith.constant 112 : index
      %swap3A_1050 = tpu.vector_load %arg14[%swap3A_1048, %swap3A_1049] {strides = array<i32>} : memref<128x128xf32, #tpu.memory_space<vmem>>, vector<1x16xf32>,
      %swap3A_1051 = vector.shape_cast %swap3A_1050 : vector<1x16xf32> to vector<16xf32>
      %swap3A_1052 = vector.shape_cast %scan3A_1007#7 : vector<16xf32> to vector<1x16xf32>
      tpu.vector_store %arg14[%swap3A_1048, %swap3A_1049], %swap3A_1052 {strides = array<i32>} : memref<128x128xf32, #tpu.memory_space<vmem>>, vector<1x16xf32>,
      %add3A_1053 = arith.constant 5 : i32
      %add3A_1054 = arith.addi %add3A_59, %add3A_1053 : i32
      %add3A_1055 = arith.constant 8 : i32
      %add3A_1056 = arith.addi %add3A_1054, %add3A_1055 : i32
      %sub3A_1057 = arith.constant 1 : i32
      %sub3A_1058 = arith.subi %add3A_1056, %sub3A_1057 : i32
      %lt3A_1059 = arith.constant 64 : i32
      %lt3A_1060 = arith.cmpi slt, %sub3A_1058, %lt3A_1059 : i32
      %convert_element_type3A_1061 = arith.extui %lt3A_1060 : i1 to i32
      %cond3A_1062 = arith.constant 0 : i32
      %cond3A_1063 = arith.cmpi ne, %convert_element_type3A_1061, %cond3A_1062 : i32
      scf.if %cond3A_1063 {
        %dma_start3A_1653 = arith.constant 0 : i32
        %dma_start3A_1654 = tpu.memref_slice %arg5[%sub3A_1058, %dma_start3A_1653] : memref<64x100xi32, #tpu.memory_space<vmem>> -> memref<1x100xi32, #tpu.memory_space<vmem>>
        %dma_start3A_1655 = tpu.memref_squeeze %dma_start3A_1654 : memref<1x100xi32, #tpu.memory_space<vmem>> -> memref<100xi32, #tpu.memory_space<vmem>>
        %dma_start3A_1656 = arith.constant 0 : i32
        %dma_start3A_1657 = arith.constant 0 : i32
        %dma_start3A_1658 = tpu.memref_slice %arg2[%dma_start3A_1656, %dma_start3A_1657] : memref<200000x128xf32, #tpu.memory_space<hbm>> -> memref<200000x128xf32, #tpu.memory_space<hbm>>
        tpu.enqueue_indirect_dma source(%dma_start3A_1658 : memref<200000x128xf32, #tpu.memory_space<hbm>>) target(%arg10 : memref<100x128xf32, #tpu.memory_space<vmem>>) offsets(%dma_start3A_1655 : memref<100xi32, #tpu.memory_space<vmem>>) semaphore(%arg19 : memref<!tpu.dma_semaphore, #tpu.memory_space<semaphore_mem>>)
      } else {
      }
      %dma_wait3A_1064 = arith.constant 0 : i32
      %dma_wait3A_1065 = arith.constant 0 : i32
      %dma_wait3A_1066 = tpu.memref_slice %arg5[%dma_wait3A_1064, %dma_wait3A_1065] : memref<64x100xi32, #tpu.memory_space<vmem>> -> memref<1x100xi32, #tpu.memory_space<vmem>>
      %dma_wait3A_1067 = tpu.memref_squeeze %dma_wait3A_1066 : memref<1x100xi32, #tpu.memory_space<vmem>> -> memref<100xi32, #tpu.memory_space<vmem>>
      %dma_wait3A_1068 = arith.constant 0 : i32
      %dma_wait3A_1069 = arith.constant 0 : i32
      %dma_wait3A_1070 = tpu.memref_slice %arg2[%dma_wait3A_1068, %dma_wait3A_1069] : memref<200000x128xf32, #tpu.memory_space<hbm>> -> memref<200000x128xf32, #tpu.memory_space<hbm>>
      tpu.wait_indirect_dma semaphore(%arg20 : memref<!tpu.dma_semaphore, #tpu.memory_space<semaphore_mem>>) src(%dma_wait3A_1070 : memref<200000x128xf32, #tpu.memory_space<hbm>>) dst(%arg11 : memref<100x128xf32, #tpu.memory_space<vmem>>)
      %add3A_1071 = arith.constant 5 : i32
      %add3A_1072 = arith.addi %add3A_59, %add3A_1071 : i32
      %get3A_1073 = arith.constant 0 : i32
      %get3A_1074 = arith.index_cast %get3A_1073 : i32 to index
      %get3A_1075 = arith.constant 0 : index
      %get3A_1076 = tpu.vector_load %arg11[%get3A_1074, %get3A_1075] {strides = array<i32>} : memref<100x128xf32, #tpu.memory_space<vmem>>, vector<1x16xf32>,
      %get3A_1077 = vector.shape_cast %get3A_1076 : vector<1x16xf32> to vector<16xf32>
      %get3A_1078 = arith.constant 0 : i32
      %get3A_1079 = arith.index_cast %get3A_1078 : i32 to index
      %get3A_1080 = arith.constant 16 : index
      %get3A_1081 = tpu.vector_load %arg11[%get3A_1079, %get3A_1080] {strides = array<i32>} : memref<100x128xf32, #tpu.memory_space<vmem>>, vector<1x16xf32>,
      %get3A_1082 = vector.shape_cast %get3A_1081 : vector<1x16xf32> to vector<16xf32>
      %get3A_1083 = arith.constant 0 : i32
      %get3A_1084 = arith.index_cast %get3A_1083 : i32 to index
      %get3A_1085 = arith.constant 32 : index
      %get3A_1086 = tpu.vector_load %arg11[%get3A_1084, %get3A_1085] {strides = array<i32>} : memref<100x128xf32, #tpu.memory_space<vmem>>, vector<1x16xf32>,
      %get3A_1087 = vector.shape_cast %get3A_1086 : vector<1x16xf32> to vector<16xf32>
      %get3A_1088 = arith.constant 0 : i32
      %get3A_1089 = arith.index_cast %get3A_1088 : i32 to index
      %get3A_1090 = arith.constant 48 : index
      %get3A_1091 = tpu.vector_load %arg11[%get3A_1089, %get3A_1090] {strides = array<i32>} : memref<100x128xf32, #tpu.memory_space<vmem>>, vector<1x16xf32>,
      %get3A_1092 = vector.shape_cast %get3A_1091 : vector<1x16xf32> to vector<16xf32>
      %get3A_1093 = arith.constant 0 : i32
      %get3A_1094 = arith.index_cast %get3A_1093 : i32 to index
      %get3A_1095 = arith.constant 64 : index
      %get3A_1096 = tpu.vector_load %arg11[%get3A_1094, %get3A_1095] {strides = array<i32>} : memref<100x128xf32, #tpu.memory_space<vmem>>, vector<1x16xf32>,
      %get3A_1097 = vector.shape_cast %get3A_1096 : vector<1x16xf32> to vector<16xf32>
      %get3A_1098 = arith.constant 0 : i32
      %get3A_1099 = arith.index_cast %get3A_1098 : i32 to index
      %get3A_1100 = arith.constant 80 : index
      %get3A_1101 = tpu.vector_load %arg11[%get3A_1099, %get3A_1100] {strides = array<i32>} : memref<100x128xf32, #tpu.memory_space<vmem>>, vector<1x16xf32>,
      %get3A_1102 = vector.shape_cast %get3A_1101 : vector<1x16xf32> to vector<16xf32>
      %get3A_1103 = arith.constant 0 : i32
      %get3A_1104 = arith.index_cast %get3A_1103 : i32 to index
      %get3A_1105 = arith.constant 96 : index
      %get3A_1106 = tpu.vector_load %arg11[%get3A_1104, %get3A_1105] {strides = array<i32>} : memref<100x128xf32, #tpu.memory_space<vmem>>, vector<1x16xf32>,
      %get3A_1107 = vector.shape_cast %get3A_1106 : vector<1x16xf32> to vector<16xf32>
      %get3A_1108 = arith.constant 0 : i32
      %get3A_1109 = arith.index_cast %get3A_1108 : i32 to index
      %get3A_1110 = arith.constant 112 : index
      %get3A_1111 = tpu.vector_load %arg11[%get3A_1109, %get3A_1110] {strides = array<i32>} : memref<100x128xf32, #tpu.memory_space<vmem>>, vector<1x16xf32>,
      %get3A_1112 = vector.shape_cast %get3A_1111 : vector<1x16xf32> to vector<16xf32>
      %scan3A_1113 = arith.constant 1 : i32
      %scan3A_1114 = arith.constant 49 : i32
      %scan3A_1115 = arith.addi %scan3A_1113, %scan3A_1114 : i32
      %scan3A_1116 = arith.constant 1 : i32
      %scan3A_1117:8 = scf.for %scan3A_1653 = %scan3A_1113 to %scan3A_1115 step %scan3A_1116 iter_args(%scan3A_1654 = %get3A_1077, %scan3A_1655 = %get3A_1082, %scan3A_1656 = %get3A_1087, %scan3A_1657 = %get3A_1092, %scan3A_1658 = %get3A_1097, %scan3A_1659 = %get3A_1102, %scan3A_1660 = %get3A_1107, %scan3A_1661 = %get3A_1112) -> (vector<16xf32>, vector<16xf32>, vector<16xf32>, vector<16xf32>, vector<16xf32>, vector<16xf32>, vector<16xf32>, vector<16xf32>)  : i32 {
        %get3A_1662 = arith.index_cast %scan3A_1653 : i32 to index
        %get3A_1663 = arith.constant 0 : index
        %get3A_1664 = tpu.vector_load %arg11[%get3A_1662, %get3A_1663] {strides = array<i32>} : memref<100x128xf32, #tpu.memory_space<vmem>>, vector<1x16xf32>,
        %get3A_1665 = vector.shape_cast %get3A_1664 : vector<1x16xf32> to vector<16xf32>
        %add3A_1666 = arith.addf %scan3A_1654, %get3A_1665 : vector<16xf32>
        %get3A_1667 = arith.index_cast %scan3A_1653 : i32 to index
        %get3A_1668 = arith.constant 16 : index
        %get3A_1669 = tpu.vector_load %arg11[%get3A_1667, %get3A_1668] {strides = array<i32>} : memref<100x128xf32, #tpu.memory_space<vmem>>, vector<1x16xf32>,
        %get3A_1670 = vector.shape_cast %get3A_1669 : vector<1x16xf32> to vector<16xf32>
        %add3A_1671 = arith.addf %scan3A_1655, %get3A_1670 : vector<16xf32>
        %get3A_1672 = arith.index_cast %scan3A_1653 : i32 to index
        %get3A_1673 = arith.constant 32 : index
        %get3A_1674 = tpu.vector_load %arg11[%get3A_1672, %get3A_1673] {strides = array<i32>} : memref<100x128xf32, #tpu.memory_space<vmem>>, vector<1x16xf32>,
        %get3A_1675 = vector.shape_cast %get3A_1674 : vector<1x16xf32> to vector<16xf32>
        %add3A_1676 = arith.addf %scan3A_1656, %get3A_1675 : vector<16xf32>
        %get3A_1677 = arith.index_cast %scan3A_1653 : i32 to index
        %get3A_1678 = arith.constant 48 : index
        %get3A_1679 = tpu.vector_load %arg11[%get3A_1677, %get3A_1678] {strides = array<i32>} : memref<100x128xf32, #tpu.memory_space<vmem>>, vector<1x16xf32>,
        %get3A_1680 = vector.shape_cast %get3A_1679 : vector<1x16xf32> to vector<16xf32>
        %add3A_1681 = arith.addf %scan3A_1657, %get3A_1680 : vector<16xf32>
        %get3A_1682 = arith.index_cast %scan3A_1653 : i32 to index
        %get3A_1683 = arith.constant 64 : index
        %get3A_1684 = tpu.vector_load %arg11[%get3A_1682, %get3A_1683] {strides = array<i32>} : memref<100x128xf32, #tpu.memory_space<vmem>>, vector<1x16xf32>,
        %get3A_1685 = vector.shape_cast %get3A_1684 : vector<1x16xf32> to vector<16xf32>
        %add3A_1686 = arith.addf %scan3A_1658, %get3A_1685 : vector<16xf32>
        %get3A_1687 = arith.index_cast %scan3A_1653 : i32 to index
        %get3A_1688 = arith.constant 80 : index
        %get3A_1689 = tpu.vector_load %arg11[%get3A_1687, %get3A_1688] {strides = array<i32>} : memref<100x128xf32, #tpu.memory_space<vmem>>, vector<1x16xf32>,
        %get3A_1690 = vector.shape_cast %get3A_1689 : vector<1x16xf32> to vector<16xf32>
        %add3A_1691 = arith.addf %scan3A_1659, %get3A_1690 : vector<16xf32>
        %get3A_1692 = arith.index_cast %scan3A_1653 : i32 to index
        %get3A_1693 = arith.constant 96 : index
        %get3A_1694 = tpu.vector_load %arg11[%get3A_1692, %get3A_1693] {strides = array<i32>} : memref<100x128xf32, #tpu.memory_space<vmem>>, vector<1x16xf32>,
        %get3A_1695 = vector.shape_cast %get3A_1694 : vector<1x16xf32> to vector<16xf32>
        %add3A_1696 = arith.addf %scan3A_1660, %get3A_1695 : vector<16xf32>
        %get3A_1697 = arith.index_cast %scan3A_1653 : i32 to index
        %get3A_1698 = arith.constant 112 : index
        %get3A_1699 = tpu.vector_load %arg11[%get3A_1697, %get3A_1698] {strides = array<i32>} : memref<100x128xf32, #tpu.memory_space<vmem>>, vector<1x16xf32>,
        %get3A_1700 = vector.shape_cast %get3A_1699 : vector<1x16xf32> to vector<16xf32>
        %add3A_1701 = arith.addf %scan3A_1661, %get3A_1700 : vector<16xf32>
        scf.yield %add3A_1666, %add3A_1671, %add3A_1676, %add3A_1681, %add3A_1686, %add3A_1691, %add3A_1696, %add3A_1701 : vector<16xf32>, vector<16xf32>, vector<16xf32>, vector<16xf32>, vector<16xf32>, vector<16xf32>, vector<16xf32>, vector<16xf32>
      }
      %scan3A_1118 = arith.constant 49 : i32
      %mul3A_1119 = arith.constant 2 : i32
      %mul3A_1120 = arith.muli %add3A_1072, %mul3A_1119 : i32
      %add3A_1121 = arith.constant 0 : i32
      %add3A_1122 = arith.addi %mul3A_1120, %add3A_1121 : i32
      %swap3A_1123 = arith.index_cast %add3A_1122 : i32 to index
      %swap3A_1124 = arith.constant 0 : index
      %swap3A_1125 = tpu.vector_load %arg14[%swap3A_1123, %swap3A_1124] {strides = array<i32>} : memref<128x128xf32, #tpu.memory_space<vmem>>, vector<1x16xf32>,
      %swap3A_1126 = vector.shape_cast %swap3A_1125 : vector<1x16xf32> to vector<16xf32>
      %swap3A_1127 = vector.shape_cast %scan3A_1117#0 : vector<16xf32> to vector<1x16xf32>
      tpu.vector_store %arg14[%swap3A_1123, %swap3A_1124], %swap3A_1127 {strides = array<i32>} : memref<128x128xf32, #tpu.memory_space<vmem>>, vector<1x16xf32>,
      %swap3A_1128 = arith.index_cast %add3A_1122 : i32 to index
      %swap3A_1129 = arith.constant 16 : index
      %swap3A_1130 = tpu.vector_load %arg14[%swap3A_1128, %swap3A_1129] {strides = array<i32>} : memref<128x128xf32, #tpu.memory_space<vmem>>, vector<1x16xf32>,
      %swap3A_1131 = vector.shape_cast %swap3A_1130 : vector<1x16xf32> to vector<16xf32>
      %swap3A_1132 = vector.shape_cast %scan3A_1117#1 : vector<16xf32> to vector<1x16xf32>
      tpu.vector_store %arg14[%swap3A_1128, %swap3A_1129], %swap3A_1132 {strides = array<i32>} : memref<128x128xf32, #tpu.memory_space<vmem>>, vector<1x16xf32>,
      %swap3A_1133 = arith.index_cast %add3A_1122 : i32 to index
      %swap3A_1134 = arith.constant 32 : index
      %swap3A_1135 = tpu.vector_load %arg14[%swap3A_1133, %swap3A_1134] {strides = array<i32>} : memref<128x128xf32, #tpu.memory_space<vmem>>, vector<1x16xf32>,
      %swap3A_1136 = vector.shape_cast %swap3A_1135 : vector<1x16xf32> to vector<16xf32>
      %swap3A_1137 = vector.shape_cast %scan3A_1117#2 : vector<16xf32> to vector<1x16xf32>
      tpu.vector_store %arg14[%swap3A_1133, %swap3A_1134], %swap3A_1137 {strides = array<i32>} : memref<128x128xf32, #tpu.memory_space<vmem>>, vector<1x16xf32>,
      %swap3A_1138 = arith.index_cast %add3A_1122 : i32 to index
      %swap3A_1139 = arith.constant 48 : index
      %swap3A_1140 = tpu.vector_load %arg14[%swap3A_1138, %swap3A_1139] {strides = array<i32>} : memref<128x128xf32, #tpu.memory_space<vmem>>, vector<1x16xf32>,
      %swap3A_1141 = vector.shape_cast %swap3A_1140 : vector<1x16xf32> to vector<16xf32>
      %swap3A_1142 = vector.shape_cast %scan3A_1117#3 : vector<16xf32> to vector<1x16xf32>
      tpu.vector_store %arg14[%swap3A_1138, %swap3A_1139], %swap3A_1142 {strides = array<i32>} : memref<128x128xf32, #tpu.memory_space<vmem>>, vector<1x16xf32>,
      %swap3A_1143 = arith.index_cast %add3A_1122 : i32 to index
      %swap3A_1144 = arith.constant 64 : index
      %swap3A_1145 = tpu.vector_load %arg14[%swap3A_1143, %swap3A_1144] {strides = array<i32>} : memref<128x128xf32, #tpu.memory_space<vmem>>, vector<1x16xf32>,
      %swap3A_1146 = vector.shape_cast %swap3A_1145 : vector<1x16xf32> to vector<16xf32>
      %swap3A_1147 = vector.shape_cast %scan3A_1117#4 : vector<16xf32> to vector<1x16xf32>
      tpu.vector_store %arg14[%swap3A_1143, %swap3A_1144], %swap3A_1147 {strides = array<i32>} : memref<128x128xf32, #tpu.memory_space<vmem>>, vector<1x16xf32>,
      %swap3A_1148 = arith.index_cast %add3A_1122 : i32 to index
      %swap3A_1149 = arith.constant 80 : index
      %swap3A_1150 = tpu.vector_load %arg14[%swap3A_1148, %swap3A_1149] {strides = array<i32>} : memref<128x128xf32, #tpu.memory_space<vmem>>, vector<1x16xf32>,
      %swap3A_1151 = vector.shape_cast %swap3A_1150 : vector<1x16xf32> to vector<16xf32>
      %swap3A_1152 = vector.shape_cast %scan3A_1117#5 : vector<16xf32> to vector<1x16xf32>
      tpu.vector_store %arg14[%swap3A_1148, %swap3A_1149], %swap3A_1152 {strides = array<i32>} : memref<128x128xf32, #tpu.memory_space<vmem>>, vector<1x16xf32>,
      %swap3A_1153 = arith.index_cast %add3A_1122 : i32 to index
      %swap3A_1154 = arith.constant 96 : index
      %swap3A_1155 = tpu.vector_load %arg14[%swap3A_1153, %swap3A_1154] {strides = array<i32>} : memref<128x128xf32, #tpu.memory_space<vmem>>, vector<1x16xf32>,
      %swap3A_1156 = vector.shape_cast %swap3A_1155 : vector<1x16xf32> to vector<16xf32>
      %swap3A_1157 = vector.shape_cast %scan3A_1117#6 : vector<16xf32> to vector<1x16xf32>
      tpu.vector_store %arg14[%swap3A_1153, %swap3A_1154], %swap3A_1157 {strides = array<i32>} : memref<128x128xf32, #tpu.memory_space<vmem>>, vector<1x16xf32>,
      %swap3A_1158 = arith.index_cast %add3A_1122 : i32 to index
      %swap3A_1159 = arith.constant 112 : index
      %swap3A_1160 = tpu.vector_load %arg14[%swap3A_1158, %swap3A_1159] {strides = array<i32>} : memref<128x128xf32, #tpu.memory_space<vmem>>, vector<1x16xf32>,
      %swap3A_1161 = vector.shape_cast %swap3A_1160 : vector<1x16xf32> to vector<16xf32>
      %swap3A_1162 = vector.shape_cast %scan3A_1117#7 : vector<16xf32> to vector<1x16xf32>
      tpu.vector_store %arg14[%swap3A_1158, %swap3A_1159], %swap3A_1162 {strides = array<i32>} : memref<128x128xf32, #tpu.memory_space<vmem>>, vector<1x16xf32>,
      %get3A_1163 = arith.constant 50 : i32
      %get3A_1164 = arith.index_cast %get3A_1163 : i32 to index
      %get3A_1165 = arith.constant 0 : index
      %get3A_1166 = tpu.vector_load %arg11[%get3A_1164, %get3A_1165] {strides = array<i32>} : memref<100x128xf32, #tpu.memory_space<vmem>>, vector<1x16xf32>,
      %get3A_1167 = vector.shape_cast %get3A_1166 : vector<1x16xf32> to vector<16xf32>
      %get3A_1168 = arith.constant 50 : i32
      %get3A_1169 = arith.index_cast %get3A_1168 : i32 to index
      %get3A_1170 = arith.constant 16 : index
      %get3A_1171 = tpu.vector_load %arg11[%get3A_1169, %get3A_1170] {strides = array<i32>} : memref<100x128xf32, #tpu.memory_space<vmem>>, vector<1x16xf32>,
      %get3A_1172 = vector.shape_cast %get3A_1171 : vector<1x16xf32> to vector<16xf32>
      %get3A_1173 = arith.constant 50 : i32
      %get3A_1174 = arith.index_cast %get3A_1173 : i32 to index
      %get3A_1175 = arith.constant 32 : index
      %get3A_1176 = tpu.vector_load %arg11[%get3A_1174, %get3A_1175] {strides = array<i32>} : memref<100x128xf32, #tpu.memory_space<vmem>>, vector<1x16xf32>,
      %get3A_1177 = vector.shape_cast %get3A_1176 : vector<1x16xf32> to vector<16xf32>
      %get3A_1178 = arith.constant 50 : i32
      %get3A_1179 = arith.index_cast %get3A_1178 : i32 to index
      %get3A_1180 = arith.constant 48 : index
      %get3A_1181 = tpu.vector_load %arg11[%get3A_1179, %get3A_1180] {strides = array<i32>} : memref<100x128xf32, #tpu.memory_space<vmem>>, vector<1x16xf32>,
      %get3A_1182 = vector.shape_cast %get3A_1181 : vector<1x16xf32> to vector<16xf32>
      %get3A_1183 = arith.constant 50 : i32
      %get3A_1184 = arith.index_cast %get3A_1183 : i32 to index
      %get3A_1185 = arith.constant 64 : index
      %get3A_1186 = tpu.vector_load %arg11[%get3A_1184, %get3A_1185] {strides = array<i32>} : memref<100x128xf32, #tpu.memory_space<vmem>>, vector<1x16xf32>,
      %get3A_1187 = vector.shape_cast %get3A_1186 : vector<1x16xf32> to vector<16xf32>
      %get3A_1188 = arith.constant 50 : i32
      %get3A_1189 = arith.index_cast %get3A_1188 : i32 to index
      %get3A_1190 = arith.constant 80 : index
      %get3A_1191 = tpu.vector_load %arg11[%get3A_1189, %get3A_1190] {strides = array<i32>} : memref<100x128xf32, #tpu.memory_space<vmem>>, vector<1x16xf32>,
      %get3A_1192 = vector.shape_cast %get3A_1191 : vector<1x16xf32> to vector<16xf32>
      %get3A_1193 = arith.constant 50 : i32
      %get3A_1194 = arith.index_cast %get3A_1193 : i32 to index
      %get3A_1195 = arith.constant 96 : index
      %get3A_1196 = tpu.vector_load %arg11[%get3A_1194, %get3A_1195] {strides = array<i32>} : memref<100x128xf32, #tpu.memory_space<vmem>>, vector<1x16xf32>,
      %get3A_1197 = vector.shape_cast %get3A_1196 : vector<1x16xf32> to vector<16xf32>
      %get3A_1198 = arith.constant 50 : i32
      %get3A_1199 = arith.index_cast %get3A_1198 : i32 to index
      %get3A_1200 = arith.constant 112 : index
      %get3A_1201 = tpu.vector_load %arg11[%get3A_1199, %get3A_1200] {strides = array<i32>} : memref<100x128xf32, #tpu.memory_space<vmem>>, vector<1x16xf32>,
      %get3A_1202 = vector.shape_cast %get3A_1201 : vector<1x16xf32> to vector<16xf32>
      %scan3A_1203 = arith.constant 51 : i32
      %scan3A_1204 = arith.constant 49 : i32
      %scan3A_1205 = arith.addi %scan3A_1203, %scan3A_1204 : i32
      %scan3A_1206 = arith.constant 1 : i32
      %scan3A_1207:8 = scf.for %scan3A_1653 = %scan3A_1203 to %scan3A_1205 step %scan3A_1206 iter_args(%scan3A_1654 = %get3A_1167, %scan3A_1655 = %get3A_1172, %scan3A_1656 = %get3A_1177, %scan3A_1657 = %get3A_1182, %scan3A_1658 = %get3A_1187, %scan3A_1659 = %get3A_1192, %scan3A_1660 = %get3A_1197, %scan3A_1661 = %get3A_1202) -> (vector<16xf32>, vector<16xf32>, vector<16xf32>, vector<16xf32>, vector<16xf32>, vector<16xf32>, vector<16xf32>, vector<16xf32>)  : i32 {
        %get3A_1662 = arith.index_cast %scan3A_1653 : i32 to index
        %get3A_1663 = arith.constant 0 : index
        %get3A_1664 = tpu.vector_load %arg11[%get3A_1662, %get3A_1663] {strides = array<i32>} : memref<100x128xf32, #tpu.memory_space<vmem>>, vector<1x16xf32>,
        %get3A_1665 = vector.shape_cast %get3A_1664 : vector<1x16xf32> to vector<16xf32>
        %add3A_1666 = arith.addf %scan3A_1654, %get3A_1665 : vector<16xf32>
        %get3A_1667 = arith.index_cast %scan3A_1653 : i32 to index
        %get3A_1668 = arith.constant 16 : index
        %get3A_1669 = tpu.vector_load %arg11[%get3A_1667, %get3A_1668] {strides = array<i32>} : memref<100x128xf32, #tpu.memory_space<vmem>>, vector<1x16xf32>,
        %get3A_1670 = vector.shape_cast %get3A_1669 : vector<1x16xf32> to vector<16xf32>
        %add3A_1671 = arith.addf %scan3A_1655, %get3A_1670 : vector<16xf32>
        %get3A_1672 = arith.index_cast %scan3A_1653 : i32 to index
        %get3A_1673 = arith.constant 32 : index
        %get3A_1674 = tpu.vector_load %arg11[%get3A_1672, %get3A_1673] {strides = array<i32>} : memref<100x128xf32, #tpu.memory_space<vmem>>, vector<1x16xf32>,
        %get3A_1675 = vector.shape_cast %get3A_1674 : vector<1x16xf32> to vector<16xf32>
        %add3A_1676 = arith.addf %scan3A_1656, %get3A_1675 : vector<16xf32>
        %get3A_1677 = arith.index_cast %scan3A_1653 : i32 to index
        %get3A_1678 = arith.constant 48 : index
        %get3A_1679 = tpu.vector_load %arg11[%get3A_1677, %get3A_1678] {strides = array<i32>} : memref<100x128xf32, #tpu.memory_space<vmem>>, vector<1x16xf32>,
        %get3A_1680 = vector.shape_cast %get3A_1679 : vector<1x16xf32> to vector<16xf32>
        %add3A_1681 = arith.addf %scan3A_1657, %get3A_1680 : vector<16xf32>
        %get3A_1682 = arith.index_cast %scan3A_1653 : i32 to index
        %get3A_1683 = arith.constant 64 : index
        %get3A_1684 = tpu.vector_load %arg11[%get3A_1682, %get3A_1683] {strides = array<i32>} : memref<100x128xf32, #tpu.memory_space<vmem>>, vector<1x16xf32>,
        %get3A_1685 = vector.shape_cast %get3A_1684 : vector<1x16xf32> to vector<16xf32>
        %add3A_1686 = arith.addf %scan3A_1658, %get3A_1685 : vector<16xf32>
        %get3A_1687 = arith.index_cast %scan3A_1653 : i32 to index
        %get3A_1688 = arith.constant 80 : index
        %get3A_1689 = tpu.vector_load %arg11[%get3A_1687, %get3A_1688] {strides = array<i32>} : memref<100x128xf32, #tpu.memory_space<vmem>>, vector<1x16xf32>,
        %get3A_1690 = vector.shape_cast %get3A_1689 : vector<1x16xf32> to vector<16xf32>
        %add3A_1691 = arith.addf %scan3A_1659, %get3A_1690 : vector<16xf32>
        %get3A_1692 = arith.index_cast %scan3A_1653 : i32 to index
        %get3A_1693 = arith.constant 96 : index
        %get3A_1694 = tpu.vector_load %arg11[%get3A_1692, %get3A_1693] {strides = array<i32>} : memref<100x128xf32, #tpu.memory_space<vmem>>, vector<1x16xf32>,
        %get3A_1695 = vector.shape_cast %get3A_1694 : vector<1x16xf32> to vector<16xf32>
        %add3A_1696 = arith.addf %scan3A_1660, %get3A_1695 : vector<16xf32>
        %get3A_1697 = arith.index_cast %scan3A_1653 : i32 to index
        %get3A_1698 = arith.constant 112 : index
        %get3A_1699 = tpu.vector_load %arg11[%get3A_1697, %get3A_1698] {strides = array<i32>} : memref<100x128xf32, #tpu.memory_space<vmem>>, vector<1x16xf32>,
        %get3A_1700 = vector.shape_cast %get3A_1699 : vector<1x16xf32> to vector<16xf32>
        %add3A_1701 = arith.addf %scan3A_1661, %get3A_1700 : vector<16xf32>
        scf.yield %add3A_1666, %add3A_1671, %add3A_1676, %add3A_1681, %add3A_1686, %add3A_1691, %add3A_1696, %add3A_1701 : vector<16xf32>, vector<16xf32>, vector<16xf32>, vector<16xf32>, vector<16xf32>, vector<16xf32>, vector<16xf32>, vector<16xf32>
      }
      %scan3A_1208 = arith.constant 49 : i32
      %mul3A_1209 = arith.constant 2 : i32
      %mul3A_1210 = arith.muli %add3A_1072, %mul3A_1209 : i32
      %add3A_1211 = arith.constant 1 : i32
      %add3A_1212 = arith.addi %mul3A_1210, %add3A_1211 : i32
      %swap3A_1213 = arith.index_cast %add3A_1212 : i32 to index
      %swap3A_1214 = arith.constant 0 : index
      %swap3A_1215 = tpu.vector_load %arg14[%swap3A_1213, %swap3A_1214] {strides = array<i32>} : memref<128x128xf32, #tpu.memory_space<vmem>>, vector<1x16xf32>,
      %swap3A_1216 = vector.shape_cast %swap3A_1215 : vector<1x16xf32> to vector<16xf32>
      %swap3A_1217 = vector.shape_cast %scan3A_1207#0 : vector<16xf32> to vector<1x16xf32>
      tpu.vector_store %arg14[%swap3A_1213, %swap3A_1214], %swap3A_1217 {strides = array<i32>} : memref<128x128xf32, #tpu.memory_space<vmem>>, vector<1x16xf32>,
      %swap3A_1218 = arith.index_cast %add3A_1212 : i32 to index
      %swap3A_1219 = arith.constant 16 : index
      %swap3A_1220 = tpu.vector_load %arg14[%swap3A_1218, %swap3A_1219] {strides = array<i32>} : memref<128x128xf32, #tpu.memory_space<vmem>>, vector<1x16xf32>,
      %swap3A_1221 = vector.shape_cast %swap3A_1220 : vector<1x16xf32> to vector<16xf32>
      %swap3A_1222 = vector.shape_cast %scan3A_1207#1 : vector<16xf32> to vector<1x16xf32>
      tpu.vector_store %arg14[%swap3A_1218, %swap3A_1219], %swap3A_1222 {strides = array<i32>} : memref<128x128xf32, #tpu.memory_space<vmem>>, vector<1x16xf32>,
      %swap3A_1223 = arith.index_cast %add3A_1212 : i32 to index
      %swap3A_1224 = arith.constant 32 : index
      %swap3A_1225 = tpu.vector_load %arg14[%swap3A_1223, %swap3A_1224] {strides = array<i32>} : memref<128x128xf32, #tpu.memory_space<vmem>>, vector<1x16xf32>,
      %swap3A_1226 = vector.shape_cast %swap3A_1225 : vector<1x16xf32> to vector<16xf32>
      %swap3A_1227 = vector.shape_cast %scan3A_1207#2 : vector<16xf32> to vector<1x16xf32>
      tpu.vector_store %arg14[%swap3A_1223, %swap3A_1224], %swap3A_1227 {strides = array<i32>} : memref<128x128xf32, #tpu.memory_space<vmem>>, vector<1x16xf32>,
      %swap3A_1228 = arith.index_cast %add3A_1212 : i32 to index
      %swap3A_1229 = arith.constant 48 : index
      %swap3A_1230 = tpu.vector_load %arg14[%swap3A_1228, %swap3A_1229] {strides = array<i32>} : memref<128x128xf32, #tpu.memory_space<vmem>>, vector<1x16xf32>,
      %swap3A_1231 = vector.shape_cast %swap3A_1230 : vector<1x16xf32> to vector<16xf32>
      %swap3A_1232 = vector.shape_cast %scan3A_1207#3 : vector<16xf32> to vector<1x16xf32>
      tpu.vector_store %arg14[%swap3A_1228, %swap3A_1229], %swap3A_1232 {strides = array<i32>} : memref<128x128xf32, #tpu.memory_space<vmem>>, vector<1x16xf32>,
      %swap3A_1233 = arith.index_cast %add3A_1212 : i32 to index
      %swap3A_1234 = arith.constant 64 : index
      %swap3A_1235 = tpu.vector_load %arg14[%swap3A_1233, %swap3A_1234] {strides = array<i32>} : memref<128x128xf32, #tpu.memory_space<vmem>>, vector<1x16xf32>,
      %swap3A_1236 = vector.shape_cast %swap3A_1235 : vector<1x16xf32> to vector<16xf32>
      %swap3A_1237 = vector.shape_cast %scan3A_1207#4 : vector<16xf32> to vector<1x16xf32>
      tpu.vector_store %arg14[%swap3A_1233, %swap3A_1234], %swap3A_1237 {strides = array<i32>} : memref<128x128xf32, #tpu.memory_space<vmem>>, vector<1x16xf32>,
      %swap3A_1238 = arith.index_cast %add3A_1212 : i32 to index
      %swap3A_1239 = arith.constant 80 : index
      %swap3A_1240 = tpu.vector_load %arg14[%swap3A_1238, %swap3A_1239] {strides = array<i32>} : memref<128x128xf32, #tpu.memory_space<vmem>>, vector<1x16xf32>,
      %swap3A_1241 = vector.shape_cast %swap3A_1240 : vector<1x16xf32> to vector<16xf32>
      %swap3A_1242 = vector.shape_cast %scan3A_1207#5 : vector<16xf32> to vector<1x16xf32>
      tpu.vector_store %arg14[%swap3A_1238, %swap3A_1239], %swap3A_1242 {strides = array<i32>} : memref<128x128xf32, #tpu.memory_space<vmem>>, vector<1x16xf32>,
      %swap3A_1243 = arith.index_cast %add3A_1212 : i32 to index
      %swap3A_1244 = arith.constant 96 : index
      %swap3A_1245 = tpu.vector_load %arg14[%swap3A_1243, %swap3A_1244] {strides = array<i32>} : memref<128x128xf32, #tpu.memory_space<vmem>>, vector<1x16xf32>,
      %swap3A_1246 = vector.shape_cast %swap3A_1245 : vector<1x16xf32> to vector<16xf32>
      %swap3A_1247 = vector.shape_cast %scan3A_1207#6 : vector<16xf32> to vector<1x16xf32>
      tpu.vector_store %arg14[%swap3A_1243, %swap3A_1244], %swap3A_1247 {strides = array<i32>} : memref<128x128xf32, #tpu.memory_space<vmem>>, vector<1x16xf32>,
      %swap3A_1248 = arith.index_cast %add3A_1212 : i32 to index
      %swap3A_1249 = arith.constant 112 : index
      %swap3A_1250 = tpu.vector_load %arg14[%swap3A_1248, %swap3A_1249] {strides = array<i32>} : memref<128x128xf32, #tpu.memory_space<vmem>>, vector<1x16xf32>,
      %swap3A_1251 = vector.shape_cast %swap3A_1250 : vector<1x16xf32> to vector<16xf32>
      %swap3A_1252 = vector.shape_cast %scan3A_1207#7 : vector<16xf32> to vector<1x16xf32>
      tpu.vector_store %arg14[%swap3A_1248, %swap3A_1249], %swap3A_1252 {strides = array<i32>} : memref<128x128xf32, #tpu.memory_space<vmem>>, vector<1x16xf32>,
      %add3A_1253 = arith.constant 6 : i32
      %add3A_1254 = arith.addi %add3A_59, %add3A_1253 : i32
      %add3A_1255 = arith.constant 8 : i32
      %add3A_1256 = arith.addi %add3A_1254, %add3A_1255 : i32
      %sub3A_1257 = arith.constant 1 : i32
      %sub3A_1258 = arith.subi %add3A_1256, %sub3A_1257 : i32
      %lt3A_1259 = arith.constant 64 : i32
      %lt3A_1260 = arith.cmpi slt, %sub3A_1258, %lt3A_1259 : i32
      %convert_element_type3A_1261 = arith.extui %lt3A_1260 : i1 to i32
      %cond3A_1262 = arith.constant 0 : i32
      %cond3A_1263 = arith.cmpi ne, %convert_element_type3A_1261, %cond3A_1262 : i32
      scf.if %cond3A_1263 {
        %dma_start3A_1653 = arith.constant 0 : i32
        %dma_start3A_1654 = tpu.memref_slice %arg5[%sub3A_1258, %dma_start3A_1653] : memref<64x100xi32, #tpu.memory_space<vmem>> -> memref<1x100xi32, #tpu.memory_space<vmem>>
        %dma_start3A_1655 = tpu.memref_squeeze %dma_start3A_1654 : memref<1x100xi32, #tpu.memory_space<vmem>> -> memref<100xi32, #tpu.memory_space<vmem>>
        %dma_start3A_1656 = arith.constant 0 : i32
        %dma_start3A_1657 = arith.constant 0 : i32
        %dma_start3A_1658 = tpu.memref_slice %arg2[%dma_start3A_1656, %dma_start3A_1657] : memref<200000x128xf32, #tpu.memory_space<hbm>> -> memref<200000x128xf32, #tpu.memory_space<hbm>>
        tpu.enqueue_indirect_dma source(%dma_start3A_1658 : memref<200000x128xf32, #tpu.memory_space<hbm>>) target(%arg11 : memref<100x128xf32, #tpu.memory_space<vmem>>) offsets(%dma_start3A_1655 : memref<100xi32, #tpu.memory_space<vmem>>) semaphore(%arg20 : memref<!tpu.dma_semaphore, #tpu.memory_space<semaphore_mem>>)
      } else {
      }
      %dma_wait3A_1264 = arith.constant 0 : i32
      %dma_wait3A_1265 = arith.constant 0 : i32
      %dma_wait3A_1266 = tpu.memref_slice %arg5[%dma_wait3A_1264, %dma_wait3A_1265] : memref<64x100xi32, #tpu.memory_space<vmem>> -> memref<1x100xi32, #tpu.memory_space<vmem>>
      %dma_wait3A_1267 = tpu.memref_squeeze %dma_wait3A_1266 : memref<1x100xi32, #tpu.memory_space<vmem>> -> memref<100xi32, #tpu.memory_space<vmem>>
      %dma_wait3A_1268 = arith.constant 0 : i32
      %dma_wait3A_1269 = arith.constant 0 : i32
      %dma_wait3A_1270 = tpu.memref_slice %arg2[%dma_wait3A_1268, %dma_wait3A_1269] : memref<200000x128xf32, #tpu.memory_space<hbm>> -> memref<200000x128xf32, #tpu.memory_space<hbm>>
      tpu.wait_indirect_dma semaphore(%arg21 : memref<!tpu.dma_semaphore, #tpu.memory_space<semaphore_mem>>) src(%dma_wait3A_1270 : memref<200000x128xf32, #tpu.memory_space<hbm>>) dst(%arg12 : memref<100x128xf32, #tpu.memory_space<vmem>>)
      %add3A_1271 = arith.constant 6 : i32
      %add3A_1272 = arith.addi %add3A_59, %add3A_1271 : i32
      %get3A_1273 = arith.constant 0 : i32
      %get3A_1274 = arith.index_cast %get3A_1273 : i32 to index
      %get3A_1275 = arith.constant 0 : index
      %get3A_1276 = tpu.vector_load %arg12[%get3A_1274, %get3A_1275] {strides = array<i32>} : memref<100x128xf32, #tpu.memory_space<vmem>>, vector<1x16xf32>,
      %get3A_1277 = vector.shape_cast %get3A_1276 : vector<1x16xf32> to vector<16xf32>
      %get3A_1278 = arith.constant 0 : i32
      %get3A_1279 = arith.index_cast %get3A_1278 : i32 to index
      %get3A_1280 = arith.constant 16 : index
      %get3A_1281 = tpu.vector_load %arg12[%get3A_1279, %get3A_1280] {strides = array<i32>} : memref<100x128xf32, #tpu.memory_space<vmem>>, vector<1x16xf32>,
      %get3A_1282 = vector.shape_cast %get3A_1281 : vector<1x16xf32> to vector<16xf32>
      %get3A_1283 = arith.constant 0 : i32
      %get3A_1284 = arith.index_cast %get3A_1283 : i32 to index
      %get3A_1285 = arith.constant 32 : index
      %get3A_1286 = tpu.vector_load %arg12[%get3A_1284, %get3A_1285] {strides = array<i32>} : memref<100x128xf32, #tpu.memory_space<vmem>>, vector<1x16xf32>,
      %get3A_1287 = vector.shape_cast %get3A_1286 : vector<1x16xf32> to vector<16xf32>
      %get3A_1288 = arith.constant 0 : i32
      %get3A_1289 = arith.index_cast %get3A_1288 : i32 to index
      %get3A_1290 = arith.constant 48 : index
      %get3A_1291 = tpu.vector_load %arg12[%get3A_1289, %get3A_1290] {strides = array<i32>} : memref<100x128xf32, #tpu.memory_space<vmem>>, vector<1x16xf32>,
      %get3A_1292 = vector.shape_cast %get3A_1291 : vector<1x16xf32> to vector<16xf32>
      %get3A_1293 = arith.constant 0 : i32
      %get3A_1294 = arith.index_cast %get3A_1293 : i32 to index
      %get3A_1295 = arith.constant 64 : index
      %get3A_1296 = tpu.vector_load %arg12[%get3A_1294, %get3A_1295] {strides = array<i32>} : memref<100x128xf32, #tpu.memory_space<vmem>>, vector<1x16xf32>,
      %get3A_1297 = vector.shape_cast %get3A_1296 : vector<1x16xf32> to vector<16xf32>
      %get3A_1298 = arith.constant 0 : i32
      %get3A_1299 = arith.index_cast %get3A_1298 : i32 to index
      %get3A_1300 = arith.constant 80 : index
      %get3A_1301 = tpu.vector_load %arg12[%get3A_1299, %get3A_1300] {strides = array<i32>} : memref<100x128xf32, #tpu.memory_space<vmem>>, vector<1x16xf32>,
      %get3A_1302 = vector.shape_cast %get3A_1301 : vector<1x16xf32> to vector<16xf32>
      %get3A_1303 = arith.constant 0 : i32
      %get3A_1304 = arith.index_cast %get3A_1303 : i32 to index
      %get3A_1305 = arith.constant 96 : index
      %get3A_1306 = tpu.vector_load %arg12[%get3A_1304, %get3A_1305] {strides = array<i32>} : memref<100x128xf32, #tpu.memory_space<vmem>>, vector<1x16xf32>,
      %get3A_1307 = vector.shape_cast %get3A_1306 : vector<1x16xf32> to vector<16xf32>
      %get3A_1308 = arith.constant 0 : i32
      %get3A_1309 = arith.index_cast %get3A_1308 : i32 to index
      %get3A_1310 = arith.constant 112 : index
      %get3A_1311 = tpu.vector_load %arg12[%get3A_1309, %get3A_1310] {strides = array<i32>} : memref<100x128xf32, #tpu.memory_space<vmem>>, vector<1x16xf32>,
      %get3A_1312 = vector.shape_cast %get3A_1311 : vector<1x16xf32> to vector<16xf32>
      %scan3A_1313 = arith.constant 1 : i32
      %scan3A_1314 = arith.constant 49 : i32
      %scan3A_1315 = arith.addi %scan3A_1313, %scan3A_1314 : i32
      %scan3A_1316 = arith.constant 1 : i32
      %scan3A_1317:8 = scf.for %scan3A_1653 = %scan3A_1313 to %scan3A_1315 step %scan3A_1316 iter_args(%scan3A_1654 = %get3A_1277, %scan3A_1655 = %get3A_1282, %scan3A_1656 = %get3A_1287, %scan3A_1657 = %get3A_1292, %scan3A_1658 = %get3A_1297, %scan3A_1659 = %get3A_1302, %scan3A_1660 = %get3A_1307, %scan3A_1661 = %get3A_1312) -> (vector<16xf32>, vector<16xf32>, vector<16xf32>, vector<16xf32>, vector<16xf32>, vector<16xf32>, vector<16xf32>, vector<16xf32>)  : i32 {
        %get3A_1662 = arith.index_cast %scan3A_1653 : i32 to index
        %get3A_1663 = arith.constant 0 : index
        %get3A_1664 = tpu.vector_load %arg12[%get3A_1662, %get3A_1663] {strides = array<i32>} : memref<100x128xf32, #tpu.memory_space<vmem>>, vector<1x16xf32>,
        %get3A_1665 = vector.shape_cast %get3A_1664 : vector<1x16xf32> to vector<16xf32>
        %add3A_1666 = arith.addf %scan3A_1654, %get3A_1665 : vector<16xf32>
        %get3A_1667 = arith.index_cast %scan3A_1653 : i32 to index
        %get3A_1668 = arith.constant 16 : index
        %get3A_1669 = tpu.vector_load %arg12[%get3A_1667, %get3A_1668] {strides = array<i32>} : memref<100x128xf32, #tpu.memory_space<vmem>>, vector<1x16xf32>,
        %get3A_1670 = vector.shape_cast %get3A_1669 : vector<1x16xf32> to vector<16xf32>
        %add3A_1671 = arith.addf %scan3A_1655, %get3A_1670 : vector<16xf32>
        %get3A_1672 = arith.index_cast %scan3A_1653 : i32 to index
        %get3A_1673 = arith.constant 32 : index
        %get3A_1674 = tpu.vector_load %arg12[%get3A_1672, %get3A_1673] {strides = array<i32>} : memref<100x128xf32, #tpu.memory_space<vmem>>, vector<1x16xf32>,
        %get3A_1675 = vector.shape_cast %get3A_1674 : vector<1x16xf32> to vector<16xf32>
        %add3A_1676 = arith.addf %scan3A_1656, %get3A_1675 : vector<16xf32>
        %get3A_1677 = arith.index_cast %scan3A_1653 : i32 to index
        %get3A_1678 = arith.constant 48 : index
        %get3A_1679 = tpu.vector_load %arg12[%get3A_1677, %get3A_1678] {strides = array<i32>} : memref<100x128xf32, #tpu.memory_space<vmem>>, vector<1x16xf32>,
        %get3A_1680 = vector.shape_cast %get3A_1679 : vector<1x16xf32> to vector<16xf32>
        %add3A_1681 = arith.addf %scan3A_1657, %get3A_1680 : vector<16xf32>
        %get3A_1682 = arith.index_cast %scan3A_1653 : i32 to index
        %get3A_1683 = arith.constant 64 : index
        %get3A_1684 = tpu.vector_load %arg12[%get3A_1682, %get3A_1683] {strides = array<i32>} : memref<100x128xf32, #tpu.memory_space<vmem>>, vector<1x16xf32>,
        %get3A_1685 = vector.shape_cast %get3A_1684 : vector<1x16xf32> to vector<16xf32>
        %add3A_1686 = arith.addf %scan3A_1658, %get3A_1685 : vector<16xf32>
        %get3A_1687 = arith.index_cast %scan3A_1653 : i32 to index
        %get3A_1688 = arith.constant 80 : index
        %get3A_1689 = tpu.vector_load %arg12[%get3A_1687, %get3A_1688] {strides = array<i32>} : memref<100x128xf32, #tpu.memory_space<vmem>>, vector<1x16xf32>,
        %get3A_1690 = vector.shape_cast %get3A_1689 : vector<1x16xf32> to vector<16xf32>
        %add3A_1691 = arith.addf %scan3A_1659, %get3A_1690 : vector<16xf32>
        %get3A_1692 = arith.index_cast %scan3A_1653 : i32 to index
        %get3A_1693 = arith.constant 96 : index
        %get3A_1694 = tpu.vector_load %arg12[%get3A_1692, %get3A_1693] {strides = array<i32>} : memref<100x128xf32, #tpu.memory_space<vmem>>, vector<1x16xf32>,
        %get3A_1695 = vector.shape_cast %get3A_1694 : vector<1x16xf32> to vector<16xf32>
        %add3A_1696 = arith.addf %scan3A_1660, %get3A_1695 : vector<16xf32>
        %get3A_1697 = arith.index_cast %scan3A_1653 : i32 to index
        %get3A_1698 = arith.constant 112 : index
        %get3A_1699 = tpu.vector_load %arg12[%get3A_1697, %get3A_1698] {strides = array<i32>} : memref<100x128xf32, #tpu.memory_space<vmem>>, vector<1x16xf32>,
        %get3A_1700 = vector.shape_cast %get3A_1699 : vector<1x16xf32> to vector<16xf32>
        %add3A_1701 = arith.addf %scan3A_1661, %get3A_1700 : vector<16xf32>
        scf.yield %add3A_1666, %add3A_1671, %add3A_1676, %add3A_1681, %add3A_1686, %add3A_1691, %add3A_1696, %add3A_1701 : vector<16xf32>, vector<16xf32>, vector<16xf32>, vector<16xf32>, vector<16xf32>, vector<16xf32>, vector<16xf32>, vector<16xf32>
      }
      %scan3A_1318 = arith.constant 49 : i32
      %mul3A_1319 = arith.constant 2 : i32
      %mul3A_1320 = arith.muli %add3A_1272, %mul3A_1319 : i32
      %add3A_1321 = arith.constant 0 : i32
      %add3A_1322 = arith.addi %mul3A_1320, %add3A_1321 : i32
      %swap3A_1323 = arith.index_cast %add3A_1322 : i32 to index
      %swap3A_1324 = arith.constant 0 : index
      %swap3A_1325 = tpu.vector_load %arg14[%swap3A_1323, %swap3A_1324] {strides = array<i32>} : memref<128x128xf32, #tpu.memory_space<vmem>>, vector<1x16xf32>,
      %swap3A_1326 = vector.shape_cast %swap3A_1325 : vector<1x16xf32> to vector<16xf32>
      %swap3A_1327 = vector.shape_cast %scan3A_1317#0 : vector<16xf32> to vector<1x16xf32>
      tpu.vector_store %arg14[%swap3A_1323, %swap3A_1324], %swap3A_1327 {strides = array<i32>} : memref<128x128xf32, #tpu.memory_space<vmem>>, vector<1x16xf32>,
      %swap3A_1328 = arith.index_cast %add3A_1322 : i32 to index
      %swap3A_1329 = arith.constant 16 : index
      %swap3A_1330 = tpu.vector_load %arg14[%swap3A_1328, %swap3A_1329] {strides = array<i32>} : memref<128x128xf32, #tpu.memory_space<vmem>>, vector<1x16xf32>,
      %swap3A_1331 = vector.shape_cast %swap3A_1330 : vector<1x16xf32> to vector<16xf32>
      %swap3A_1332 = vector.shape_cast %scan3A_1317#1 : vector<16xf32> to vector<1x16xf32>
      tpu.vector_store %arg14[%swap3A_1328, %swap3A_1329], %swap3A_1332 {strides = array<i32>} : memref<128x128xf32, #tpu.memory_space<vmem>>, vector<1x16xf32>,
      %swap3A_1333 = arith.index_cast %add3A_1322 : i32 to index
      %swap3A_1334 = arith.constant 32 : index
      %swap3A_1335 = tpu.vector_load %arg14[%swap3A_1333, %swap3A_1334] {strides = array<i32>} : memref<128x128xf32, #tpu.memory_space<vmem>>, vector<1x16xf32>,
      %swap3A_1336 = vector.shape_cast %swap3A_1335 : vector<1x16xf32> to vector<16xf32>
      %swap3A_1337 = vector.shape_cast %scan3A_1317#2 : vector<16xf32> to vector<1x16xf32>
      tpu.vector_store %arg14[%swap3A_1333, %swap3A_1334], %swap3A_1337 {strides = array<i32>} : memref<128x128xf32, #tpu.memory_space<vmem>>, vector<1x16xf32>,
      %swap3A_1338 = arith.index_cast %add3A_1322 : i32 to index
      %swap3A_1339 = arith.constant 48 : index
      %swap3A_1340 = tpu.vector_load %arg14[%swap3A_1338, %swap3A_1339] {strides = array<i32>} : memref<128x128xf32, #tpu.memory_space<vmem>>, vector<1x16xf32>,
      %swap3A_1341 = vector.shape_cast %swap3A_1340 : vector<1x16xf32> to vector<16xf32>
      %swap3A_1342 = vector.shape_cast %scan3A_1317#3 : vector<16xf32> to vector<1x16xf32>
      tpu.vector_store %arg14[%swap3A_1338, %swap3A_1339], %swap3A_1342 {strides = array<i32>} : memref<128x128xf32, #tpu.memory_space<vmem>>, vector<1x16xf32>,
      %swap3A_1343 = arith.index_cast %add3A_1322 : i32 to index
      %swap3A_1344 = arith.constant 64 : index
      %swap3A_1345 = tpu.vector_load %arg14[%swap3A_1343, %swap3A_1344] {strides = array<i32>} : memref<128x128xf32, #tpu.memory_space<vmem>>, vector<1x16xf32>,
      %swap3A_1346 = vector.shape_cast %swap3A_1345 : vector<1x16xf32> to vector<16xf32>
      %swap3A_1347 = vector.shape_cast %scan3A_1317#4 : vector<16xf32> to vector<1x16xf32>
      tpu.vector_store %arg14[%swap3A_1343, %swap3A_1344], %swap3A_1347 {strides = array<i32>} : memref<128x128xf32, #tpu.memory_space<vmem>>, vector<1x16xf32>,
      %swap3A_1348 = arith.index_cast %add3A_1322 : i32 to index
      %swap3A_1349 = arith.constant 80 : index
      %swap3A_1350 = tpu.vector_load %arg14[%swap3A_1348, %swap3A_1349] {strides = array<i32>} : memref<128x128xf32, #tpu.memory_space<vmem>>, vector<1x16xf32>,
      %swap3A_1351 = vector.shape_cast %swap3A_1350 : vector<1x16xf32> to vector<16xf32>
      %swap3A_1352 = vector.shape_cast %scan3A_1317#5 : vector<16xf32> to vector<1x16xf32>
      tpu.vector_store %arg14[%swap3A_1348, %swap3A_1349], %swap3A_1352 {strides = array<i32>} : memref<128x128xf32, #tpu.memory_space<vmem>>, vector<1x16xf32>,
      %swap3A_1353 = arith.index_cast %add3A_1322 : i32 to index
      %swap3A_1354 = arith.constant 96 : index
      %swap3A_1355 = tpu.vector_load %arg14[%swap3A_1353, %swap3A_1354] {strides = array<i32>} : memref<128x128xf32, #tpu.memory_space<vmem>>, vector<1x16xf32>,
      %swap3A_1356 = vector.shape_cast %swap3A_1355 : vector<1x16xf32> to vector<16xf32>
      %swap3A_1357 = vector.shape_cast %scan3A_1317#6 : vector<16xf32> to vector<1x16xf32>
      tpu.vector_store %arg14[%swap3A_1353, %swap3A_1354], %swap3A_1357 {strides = array<i32>} : memref<128x128xf32, #tpu.memory_space<vmem>>, vector<1x16xf32>,
      %swap3A_1358 = arith.index_cast %add3A_1322 : i32 to index
      %swap3A_1359 = arith.constant 112 : index
      %swap3A_1360 = tpu.vector_load %arg14[%swap3A_1358, %swap3A_1359] {strides = array<i32>} : memref<128x128xf32, #tpu.memory_space<vmem>>, vector<1x16xf32>,
      %swap3A_1361 = vector.shape_cast %swap3A_1360 : vector<1x16xf32> to vector<16xf32>
      %swap3A_1362 = vector.shape_cast %scan3A_1317#7 : vector<16xf32> to vector<1x16xf32>
      tpu.vector_store %arg14[%swap3A_1358, %swap3A_1359], %swap3A_1362 {strides = array<i32>} : memref<128x128xf32, #tpu.memory_space<vmem>>, vector<1x16xf32>,
      %get3A_1363 = arith.constant 50 : i32
      %get3A_1364 = arith.index_cast %get3A_1363 : i32 to index
      %get3A_1365 = arith.constant 0 : index
      %get3A_1366 = tpu.vector_load %arg12[%get3A_1364, %get3A_1365] {strides = array<i32>} : memref<100x128xf32, #tpu.memory_space<vmem>>, vector<1x16xf32>,
      %get3A_1367 = vector.shape_cast %get3A_1366 : vector<1x16xf32> to vector<16xf32>
      %get3A_1368 = arith.constant 50 : i32
      %get3A_1369 = arith.index_cast %get3A_1368 : i32 to index
      %get3A_1370 = arith.constant 16 : index
      %get3A_1371 = tpu.vector_load %arg12[%get3A_1369, %get3A_1370] {strides = array<i32>} : memref<100x128xf32, #tpu.memory_space<vmem>>, vector<1x16xf32>,
      %get3A_1372 = vector.shape_cast %get3A_1371 : vector<1x16xf32> to vector<16xf32>
      %get3A_1373 = arith.constant 50 : i32
      %get3A_1374 = arith.index_cast %get3A_1373 : i32 to index
      %get3A_1375 = arith.constant 32 : index
      %get3A_1376 = tpu.vector_load %arg12[%get3A_1374, %get3A_1375] {strides = array<i32>} : memref<100x128xf32, #tpu.memory_space<vmem>>, vector<1x16xf32>,
      %get3A_1377 = vector.shape_cast %get3A_1376 : vector<1x16xf32> to vector<16xf32>
      %get3A_1378 = arith.constant 50 : i32
      %get3A_1379 = arith.index_cast %get3A_1378 : i32 to index
      %get3A_1380 = arith.constant 48 : index
      %get3A_1381 = tpu.vector_load %arg12[%get3A_1379, %get3A_1380] {strides = array<i32>} : memref<100x128xf32, #tpu.memory_space<vmem>>, vector<1x16xf32>,
      %get3A_1382 = vector.shape_cast %get3A_1381 : vector<1x16xf32> to vector<16xf32>
      %get3A_1383 = arith.constant 50 : i32
      %get3A_1384 = arith.index_cast %get3A_1383 : i32 to index
      %get3A_1385 = arith.constant 64 : index
      %get3A_1386 = tpu.vector_load %arg12[%get3A_1384, %get3A_1385] {strides = array<i32>} : memref<100x128xf32, #tpu.memory_space<vmem>>, vector<1x16xf32>,
      %get3A_1387 = vector.shape_cast %get3A_1386 : vector<1x16xf32> to vector<16xf32>
      %get3A_1388 = arith.constant 50 : i32
      %get3A_1389 = arith.index_cast %get3A_1388 : i32 to index
      %get3A_1390 = arith.constant 80 : index
      %get3A_1391 = tpu.vector_load %arg12[%get3A_1389, %get3A_1390] {strides = array<i32>} : memref<100x128xf32, #tpu.memory_space<vmem>>, vector<1x16xf32>,
      %get3A_1392 = vector.shape_cast %get3A_1391 : vector<1x16xf32> to vector<16xf32>
      %get3A_1393 = arith.constant 50 : i32
      %get3A_1394 = arith.index_cast %get3A_1393 : i32 to index
      %get3A_1395 = arith.constant 96 : index
      %get3A_1396 = tpu.vector_load %arg12[%get3A_1394, %get3A_1395] {strides = array<i32>} : memref<100x128xf32, #tpu.memory_space<vmem>>, vector<1x16xf32>,
      %get3A_1397 = vector.shape_cast %get3A_1396 : vector<1x16xf32> to vector<16xf32>
      %get3A_1398 = arith.constant 50 : i32
      %get3A_1399 = arith.index_cast %get3A_1398 : i32 to index
      %get3A_1400 = arith.constant 112 : index
      %get3A_1401 = tpu.vector_load %arg12[%get3A_1399, %get3A_1400] {strides = array<i32>} : memref<100x128xf32, #tpu.memory_space<vmem>>, vector<1x16xf32>,
      %get3A_1402 = vector.shape_cast %get3A_1401 : vector<1x16xf32> to vector<16xf32>
      %scan3A_1403 = arith.constant 51 : i32
      %scan3A_1404 = arith.constant 49 : i32
      %scan3A_1405 = arith.addi %scan3A_1403, %scan3A_1404 : i32
      %scan3A_1406 = arith.constant 1 : i32
      %scan3A_1407:8 = scf.for %scan3A_1653 = %scan3A_1403 to %scan3A_1405 step %scan3A_1406 iter_args(%scan3A_1654 = %get3A_1367, %scan3A_1655 = %get3A_1372, %scan3A_1656 = %get3A_1377, %scan3A_1657 = %get3A_1382, %scan3A_1658 = %get3A_1387, %scan3A_1659 = %get3A_1392, %scan3A_1660 = %get3A_1397, %scan3A_1661 = %get3A_1402) -> (vector<16xf32>, vector<16xf32>, vector<16xf32>, vector<16xf32>, vector<16xf32>, vector<16xf32>, vector<16xf32>, vector<16xf32>)  : i32 {
        %get3A_1662 = arith.index_cast %scan3A_1653 : i32 to index
        %get3A_1663 = arith.constant 0 : index
        %get3A_1664 = tpu.vector_load %arg12[%get3A_1662, %get3A_1663] {strides = array<i32>} : memref<100x128xf32, #tpu.memory_space<vmem>>, vector<1x16xf32>,
        %get3A_1665 = vector.shape_cast %get3A_1664 : vector<1x16xf32> to vector<16xf32>
        %add3A_1666 = arith.addf %scan3A_1654, %get3A_1665 : vector<16xf32>
        %get3A_1667 = arith.index_cast %scan3A_1653 : i32 to index
        %get3A_1668 = arith.constant 16 : index
        %get3A_1669 = tpu.vector_load %arg12[%get3A_1667, %get3A_1668] {strides = array<i32>} : memref<100x128xf32, #tpu.memory_space<vmem>>, vector<1x16xf32>,
        %get3A_1670 = vector.shape_cast %get3A_1669 : vector<1x16xf32> to vector<16xf32>
        %add3A_1671 = arith.addf %scan3A_1655, %get3A_1670 : vector<16xf32>
        %get3A_1672 = arith.index_cast %scan3A_1653 : i32 to index
        %get3A_1673 = arith.constant 32 : index
        %get3A_1674 = tpu.vector_load %arg12[%get3A_1672, %get3A_1673] {strides = array<i32>} : memref<100x128xf32, #tpu.memory_space<vmem>>, vector<1x16xf32>,
        %get3A_1675 = vector.shape_cast %get3A_1674 : vector<1x16xf32> to vector<16xf32>
        %add3A_1676 = arith.addf %scan3A_1656, %get3A_1675 : vector<16xf32>
        %get3A_1677 = arith.index_cast %scan3A_1653 : i32 to index
        %get3A_1678 = arith.constant 48 : index
        %get3A_1679 = tpu.vector_load %arg12[%get3A_1677, %get3A_1678] {strides = array<i32>} : memref<100x128xf32, #tpu.memory_space<vmem>>, vector<1x16xf32>,
        %get3A_1680 = vector.shape_cast %get3A_1679 : vector<1x16xf32> to vector<16xf32>
        %add3A_1681 = arith.addf %scan3A_1657, %get3A_1680 : vector<16xf32>
        %get3A_1682 = arith.index_cast %scan3A_1653 : i32 to index
        %get3A_1683 = arith.constant 64 : index
        %get3A_1684 = tpu.vector_load %arg12[%get3A_1682, %get3A_1683] {strides = array<i32>} : memref<100x128xf32, #tpu.memory_space<vmem>>, vector<1x16xf32>,
        %get3A_1685 = vector.shape_cast %get3A_1684 : vector<1x16xf32> to vector<16xf32>
        %add3A_1686 = arith.addf %scan3A_1658, %get3A_1685 : vector<16xf32>
        %get3A_1687 = arith.index_cast %scan3A_1653 : i32 to index
        %get3A_1688 = arith.constant 80 : index
        %get3A_1689 = tpu.vector_load %arg12[%get3A_1687, %get3A_1688] {strides = array<i32>} : memref<100x128xf32, #tpu.memory_space<vmem>>, vector<1x16xf32>,
        %get3A_1690 = vector.shape_cast %get3A_1689 : vector<1x16xf32> to vector<16xf32>
        %add3A_1691 = arith.addf %scan3A_1659, %get3A_1690 : vector<16xf32>
        %get3A_1692 = arith.index_cast %scan3A_1653 : i32 to index
        %get3A_1693 = arith.constant 96 : index
        %get3A_1694 = tpu.vector_load %arg12[%get3A_1692, %get3A_1693] {strides = array<i32>} : memref<100x128xf32, #tpu.memory_space<vmem>>, vector<1x16xf32>,
        %get3A_1695 = vector.shape_cast %get3A_1694 : vector<1x16xf32> to vector<16xf32>
        %add3A_1696 = arith.addf %scan3A_1660, %get3A_1695 : vector<16xf32>
        %get3A_1697 = arith.index_cast %scan3A_1653 : i32 to index
        %get3A_1698 = arith.constant 112 : index
        %get3A_1699 = tpu.vector_load %arg12[%get3A_1697, %get3A_1698] {strides = array<i32>} : memref<100x128xf32, #tpu.memory_space<vmem>>, vector<1x16xf32>,
        %get3A_1700 = vector.shape_cast %get3A_1699 : vector<1x16xf32> to vector<16xf32>
        %add3A_1701 = arith.addf %scan3A_1661, %get3A_1700 : vector<16xf32>
        scf.yield %add3A_1666, %add3A_1671, %add3A_1676, %add3A_1681, %add3A_1686, %add3A_1691, %add3A_1696, %add3A_1701 : vector<16xf32>, vector<16xf32>, vector<16xf32>, vector<16xf32>, vector<16xf32>, vector<16xf32>, vector<16xf32>, vector<16xf32>
      }
      %scan3A_1408 = arith.constant 49 : i32
      %mul3A_1409 = arith.constant 2 : i32
      %mul3A_1410 = arith.muli %add3A_1272, %mul3A_1409 : i32
      %add3A_1411 = arith.constant 1 : i32
      %add3A_1412 = arith.addi %mul3A_1410, %add3A_1411 : i32
      %swap3A_1413 = arith.index_cast %add3A_1412 : i32 to index
      %swap3A_1414 = arith.constant 0 : index
      %swap3A_1415 = tpu.vector_load %arg14[%swap3A_1413, %swap3A_1414] {strides = array<i32>} : memref<128x128xf32, #tpu.memory_space<vmem>>, vector<1x16xf32>,
      %swap3A_1416 = vector.shape_cast %swap3A_1415 : vector<1x16xf32> to vector<16xf32>
      %swap3A_1417 = vector.shape_cast %scan3A_1407#0 : vector<16xf32> to vector<1x16xf32>
      tpu.vector_store %arg14[%swap3A_1413, %swap3A_1414], %swap3A_1417 {strides = array<i32>} : memref<128x128xf32, #tpu.memory_space<vmem>>, vector<1x16xf32>,
      %swap3A_1418 = arith.index_cast %add3A_1412 : i32 to index
      %swap3A_1419 = arith.constant 16 : index
      %swap3A_1420 = tpu.vector_load %arg14[%swap3A_1418, %swap3A_1419] {strides = array<i32>} : memref<128x128xf32, #tpu.memory_space<vmem>>, vector<1x16xf32>,
      %swap3A_1421 = vector.shape_cast %swap3A_1420 : vector<1x16xf32> to vector<16xf32>
      %swap3A_1422 = vector.shape_cast %scan3A_1407#1 : vector<16xf32> to vector<1x16xf32>
      tpu.vector_store %arg14[%swap3A_1418, %swap3A_1419], %swap3A_1422 {strides = array<i32>} : memref<128x128xf32, #tpu.memory_space<vmem>>, vector<1x16xf32>,
      %swap3A_1423 = arith.index_cast %add3A_1412 : i32 to index
      %swap3A_1424 = arith.constant 32 : index
      %swap3A_1425 = tpu.vector_load %arg14[%swap3A_1423, %swap3A_1424] {strides = array<i32>} : memref<128x128xf32, #tpu.memory_space<vmem>>, vector<1x16xf32>,
      %swap3A_1426 = vector.shape_cast %swap3A_1425 : vector<1x16xf32> to vector<16xf32>
      %swap3A_1427 = vector.shape_cast %scan3A_1407#2 : vector<16xf32> to vector<1x16xf32>
      tpu.vector_store %arg14[%swap3A_1423, %swap3A_1424], %swap3A_1427 {strides = array<i32>} : memref<128x128xf32, #tpu.memory_space<vmem>>, vector<1x16xf32>,
      %swap3A_1428 = arith.index_cast %add3A_1412 : i32 to index
      %swap3A_1429 = arith.constant 48 : index
      %swap3A_1430 = tpu.vector_load %arg14[%swap3A_1428, %swap3A_1429] {strides = array<i32>} : memref<128x128xf32, #tpu.memory_space<vmem>>, vector<1x16xf32>,
      %swap3A_1431 = vector.shape_cast %swap3A_1430 : vector<1x16xf32> to vector<16xf32>
      %swap3A_1432 = vector.shape_cast %scan3A_1407#3 : vector<16xf32> to vector<1x16xf32>
      tpu.vector_store %arg14[%swap3A_1428, %swap3A_1429], %swap3A_1432 {strides = array<i32>} : memref<128x128xf32, #tpu.memory_space<vmem>>, vector<1x16xf32>,
      %swap3A_1433 = arith.index_cast %add3A_1412 : i32 to index
      %swap3A_1434 = arith.constant 64 : index
      %swap3A_1435 = tpu.vector_load %arg14[%swap3A_1433, %swap3A_1434] {strides = array<i32>} : memref<128x128xf32, #tpu.memory_space<vmem>>, vector<1x16xf32>,
      %swap3A_1436 = vector.shape_cast %swap3A_1435 : vector<1x16xf32> to vector<16xf32>
      %swap3A_1437 = vector.shape_cast %scan3A_1407#4 : vector<16xf32> to vector<1x16xf32>
      tpu.vector_store %arg14[%swap3A_1433, %swap3A_1434], %swap3A_1437 {strides = array<i32>} : memref<128x128xf32, #tpu.memory_space<vmem>>, vector<1x16xf32>,
      %swap3A_1438 = arith.index_cast %add3A_1412 : i32 to index
      %swap3A_1439 = arith.constant 80 : index
      %swap3A_1440 = tpu.vector_load %arg14[%swap3A_1438, %swap3A_1439] {strides = array<i32>} : memref<128x128xf32, #tpu.memory_space<vmem>>, vector<1x16xf32>,
      %swap3A_1441 = vector.shape_cast %swap3A_1440 : vector<1x16xf32> to vector<16xf32>
      %swap3A_1442 = vector.shape_cast %scan3A_1407#5 : vector<16xf32> to vector<1x16xf32>
      tpu.vector_store %arg14[%swap3A_1438, %swap3A_1439], %swap3A_1442 {strides = array<i32>} : memref<128x128xf32, #tpu.memory_space<vmem>>, vector<1x16xf32>,
      %swap3A_1443 = arith.index_cast %add3A_1412 : i32 to index
      %swap3A_1444 = arith.constant 96 : index
      %swap3A_1445 = tpu.vector_load %arg14[%swap3A_1443, %swap3A_1444] {strides = array<i32>} : memref<128x128xf32, #tpu.memory_space<vmem>>, vector<1x16xf32>,
      %swap3A_1446 = vector.shape_cast %swap3A_1445 : vector<1x16xf32> to vector<16xf32>
      %swap3A_1447 = vector.shape_cast %scan3A_1407#6 : vector<16xf32> to vector<1x16xf32>
      tpu.vector_store %arg14[%swap3A_1443, %swap3A_1444], %swap3A_1447 {strides = array<i32>} : memref<128x128xf32, #tpu.memory_space<vmem>>, vector<1x16xf32>,
      %swap3A_1448 = arith.index_cast %add3A_1412 : i32 to index
      %swap3A_1449 = arith.constant 112 : index
      %swap3A_1450 = tpu.vector_load %arg14[%swap3A_1448, %swap3A_1449] {strides = array<i32>} : memref<128x128xf32, #tpu.memory_space<vmem>>, vector<1x16xf32>,
      %swap3A_1451 = vector.shape_cast %swap3A_1450 : vector<1x16xf32> to vector<16xf32>
      %swap3A_1452 = vector.shape_cast %scan3A_1407#7 : vector<16xf32> to vector<1x16xf32>
      tpu.vector_store %arg14[%swap3A_1448, %swap3A_1449], %swap3A_1452 {strides = array<i32>} : memref<128x128xf32, #tpu.memory_space<vmem>>, vector<1x16xf32>,
      %add3A_1453 = arith.constant 7 : i32
      %add3A_1454 = arith.addi %add3A_59, %add3A_1453 : i32
      %add3A_1455 = arith.constant 8 : i32
      %add3A_1456 = arith.addi %add3A_1454, %add3A_1455 : i32
      %sub3A_1457 = arith.constant 1 : i32
      %sub3A_1458 = arith.subi %add3A_1456, %sub3A_1457 : i32
      %lt3A_1459 = arith.constant 64 : i32
      %lt3A_1460 = arith.cmpi slt, %sub3A_1458, %lt3A_1459 : i32
      %convert_element_type3A_1461 = arith.extui %lt3A_1460 : i1 to i32
      %cond3A_1462 = arith.constant 0 : i32
      %cond3A_1463 = arith.cmpi ne, %convert_element_type3A_1461, %cond3A_1462 : i32
      scf.if %cond3A_1463 {
        %dma_start3A_1653 = arith.constant 0 : i32
        %dma_start3A_1654 = tpu.memref_slice %arg5[%sub3A_1458, %dma_start3A_1653] : memref<64x100xi32, #tpu.memory_space<vmem>> -> memref<1x100xi32, #tpu.memory_space<vmem>>
        %dma_start3A_1655 = tpu.memref_squeeze %dma_start3A_1654 : memref<1x100xi32, #tpu.memory_space<vmem>> -> memref<100xi32, #tpu.memory_space<vmem>>
        %dma_start3A_1656 = arith.constant 0 : i32
        %dma_start3A_1657 = arith.constant 0 : i32
        %dma_start3A_1658 = tpu.memref_slice %arg2[%dma_start3A_1656, %dma_start3A_1657] : memref<200000x128xf32, #tpu.memory_space<hbm>> -> memref<200000x128xf32, #tpu.memory_space<hbm>>
        tpu.enqueue_indirect_dma source(%dma_start3A_1658 : memref<200000x128xf32, #tpu.memory_space<hbm>>) target(%arg12 : memref<100x128xf32, #tpu.memory_space<vmem>>) offsets(%dma_start3A_1655 : memref<100xi32, #tpu.memory_space<vmem>>) semaphore(%arg21 : memref<!tpu.dma_semaphore, #tpu.memory_space<semaphore_mem>>)
      } else {
      }
      %dma_wait3A_1464 = arith.constant 0 : i32
      %dma_wait3A_1465 = arith.constant 0 : i32
      %dma_wait3A_1466 = tpu.memref_slice %arg5[%dma_wait3A_1464, %dma_wait3A_1465] : memref<64x100xi32, #tpu.memory_space<vmem>> -> memref<1x100xi32, #tpu.memory_space<vmem>>
      %dma_wait3A_1467 = tpu.memref_squeeze %dma_wait3A_1466 : memref<1x100xi32, #tpu.memory_space<vmem>> -> memref<100xi32, #tpu.memory_space<vmem>>
      %dma_wait3A_1468 = arith.constant 0 : i32
      %dma_wait3A_1469 = arith.constant 0 : i32
      %dma_wait3A_1470 = tpu.memref_slice %arg2[%dma_wait3A_1468, %dma_wait3A_1469] : memref<200000x128xf32, #tpu.memory_space<hbm>> -> memref<200000x128xf32, #tpu.memory_space<hbm>>
      tpu.wait_indirect_dma semaphore(%arg22 : memref<!tpu.dma_semaphore, #tpu.memory_space<semaphore_mem>>) src(%dma_wait3A_1470 : memref<200000x128xf32, #tpu.memory_space<hbm>>) dst(%arg13 : memref<100x128xf32, #tpu.memory_space<vmem>>)
      %add3A_1471 = arith.constant 7 : i32
      %add3A_1472 = arith.addi %add3A_59, %add3A_1471 : i32
      %get3A_1473 = arith.constant 0 : i32
      %get3A_1474 = arith.index_cast %get3A_1473 : i32 to index
      %get3A_1475 = arith.constant 0 : index
      %get3A_1476 = tpu.vector_load %arg13[%get3A_1474, %get3A_1475] {strides = array<i32>} : memref<100x128xf32, #tpu.memory_space<vmem>>, vector<1x16xf32>,
      %get3A_1477 = vector.shape_cast %get3A_1476 : vector<1x16xf32> to vector<16xf32>
      %get3A_1478 = arith.constant 0 : i32
      %get3A_1479 = arith.index_cast %get3A_1478 : i32 to index
      %get3A_1480 = arith.constant 16 : index
      %get3A_1481 = tpu.vector_load %arg13[%get3A_1479, %get3A_1480] {strides = array<i32>} : memref<100x128xf32, #tpu.memory_space<vmem>>, vector<1x16xf32>,
      %get3A_1482 = vector.shape_cast %get3A_1481 : vector<1x16xf32> to vector<16xf32>
      %get3A_1483 = arith.constant 0 : i32
      %get3A_1484 = arith.index_cast %get3A_1483 : i32 to index
      %get3A_1485 = arith.constant 32 : index
      %get3A_1486 = tpu.vector_load %arg13[%get3A_1484, %get3A_1485] {strides = array<i32>} : memref<100x128xf32, #tpu.memory_space<vmem>>, vector<1x16xf32>,
      %get3A_1487 = vector.shape_cast %get3A_1486 : vector<1x16xf32> to vector<16xf32>
      %get3A_1488 = arith.constant 0 : i32
      %get3A_1489 = arith.index_cast %get3A_1488 : i32 to index
      %get3A_1490 = arith.constant 48 : index
      %get3A_1491 = tpu.vector_load %arg13[%get3A_1489, %get3A_1490] {strides = array<i32>} : memref<100x128xf32, #tpu.memory_space<vmem>>, vector<1x16xf32>,
      %get3A_1492 = vector.shape_cast %get3A_1491 : vector<1x16xf32> to vector<16xf32>
      %get3A_1493 = arith.constant 0 : i32
      %get3A_1494 = arith.index_cast %get3A_1493 : i32 to index
      %get3A_1495 = arith.constant 64 : index
      %get3A_1496 = tpu.vector_load %arg13[%get3A_1494, %get3A_1495] {strides = array<i32>} : memref<100x128xf32, #tpu.memory_space<vmem>>, vector<1x16xf32>,
      %get3A_1497 = vector.shape_cast %get3A_1496 : vector<1x16xf32> to vector<16xf32>
      %get3A_1498 = arith.constant 0 : i32
      %get3A_1499 = arith.index_cast %get3A_1498 : i32 to index
      %get3A_1500 = arith.constant 80 : index
      %get3A_1501 = tpu.vector_load %arg13[%get3A_1499, %get3A_1500] {strides = array<i32>} : memref<100x128xf32, #tpu.memory_space<vmem>>, vector<1x16xf32>,
      %get3A_1502 = vector.shape_cast %get3A_1501 : vector<1x16xf32> to vector<16xf32>
      %get3A_1503 = arith.constant 0 : i32
      %get3A_1504 = arith.index_cast %get3A_1503 : i32 to index
      %get3A_1505 = arith.constant 96 : index
      %get3A_1506 = tpu.vector_load %arg13[%get3A_1504, %get3A_1505] {strides = array<i32>} : memref<100x128xf32, #tpu.memory_space<vmem>>, vector<1x16xf32>,
      %get3A_1507 = vector.shape_cast %get3A_1506 : vector<1x16xf32> to vector<16xf32>
      %get3A_1508 = arith.constant 0 : i32
      %get3A_1509 = arith.index_cast %get3A_1508 : i32 to index
      %get3A_1510 = arith.constant 112 : index
      %get3A_1511 = tpu.vector_load %arg13[%get3A_1509, %get3A_1510] {strides = array<i32>} : memref<100x128xf32, #tpu.memory_space<vmem>>, vector<1x16xf32>,
      %get3A_1512 = vector.shape_cast %get3A_1511 : vector<1x16xf32> to vector<16xf32>
      %scan3A_1513 = arith.constant 1 : i32
      %scan3A_1514 = arith.constant 49 : i32
      %scan3A_1515 = arith.addi %scan3A_1513, %scan3A_1514 : i32
      %scan3A_1516 = arith.constant 1 : i32
      %scan3A_1517:8 = scf.for %scan3A_1653 = %scan3A_1513 to %scan3A_1515 step %scan3A_1516 iter_args(%scan3A_1654 = %get3A_1477, %scan3A_1655 = %get3A_1482, %scan3A_1656 = %get3A_1487, %scan3A_1657 = %get3A_1492, %scan3A_1658 = %get3A_1497, %scan3A_1659 = %get3A_1502, %scan3A_1660 = %get3A_1507, %scan3A_1661 = %get3A_1512) -> (vector<16xf32>, vector<16xf32>, vector<16xf32>, vector<16xf32>, vector<16xf32>, vector<16xf32>, vector<16xf32>, vector<16xf32>)  : i32 {
        %get3A_1662 = arith.index_cast %scan3A_1653 : i32 to index
        %get3A_1663 = arith.constant 0 : index
        %get3A_1664 = tpu.vector_load %arg13[%get3A_1662, %get3A_1663] {strides = array<i32>} : memref<100x128xf32, #tpu.memory_space<vmem>>, vector<1x16xf32>,
        %get3A_1665 = vector.shape_cast %get3A_1664 : vector<1x16xf32> to vector<16xf32>
        %add3A_1666 = arith.addf %scan3A_1654, %get3A_1665 : vector<16xf32>
        %get3A_1667 = arith.index_cast %scan3A_1653 : i32 to index
        %get3A_1668 = arith.constant 16 : index
        %get3A_1669 = tpu.vector_load %arg13[%get3A_1667, %get3A_1668] {strides = array<i32>} : memref<100x128xf32, #tpu.memory_space<vmem>>, vector<1x16xf32>,
        %get3A_1670 = vector.shape_cast %get3A_1669 : vector<1x16xf32> to vector<16xf32>
        %add3A_1671 = arith.addf %scan3A_1655, %get3A_1670 : vector<16xf32>
        %get3A_1672 = arith.index_cast %scan3A_1653 : i32 to index
        %get3A_1673 = arith.constant 32 : index
        %get3A_1674 = tpu.vector_load %arg13[%get3A_1672, %get3A_1673] {strides = array<i32>} : memref<100x128xf32, #tpu.memory_space<vmem>>, vector<1x16xf32>,
        %get3A_1675 = vector.shape_cast %get3A_1674 : vector<1x16xf32> to vector<16xf32>
        %add3A_1676 = arith.addf %scan3A_1656, %get3A_1675 : vector<16xf32>
        %get3A_1677 = arith.index_cast %scan3A_1653 : i32 to index
        %get3A_1678 = arith.constant 48 : index
        %get3A_1679 = tpu.vector_load %arg13[%get3A_1677, %get3A_1678] {strides = array<i32>} : memref<100x128xf32, #tpu.memory_space<vmem>>, vector<1x16xf32>,
        %get3A_1680 = vector.shape_cast %get3A_1679 : vector<1x16xf32> to vector<16xf32>
        %add3A_1681 = arith.addf %scan3A_1657, %get3A_1680 : vector<16xf32>
        %get3A_1682 = arith.index_cast %scan3A_1653 : i32 to index
        %get3A_1683 = arith.constant 64 : index
        %get3A_1684 = tpu.vector_load %arg13[%get3A_1682, %get3A_1683] {strides = array<i32>} : memref<100x128xf32, #tpu.memory_space<vmem>>, vector<1x16xf32>,
        %get3A_1685 = vector.shape_cast %get3A_1684 : vector<1x16xf32> to vector<16xf32>
        %add3A_1686 = arith.addf %scan3A_1658, %get3A_1685 : vector<16xf32>
        %get3A_1687 = arith.index_cast %scan3A_1653 : i32 to index
        %get3A_1688 = arith.constant 80 : index
        %get3A_1689 = tpu.vector_load %arg13[%get3A_1687, %get3A_1688] {strides = array<i32>} : memref<100x128xf32, #tpu.memory_space<vmem>>, vector<1x16xf32>,
        %get3A_1690 = vector.shape_cast %get3A_1689 : vector<1x16xf32> to vector<16xf32>
        %add3A_1691 = arith.addf %scan3A_1659, %get3A_1690 : vector<16xf32>
        %get3A_1692 = arith.index_cast %scan3A_1653 : i32 to index
        %get3A_1693 = arith.constant 96 : index
        %get3A_1694 = tpu.vector_load %arg13[%get3A_1692, %get3A_1693] {strides = array<i32>} : memref<100x128xf32, #tpu.memory_space<vmem>>, vector<1x16xf32>,
        %get3A_1695 = vector.shape_cast %get3A_1694 : vector<1x16xf32> to vector<16xf32>
        %add3A_1696 = arith.addf %scan3A_1660, %get3A_1695 : vector<16xf32>
        %get3A_1697 = arith.index_cast %scan3A_1653 : i32 to index
        %get3A_1698 = arith.constant 112 : index
        %get3A_1699 = tpu.vector_load %arg13[%get3A_1697, %get3A_1698] {strides = array<i32>} : memref<100x128xf32, #tpu.memory_space<vmem>>, vector<1x16xf32>,
        %get3A_1700 = vector.shape_cast %get3A_1699 : vector<1x16xf32> to vector<16xf32>
        %add3A_1701 = arith.addf %scan3A_1661, %get3A_1700 : vector<16xf32>
        scf.yield %add3A_1666, %add3A_1671, %add3A_1676, %add3A_1681, %add3A_1686, %add3A_1691, %add3A_1696, %add3A_1701 : vector<16xf32>, vector<16xf32>, vector<16xf32>, vector<16xf32>, vector<16xf32>, vector<16xf32>, vector<16xf32>, vector<16xf32>
      }
      %scan3A_1518 = arith.constant 49 : i32
      %mul3A_1519 = arith.constant 2 : i32
      %mul3A_1520 = arith.muli %add3A_1472, %mul3A_1519 : i32
      %add3A_1521 = arith.constant 0 : i32
      %add3A_1522 = arith.addi %mul3A_1520, %add3A_1521 : i32
      %swap3A_1523 = arith.index_cast %add3A_1522 : i32 to index
      %swap3A_1524 = arith.constant 0 : index
      %swap3A_1525 = tpu.vector_load %arg14[%swap3A_1523, %swap3A_1524] {strides = array<i32>} : memref<128x128xf32, #tpu.memory_space<vmem>>, vector<1x16xf32>,
      %swap3A_1526 = vector.shape_cast %swap3A_1525 : vector<1x16xf32> to vector<16xf32>
      %swap3A_1527 = vector.shape_cast %scan3A_1517#0 : vector<16xf32> to vector<1x16xf32>
      tpu.vector_store %arg14[%swap3A_1523, %swap3A_1524], %swap3A_1527 {strides = array<i32>} : memref<128x128xf32, #tpu.memory_space<vmem>>, vector<1x16xf32>,
      %swap3A_1528 = arith.index_cast %add3A_1522 : i32 to index
      %swap3A_1529 = arith.constant 16 : index
      %swap3A_1530 = tpu.vector_load %arg14[%swap3A_1528, %swap3A_1529] {strides = array<i32>} : memref<128x128xf32, #tpu.memory_space<vmem>>, vector<1x16xf32>,
      %swap3A_1531 = vector.shape_cast %swap3A_1530 : vector<1x16xf32> to vector<16xf32>
      %swap3A_1532 = vector.shape_cast %scan3A_1517#1 : vector<16xf32> to vector<1x16xf32>
      tpu.vector_store %arg14[%swap3A_1528, %swap3A_1529], %swap3A_1532 {strides = array<i32>} : memref<128x128xf32, #tpu.memory_space<vmem>>, vector<1x16xf32>,
      %swap3A_1533 = arith.index_cast %add3A_1522 : i32 to index
      %swap3A_1534 = arith.constant 32 : index
      %swap3A_1535 = tpu.vector_load %arg14[%swap3A_1533, %swap3A_1534] {strides = array<i32>} : memref<128x128xf32, #tpu.memory_space<vmem>>, vector<1x16xf32>,
      %swap3A_1536 = vector.shape_cast %swap3A_1535 : vector<1x16xf32> to vector<16xf32>
      %swap3A_1537 = vector.shape_cast %scan3A_1517#2 : vector<16xf32> to vector<1x16xf32>
      tpu.vector_store %arg14[%swap3A_1533, %swap3A_1534], %swap3A_1537 {strides = array<i32>} : memref<128x128xf32, #tpu.memory_space<vmem>>, vector<1x16xf32>,
      %swap3A_1538 = arith.index_cast %add3A_1522 : i32 to index
      %swap3A_1539 = arith.constant 48 : index
      %swap3A_1540 = tpu.vector_load %arg14[%swap3A_1538, %swap3A_1539] {strides = array<i32>} : memref<128x128xf32, #tpu.memory_space<vmem>>, vector<1x16xf32>,
      %swap3A_1541 = vector.shape_cast %swap3A_1540 : vector<1x16xf32> to vector<16xf32>
      %swap3A_1542 = vector.shape_cast %scan3A_1517#3 : vector<16xf32> to vector<1x16xf32>
      tpu.vector_store %arg14[%swap3A_1538, %swap3A_1539], %swap3A_1542 {strides = array<i32>} : memref<128x128xf32, #tpu.memory_space<vmem>>, vector<1x16xf32>,
      %swap3A_1543 = arith.index_cast %add3A_1522 : i32 to index
      %swap3A_1544 = arith.constant 64 : index
      %swap3A_1545 = tpu.vector_load %arg14[%swap3A_1543, %swap3A_1544] {strides = array<i32>} : memref<128x128xf32, #tpu.memory_space<vmem>>, vector<1x16xf32>,
      %swap3A_1546 = vector.shape_cast %swap3A_1545 : vector<1x16xf32> to vector<16xf32>
      %swap3A_1547 = vector.shape_cast %scan3A_1517#4 : vector<16xf32> to vector<1x16xf32>
      tpu.vector_store %arg14[%swap3A_1543, %swap3A_1544], %swap3A_1547 {strides = array<i32>} : memref<128x128xf32, #tpu.memory_space<vmem>>, vector<1x16xf32>,
      %swap3A_1548 = arith.index_cast %add3A_1522 : i32 to index
      %swap3A_1549 = arith.constant 80 : index
      %swap3A_1550 = tpu.vector_load %arg14[%swap3A_1548, %swap3A_1549] {strides = array<i32>} : memref<128x128xf32, #tpu.memory_space<vmem>>, vector<1x16xf32>,
      %swap3A_1551 = vector.shape_cast %swap3A_1550 : vector<1x16xf32> to vector<16xf32>
      %swap3A_1552 = vector.shape_cast %scan3A_1517#5 : vector<16xf32> to vector<1x16xf32>
      tpu.vector_store %arg14[%swap3A_1548, %swap3A_1549], %swap3A_1552 {strides = array<i32>} : memref<128x128xf32, #tpu.memory_space<vmem>>, vector<1x16xf32>,
      %swap3A_1553 = arith.index_cast %add3A_1522 : i32 to index
      %swap3A_1554 = arith.constant 96 : index
      %swap3A_1555 = tpu.vector_load %arg14[%swap3A_1553, %swap3A_1554] {strides = array<i32>} : memref<128x128xf32, #tpu.memory_space<vmem>>, vector<1x16xf32>,
      %swap3A_1556 = vector.shape_cast %swap3A_1555 : vector<1x16xf32> to vector<16xf32>
      %swap3A_1557 = vector.shape_cast %scan3A_1517#6 : vector<16xf32> to vector<1x16xf32>
      tpu.vector_store %arg14[%swap3A_1553, %swap3A_1554], %swap3A_1557 {strides = array<i32>} : memref<128x128xf32, #tpu.memory_space<vmem>>, vector<1x16xf32>,
      %swap3A_1558 = arith.index_cast %add3A_1522 : i32 to index
      %swap3A_1559 = arith.constant 112 : index
      %swap3A_1560 = tpu.vector_load %arg14[%swap3A_1558, %swap3A_1559] {strides = array<i32>} : memref<128x128xf32, #tpu.memory_space<vmem>>, vector<1x16xf32>,
      %swap3A_1561 = vector.shape_cast %swap3A_1560 : vector<1x16xf32> to vector<16xf32>
      %swap3A_1562 = vector.shape_cast %scan3A_1517#7 : vector<16xf32> to vector<1x16xf32>
      tpu.vector_store %arg14[%swap3A_1558, %swap3A_1559], %swap3A_1562 {strides = array<i32>} : memref<128x128xf32, #tpu.memory_space<vmem>>, vector<1x16xf32>,
      %get3A_1563 = arith.constant 50 : i32
      %get3A_1564 = arith.index_cast %get3A_1563 : i32 to index
      %get3A_1565 = arith.constant 0 : index
      %get3A_1566 = tpu.vector_load %arg13[%get3A_1564, %get3A_1565] {strides = array<i32>} : memref<100x128xf32, #tpu.memory_space<vmem>>, vector<1x16xf32>,
      %get3A_1567 = vector.shape_cast %get3A_1566 : vector<1x16xf32> to vector<16xf32>
      %get3A_1568 = arith.constant 50 : i32
      %get3A_1569 = arith.index_cast %get3A_1568 : i32 to index
      %get3A_1570 = arith.constant 16 : index
      %get3A_1571 = tpu.vector_load %arg13[%get3A_1569, %get3A_1570] {strides = array<i32>} : memref<100x128xf32, #tpu.memory_space<vmem>>, vector<1x16xf32>,
      %get3A_1572 = vector.shape_cast %get3A_1571 : vector<1x16xf32> to vector<16xf32>
      %get3A_1573 = arith.constant 50 : i32
      %get3A_1574 = arith.index_cast %get3A_1573 : i32 to index
      %get3A_1575 = arith.constant 32 : index
      %get3A_1576 = tpu.vector_load %arg13[%get3A_1574, %get3A_1575] {strides = array<i32>} : memref<100x128xf32, #tpu.memory_space<vmem>>, vector<1x16xf32>,
      %get3A_1577 = vector.shape_cast %get3A_1576 : vector<1x16xf32> to vector<16xf32>
      %get3A_1578 = arith.constant 50 : i32
      %get3A_1579 = arith.index_cast %get3A_1578 : i32 to index
      %get3A_1580 = arith.constant 48 : index
      %get3A_1581 = tpu.vector_load %arg13[%get3A_1579, %get3A_1580] {strides = array<i32>} : memref<100x128xf32, #tpu.memory_space<vmem>>, vector<1x16xf32>,
      %get3A_1582 = vector.shape_cast %get3A_1581 : vector<1x16xf32> to vector<16xf32>
      %get3A_1583 = arith.constant 50 : i32
      %get3A_1584 = arith.index_cast %get3A_1583 : i32 to index
      %get3A_1585 = arith.constant 64 : index
      %get3A_1586 = tpu.vector_load %arg13[%get3A_1584, %get3A_1585] {strides = array<i32>} : memref<100x128xf32, #tpu.memory_space<vmem>>, vector<1x16xf32>,
      %get3A_1587 = vector.shape_cast %get3A_1586 : vector<1x16xf32> to vector<16xf32>
      %get3A_1588 = arith.constant 50 : i32
      %get3A_1589 = arith.index_cast %get3A_1588 : i32 to index
      %get3A_1590 = arith.constant 80 : index
      %get3A_1591 = tpu.vector_load %arg13[%get3A_1589, %get3A_1590] {strides = array<i32>} : memref<100x128xf32, #tpu.memory_space<vmem>>, vector<1x16xf32>,
      %get3A_1592 = vector.shape_cast %get3A_1591 : vector<1x16xf32> to vector<16xf32>
      %get3A_1593 = arith.constant 50 : i32
      %get3A_1594 = arith.index_cast %get3A_1593 : i32 to index
      %get3A_1595 = arith.constant 96 : index
      %get3A_1596 = tpu.vector_load %arg13[%get3A_1594, %get3A_1595] {strides = array<i32>} : memref<100x128xf32, #tpu.memory_space<vmem>>, vector<1x16xf32>,
      %get3A_1597 = vector.shape_cast %get3A_1596 : vector<1x16xf32> to vector<16xf32>
      %get3A_1598 = arith.constant 50 : i32
      %get3A_1599 = arith.index_cast %get3A_1598 : i32 to index
      %get3A_1600 = arith.constant 112 : index
      %get3A_1601 = tpu.vector_load %arg13[%get3A_1599, %get3A_1600] {strides = array<i32>} : memref<100x128xf32, #tpu.memory_space<vmem>>, vector<1x16xf32>,
      %get3A_1602 = vector.shape_cast %get3A_1601 : vector<1x16xf32> to vector<16xf32>
      %scan3A_1603 = arith.constant 51 : i32
      %scan3A_1604 = arith.constant 49 : i32
      %scan3A_1605 = arith.addi %scan3A_1603, %scan3A_1604 : i32
      %scan3A_1606 = arith.constant 1 : i32
      %scan3A_1607:8 = scf.for %scan3A_1653 = %scan3A_1603 to %scan3A_1605 step %scan3A_1606 iter_args(%scan3A_1654 = %get3A_1567, %scan3A_1655 = %get3A_1572, %scan3A_1656 = %get3A_1577, %scan3A_1657 = %get3A_1582, %scan3A_1658 = %get3A_1587, %scan3A_1659 = %get3A_1592, %scan3A_1660 = %get3A_1597, %scan3A_1661 = %get3A_1602) -> (vector<16xf32>, vector<16xf32>, vector<16xf32>, vector<16xf32>, vector<16xf32>, vector<16xf32>, vector<16xf32>, vector<16xf32>)  : i32 {
        %get3A_1662 = arith.index_cast %scan3A_1653 : i32 to index
        %get3A_1663 = arith.constant 0 : index
        %get3A_1664 = tpu.vector_load %arg13[%get3A_1662, %get3A_1663] {strides = array<i32>} : memref<100x128xf32, #tpu.memory_space<vmem>>, vector<1x16xf32>,
        %get3A_1665 = vector.shape_cast %get3A_1664 : vector<1x16xf32> to vector<16xf32>
        %add3A_1666 = arith.addf %scan3A_1654, %get3A_1665 : vector<16xf32>
        %get3A_1667 = arith.index_cast %scan3A_1653 : i32 to index
        %get3A_1668 = arith.constant 16 : index
        %get3A_1669 = tpu.vector_load %arg13[%get3A_1667, %get3A_1668] {strides = array<i32>} : memref<100x128xf32, #tpu.memory_space<vmem>>, vector<1x16xf32>,
        %get3A_1670 = vector.shape_cast %get3A_1669 : vector<1x16xf32> to vector<16xf32>
        %add3A_1671 = arith.addf %scan3A_1655, %get3A_1670 : vector<16xf32>
        %get3A_1672 = arith.index_cast %scan3A_1653 : i32 to index
        %get3A_1673 = arith.constant 32 : index
        %get3A_1674 = tpu.vector_load %arg13[%get3A_1672, %get3A_1673] {strides = array<i32>} : memref<100x128xf32, #tpu.memory_space<vmem>>, vector<1x16xf32>,
        %get3A_1675 = vector.shape_cast %get3A_1674 : vector<1x16xf32> to vector<16xf32>
        %add3A_1676 = arith.addf %scan3A_1656, %get3A_1675 : vector<16xf32>
        %get3A_1677 = arith.index_cast %scan3A_1653 : i32 to index
        %get3A_1678 = arith.constant 48 : index
        %get3A_1679 = tpu.vector_load %arg13[%get3A_1677, %get3A_1678] {strides = array<i32>} : memref<100x128xf32, #tpu.memory_space<vmem>>, vector<1x16xf32>,
        %get3A_1680 = vector.shape_cast %get3A_1679 : vector<1x16xf32> to vector<16xf32>
        %add3A_1681 = arith.addf %scan3A_1657, %get3A_1680 : vector<16xf32>
        %get3A_1682 = arith.index_cast %scan3A_1653 : i32 to index
        %get3A_1683 = arith.constant 64 : index
        %get3A_1684 = tpu.vector_load %arg13[%get3A_1682, %get3A_1683] {strides = array<i32>} : memref<100x128xf32, #tpu.memory_space<vmem>>, vector<1x16xf32>,
        %get3A_1685 = vector.shape_cast %get3A_1684 : vector<1x16xf32> to vector<16xf32>
        %add3A_1686 = arith.addf %scan3A_1658, %get3A_1685 : vector<16xf32>
        %get3A_1687 = arith.index_cast %scan3A_1653 : i32 to index
        %get3A_1688 = arith.constant 80 : index
        %get3A_1689 = tpu.vector_load %arg13[%get3A_1687, %get3A_1688] {strides = array<i32>} : memref<100x128xf32, #tpu.memory_space<vmem>>, vector<1x16xf32>,
        %get3A_1690 = vector.shape_cast %get3A_1689 : vector<1x16xf32> to vector<16xf32>
        %add3A_1691 = arith.addf %scan3A_1659, %get3A_1690 : vector<16xf32>
        %get3A_1692 = arith.index_cast %scan3A_1653 : i32 to index
        %get3A_1693 = arith.constant 96 : index
        %get3A_1694 = tpu.vector_load %arg13[%get3A_1692, %get3A_1693] {strides = array<i32>} : memref<100x128xf32, #tpu.memory_space<vmem>>, vector<1x16xf32>,
        %get3A_1695 = vector.shape_cast %get3A_1694 : vector<1x16xf32> to vector<16xf32>
        %add3A_1696 = arith.addf %scan3A_1660, %get3A_1695 : vector<16xf32>
        %get3A_1697 = arith.index_cast %scan3A_1653 : i32 to index
        %get3A_1698 = arith.constant 112 : index
        %get3A_1699 = tpu.vector_load %arg13[%get3A_1697, %get3A_1698] {strides = array<i32>} : memref<100x128xf32, #tpu.memory_space<vmem>>, vector<1x16xf32>,
        %get3A_1700 = vector.shape_cast %get3A_1699 : vector<1x16xf32> to vector<16xf32>
        %add3A_1701 = arith.addf %scan3A_1661, %get3A_1700 : vector<16xf32>
        scf.yield %add3A_1666, %add3A_1671, %add3A_1676, %add3A_1681, %add3A_1686, %add3A_1691, %add3A_1696, %add3A_1701 : vector<16xf32>, vector<16xf32>, vector<16xf32>, vector<16xf32>, vector<16xf32>, vector<16xf32>, vector<16xf32>, vector<16xf32>
      }
      %scan3A_1608 = arith.constant 49 : i32
      %mul3A_1609 = arith.constant 2 : i32
      %mul3A_1610 = arith.muli %add3A_1472, %mul3A_1609 : i32
      %add3A_1611 = arith.constant 1 : i32
      %add3A_1612 = arith.addi %mul3A_1610, %add3A_1611 : i32
      %swap3A_1613 = arith.index_cast %add3A_1612 : i32 to index
      %swap3A_1614 = arith.constant 0 : index
      %swap3A_1615 = tpu.vector_load %arg14[%swap3A_1613, %swap3A_1614] {strides = array<i32>} : memref<128x128xf32, #tpu.memory_space<vmem>>, vector<1x16xf32>,
      %swap3A_1616 = vector.shape_cast %swap3A_1615 : vector<1x16xf32> to vector<16xf32>
      %swap3A_1617 = vector.shape_cast %scan3A_1607#0 : vector<16xf32> to vector<1x16xf32>
      tpu.vector_store %arg14[%swap3A_1613, %swap3A_1614], %swap3A_1617 {strides = array<i32>} : memref<128x128xf32, #tpu.memory_space<vmem>>, vector<1x16xf32>,
      %swap3A_1618 = arith.index_cast %add3A_1612 : i32 to index
      %swap3A_1619 = arith.constant 16 : index
      %swap3A_1620 = tpu.vector_load %arg14[%swap3A_1618, %swap3A_1619] {strides = array<i32>} : memref<128x128xf32, #tpu.memory_space<vmem>>, vector<1x16xf32>,
      %swap3A_1621 = vector.shape_cast %swap3A_1620 : vector<1x16xf32> to vector<16xf32>
      %swap3A_1622 = vector.shape_cast %scan3A_1607#1 : vector<16xf32> to vector<1x16xf32>
      tpu.vector_store %arg14[%swap3A_1618, %swap3A_1619], %swap3A_1622 {strides = array<i32>} : memref<128x128xf32, #tpu.memory_space<vmem>>, vector<1x16xf32>,
      %swap3A_1623 = arith.index_cast %add3A_1612 : i32 to index
      %swap3A_1624 = arith.constant 32 : index
      %swap3A_1625 = tpu.vector_load %arg14[%swap3A_1623, %swap3A_1624] {strides = array<i32>} : memref<128x128xf32, #tpu.memory_space<vmem>>, vector<1x16xf32>,
      %swap3A_1626 = vector.shape_cast %swap3A_1625 : vector<1x16xf32> to vector<16xf32>
      %swap3A_1627 = vector.shape_cast %scan3A_1607#2 : vector<16xf32> to vector<1x16xf32>
      tpu.vector_store %arg14[%swap3A_1623, %swap3A_1624], %swap3A_1627 {strides = array<i32>} : memref<128x128xf32, #tpu.memory_space<vmem>>, vector<1x16xf32>,
      %swap3A_1628 = arith.index_cast %add3A_1612 : i32 to index
      %swap3A_1629 = arith.constant 48 : index
      %swap3A_1630 = tpu.vector_load %arg14[%swap3A_1628, %swap3A_1629] {strides = array<i32>} : memref<128x128xf32, #tpu.memory_space<vmem>>, vector<1x16xf32>,
      %swap3A_1631 = vector.shape_cast %swap3A_1630 : vector<1x16xf32> to vector<16xf32>
      %swap3A_1632 = vector.shape_cast %scan3A_1607#3 : vector<16xf32> to vector<1x16xf32>
      tpu.vector_store %arg14[%swap3A_1628, %swap3A_1629], %swap3A_1632 {strides = array<i32>} : memref<128x128xf32, #tpu.memory_space<vmem>>, vector<1x16xf32>,
      %swap3A_1633 = arith.index_cast %add3A_1612 : i32 to index
      %swap3A_1634 = arith.constant 64 : index
      %swap3A_1635 = tpu.vector_load %arg14[%swap3A_1633, %swap3A_1634] {strides = array<i32>} : memref<128x128xf32, #tpu.memory_space<vmem>>, vector<1x16xf32>,
      %swap3A_1636 = vector.shape_cast %swap3A_1635 : vector<1x16xf32> to vector<16xf32>
      %swap3A_1637 = vector.shape_cast %scan3A_1607#4 : vector<16xf32> to vector<1x16xf32>
      tpu.vector_store %arg14[%swap3A_1633, %swap3A_1634], %swap3A_1637 {strides = array<i32>} : memref<128x128xf32, #tpu.memory_space<vmem>>, vector<1x16xf32>,
      %swap3A_1638 = arith.index_cast %add3A_1612 : i32 to index
      %swap3A_1639 = arith.constant 80 : index
      %swap3A_1640 = tpu.vector_load %arg14[%swap3A_1638, %swap3A_1639] {strides = array<i32>} : memref<128x128xf32, #tpu.memory_space<vmem>>, vector<1x16xf32>,
      %swap3A_1641 = vector.shape_cast %swap3A_1640 : vector<1x16xf32> to vector<16xf32>
      %swap3A_1642 = vector.shape_cast %scan3A_1607#5 : vector<16xf32> to vector<1x16xf32>
      tpu.vector_store %arg14[%swap3A_1638, %swap3A_1639], %swap3A_1642 {strides = array<i32>} : memref<128x128xf32, #tpu.memory_space<vmem>>, vector<1x16xf32>,
      %swap3A_1643 = arith.index_cast %add3A_1612 : i32 to index
      %swap3A_1644 = arith.constant 96 : index
      %swap3A_1645 = tpu.vector_load %arg14[%swap3A_1643, %swap3A_1644] {strides = array<i32>} : memref<128x128xf32, #tpu.memory_space<vmem>>, vector<1x16xf32>,
      %swap3A_1646 = vector.shape_cast %swap3A_1645 : vector<1x16xf32> to vector<16xf32>
      %swap3A_1647 = vector.shape_cast %scan3A_1607#6 : vector<16xf32> to vector<1x16xf32>
      tpu.vector_store %arg14[%swap3A_1643, %swap3A_1644], %swap3A_1647 {strides = array<i32>} : memref<128x128xf32, #tpu.memory_space<vmem>>, vector<1x16xf32>,
      %swap3A_1648 = arith.index_cast %add3A_1612 : i32 to index
      %swap3A_1649 = arith.constant 112 : index
      %swap3A_1650 = tpu.vector_load %arg14[%swap3A_1648, %swap3A_1649] {strides = array<i32>} : memref<128x128xf32, #tpu.memory_space<vmem>>, vector<1x16xf32>,
      %swap3A_1651 = vector.shape_cast %swap3A_1650 : vector<1x16xf32> to vector<16xf32>
      %swap3A_1652 = vector.shape_cast %scan3A_1607#7 : vector<16xf32> to vector<1x16xf32>
      tpu.vector_store %arg14[%swap3A_1648, %swap3A_1649], %swap3A_1652 {strides = array<i32>} : memref<128x128xf32, #tpu.memory_space<vmem>>, vector<1x16xf32>,
    }
    %scan3A_52 = arith.constant 8 : i32
    %mul3A_53 = arith.constant 128 : i32
    %mul3A_54 = arith.muli %add3A, %mul3A_53 : i32
    "tpu.region"() ({
      %run_scoped3A = tpu.sem_alloc : memref<!tpu.dma_semaphore, #tpu.memory_space<semaphore_mem>>
      %dma_start3A_55 = arith.constant 0 : i32
      %dma_start3A_56 = tpu.memref_slice %arg4[%mul3A_54, %dma_start3A_55] : memref<4096x128xf32, #tpu.memory_space<hbm>> -> memref<128x128xf32, #tpu.memory_space<hbm>>
      %dma_start3A_57 = arith.constant 0 : i32
      %dma_start3A_58 = tpu.memref_slice %arg4[%mul3A_54, %dma_start3A_57] : memref<4096x128xf32, #tpu.memory_space<hbm>> -> memref<128x128xf32, #tpu.memory_space<hbm>>
      tpu.enqueue_dma source(%arg14 : memref<128x128xf32, #tpu.memory_space<vmem>>) target(%dma_start3A_58 : memref<128x128xf32, #tpu.memory_space<hbm>>) target_semaphore(%run_scoped3A : memref<!tpu.dma_semaphore, #tpu.memory_space<semaphore_mem>>)
      %dma_wait3A = arith.constant 0 : i32
      %dma_wait3A_59 = tpu.memref_slice %arg4[%mul3A_54, %dma_wait3A] : memref<4096x128xf32, #tpu.memory_space<hbm>> -> memref<128x128xf32, #tpu.memory_space<hbm>>
      %dma_wait3A_60 = arith.constant 0 : i32
      %dma_wait3A_61 = tpu.memref_slice %arg4[%mul3A_54, %dma_wait3A_60] : memref<4096x128xf32, #tpu.memory_space<hbm>> -> memref<128x128xf32, #tpu.memory_space<hbm>>
      tpu.wait_dma2 semaphore(%run_scoped3A : memref<!tpu.dma_semaphore, #tpu.memory_space<semaphore_mem>>) src(%arg14 : memref<128x128xf32, #tpu.memory_space<vmem>>) dst(%dma_wait3A_61 : memref<128x128xf32, #tpu.memory_space<hbm>>)
      tpu.yield
    }) : () -> ()
    return
  }
}

module attributes {stable_mosaic.version = 14 : i64} {
  func.func @_mlp_body(%arg0: i32, %arg1: memref<2048x64xf32, #tpu.memory_space<vmem>>, %arg2: memref<2048x128xf32, #tpu.memory_space<vmem>>, %arg3: memref<192x256xf32, #tpu.memory_space<vmem>>, %arg4: memref<256xf32, #tpu.memory_space<vmem>>, %arg5: memref<256x128xf32, #tpu.memory_space<vmem>>, %arg6: memref<128xf32, #tpu.memory_space<vmem>>, %arg7: memref<128x3xf32, #tpu.memory_space<vmem>>, %arg8: memref<3xf32, #tpu.memory_space<vmem>>, %arg9: memref<2048x3xf32, #tpu.memory_space<vmem>>) attributes {dimension_semantics = [#tpu.dimension_semantics<arbitrary>], iteration_bounds = array<i64: 2>, scalar_prefetch = 0 : i64, scratch_operands = 0 : i64, tpu.core_type = #tpu.core_type<tc>, window_params = [{transform_indices = @transform_0, window_bounds = array<i64: 2048, 64>}, {transform_indices = @transform_1, window_bounds = array<i64: 2048, 128>}, {pipeline_mode = #tpu.pipeline_mode<synchronous>, transform_indices = @transform_2, window_bounds = array<i64: 192, 256>}, {pipeline_mode = #tpu.pipeline_mode<synchronous>, transform_indices = @transform_3, window_bounds = array<i64: 256>}, {pipeline_mode = #tpu.pipeline_mode<synchronous>, transform_indices = @transform_4, window_bounds = array<i64: 256, 128>}, {pipeline_mode = #tpu.pipeline_mode<synchronous>, transform_indices = @transform_5, window_bounds = array<i64: 128>}, {pipeline_mode = #tpu.pipeline_mode<synchronous>, transform_indices = @transform_6, window_bounds = array<i64: 128, 3>}, {pipeline_mode = #tpu.pipeline_mode<synchronous>, transform_indices = @transform_7, window_bounds = array<i64: 3>}, {transform_indices = @transform_8, window_bounds = array<i64: 2048, 3>}]} {
    %get3A = arith.constant 0 : index
    %get3A_0 = arith.constant 0 : index
    %get3A_1 = vector.load %arg3[%get3A, %get3A_0] : memref<192x256xf32, #tpu.memory_space<vmem>>, vector<192x256xf32>
    %convert_element_type3A = arith.truncf %get3A_1 : vector<192x256xf32> to vector<192x256xbf16>
    %get3A_2 = arith.constant 0 : index
    %get3A_3 = arith.constant 0 : index
    %get3A_4 = vector.load %arg1[%get3A_2, %get3A_3] : memref<2048x64xf32, #tpu.memory_space<vmem>>, vector<2048x64xf32>
    %convert_element_type3A_5 = arith.truncf %get3A_4 : vector<2048x64xf32> to vector<2048x64xbf16>
    %slice3A = vector.extract_strided_slice %convert_element_type3A {offsets = [0, 0], sizes = [64, 256], strides = [1, 1]} : vector<192x256xbf16> to vector<64x256xbf16>
    %dot_general3A = arith.constant dense<0.000000e+00> : vector<2048x256xf32>
    %dot_general3A_6 = tpu.matmul %convert_element_type3A_5, %slice3A, %dot_general3A {dimension_numbers = #tpu.dot_dimension_numbers<[1], [0], [0], [1], [0, 0, 1, 1], [], []>, transpose_lhs_hint = false} : vector<2048x64xbf16>, vector<64x256xbf16>, vector<2048x256xf32> -> vector<2048x256xf32>
    %get3A_7 = arith.constant 0 : index
    %get3A_8 = arith.constant 0 : index
    %get3A_9 = vector.load %arg2[%get3A_7, %get3A_8] : memref<2048x128xf32, #tpu.memory_space<vmem>>, vector<2048x128xf32>
    %convert_element_type3A_10 = arith.truncf %get3A_9 : vector<2048x128xf32> to vector<2048x128xbf16>
    %slice3A_11 = vector.extract_strided_slice %convert_element_type3A {offsets = [64, 0], sizes = [128, 256], strides = [1, 1]} : vector<192x256xbf16> to vector<128x256xbf16>
    %dot_general3A_12 = arith.constant dense<0.000000e+00> : vector<2048x256xf32>
    %dot_general3A_13 = tpu.matmul %convert_element_type3A_10, %slice3A_11, %dot_general3A_12 {dimension_numbers = #tpu.dot_dimension_numbers<[1], [0], [0], [1], [0, 0, 1, 1], [], []>, transpose_lhs_hint = false} : vector<2048x128xbf16>, vector<128x256xbf16>, vector<2048x256xf32> -> vector<2048x256xf32>
    %add3A = arith.addf %dot_general3A_6, %dot_general3A_13 : vector<2048x256xf32>
    %get3A_14 = arith.constant 0 : index
    %get3A_15 = vector.load %arg4[%get3A_14] : memref<256xf32, #tpu.memory_space<vmem>>, vector<256xf32>
    %broadcast_in_dim3A = vector.shape_cast %get3A_15 : vector<256xf32> to vector<1x256xf32>
    %add3A_16 = vector.broadcast %broadcast_in_dim3A : vector<1x256xf32> to vector<2048x256xf32>
    %add3A_17 = arith.addf %add3A, %add3A_16 : vector<2048x256xf32>
    %max3A = arith.constant 0.000000e+00 : f32
    %max3A_18 = vector.broadcast %max3A : f32 to vector<2048x256xf32>
    %max3A_19 = arith.maximumf %add3A_17, %max3A_18 : vector<2048x256xf32>
    %convert_element_type3A_20 = arith.truncf %max3A_19 : vector<2048x256xf32> to vector<2048x256xbf16>
    %get3A_21 = arith.constant 0 : index
    %get3A_22 = arith.constant 0 : index
    %get3A_23 = vector.load %arg5[%get3A_21, %get3A_22] : memref<256x128xf32, #tpu.memory_space<vmem>>, vector<256x128xf32>
    %convert_element_type3A_24 = arith.truncf %get3A_23 : vector<256x128xf32> to vector<256x128xbf16>
    %dot_general3A_25 = arith.constant dense<0.000000e+00> : vector<2048x128xf32>
    %dot_general3A_26 = tpu.matmul %convert_element_type3A_20, %convert_element_type3A_24, %dot_general3A_25 {dimension_numbers = #tpu.dot_dimension_numbers<[1], [0], [0], [1], [0, 0, 1, 1], [], []>, transpose_lhs_hint = false} : vector<2048x256xbf16>, vector<256x128xbf16>, vector<2048x128xf32> -> vector<2048x128xf32>
    %get3A_27 = arith.constant 0 : index
    %get3A_28 = vector.load %arg6[%get3A_27] : memref<128xf32, #tpu.memory_space<vmem>>, vector<128xf32>
    %broadcast_in_dim3A_29 = vector.shape_cast %get3A_28 : vector<128xf32> to vector<1x128xf32>
    %add3A_30 = vector.broadcast %broadcast_in_dim3A_29 : vector<1x128xf32> to vector<2048x128xf32>
    %add3A_31 = arith.addf %dot_general3A_26, %add3A_30 : vector<2048x128xf32>
    %max3A_32 = arith.constant 0.000000e+00 : f32
    %max3A_33 = vector.broadcast %max3A_32 : f32 to vector<2048x128xf32>
    %max3A_34 = arith.maximumf %add3A_31, %max3A_33 : vector<2048x128xf32>
    %get3A_35 = arith.constant 0 : index
    %get3A_36 = arith.constant 0 : index
    %get3A_37 = vector.load %arg7[%get3A_35, %get3A_36] : memref<128x3xf32, #tpu.memory_space<vmem>>, vector<128x3xf32>
    %dot_general3A_38 = arith.constant dense<0.000000e+00> : vector<2048x3xf32>
    %dot_general3A_39 = tpu.matmul %max3A_34, %get3A_37, %dot_general3A_38 {dimension_numbers = #tpu.dot_dimension_numbers<[1], [0], [0], [1], [0, 0, 1, 1], [], []>, transpose_lhs_hint = false} : vector<2048x128xf32>, vector<128x3xf32>, vector<2048x3xf32> -> vector<2048x3xf32>
    %get3A_40 = arith.constant 0 : index
    %get3A_41 = vector.load %arg8[%get3A_40] : memref<3xf32, #tpu.memory_space<vmem>>, vector<3xf32>
    %broadcast_in_dim3A_42 = vector.shape_cast %get3A_41 : vector<3xf32> to vector<1x3xf32>
    %add3A_43 = vector.broadcast %broadcast_in_dim3A_42 : vector<1x3xf32> to vector<2048x3xf32>
    %add3A_44 = arith.addf %dot_general3A_39, %add3A_43 : vector<2048x3xf32>
    %swap3A = arith.constant 0 : index
    %swap3A_45 = arith.constant 0 : index
    %swap3A_46 = vector.load %arg9[%swap3A, %swap3A_45] : memref<2048x3xf32, #tpu.memory_space<vmem>>, vector<2048x3xf32>
    tpu.vector_store %arg9[%swap3A, %swap3A_45], %add3A_44 {strides = array<i32>} : memref<2048x3xf32, #tpu.memory_space<vmem>>, vector<2048x3xf32>,
    return
  }
  func.func @transform_0(%arg0: i32) -> (i32, i32) {
    %c0_i32 = arith.constant 0 : i32
    %c0_i32_0 = arith.constant 0 : i32
    return %arg0, %c0_i32 : i32, i32
  }
  func.func @transform_1(%arg0: i32) -> (i32, i32) {
    %c0_i32 = arith.constant 0 : i32
    %c0_i32_0 = arith.constant 0 : i32
    return %arg0, %c0_i32 : i32, i32
  }
  func.func @transform_2(%arg0: i32) -> (i32, i32) {
    %c0_i32 = arith.constant 0 : i32
    %c0_i32_0 = arith.constant 0 : i32
    %c0_i32_1 = arith.constant 0 : i32
    return %c0_i32, %c0_i32_0 : i32, i32
  }
  func.func @transform_3(%arg0: i32) -> i32 {
    %c0_i32 = arith.constant 0 : i32
    %c0_i32_0 = arith.constant 0 : i32
    return %c0_i32 : i32
  }
  func.func @transform_4(%arg0: i32) -> (i32, i32) {
    %c0_i32 = arith.constant 0 : i32
    %c0_i32_0 = arith.constant 0 : i32
    %c0_i32_1 = arith.constant 0 : i32
    return %c0_i32, %c0_i32_0 : i32, i32
  }
  func.func @transform_5(%arg0: i32) -> i32 {
    %c0_i32 = arith.constant 0 : i32
    %c0_i32_0 = arith.constant 0 : i32
    return %c0_i32 : i32
  }
  func.func @transform_6(%arg0: i32) -> (i32, i32) {
    %c0_i32 = arith.constant 0 : i32
    %c0_i32_0 = arith.constant 0 : i32
    %c0_i32_1 = arith.constant 0 : i32
    return %c0_i32, %c0_i32_0 : i32, i32
  }
  func.func @transform_7(%arg0: i32) -> i32 {
    %c0_i32 = arith.constant 0 : i32
    %c0_i32_0 = arith.constant 0 : i32
    return %c0_i32 : i32
  }
  func.func @transform_8(%arg0: i32) -> (i32, i32) {
    %c0_i32 = arith.constant 0 : i32
    %c0_i32_0 = arith.constant 0 : i32
    return %arg0, %c0_i32 : i32, i32
  }
}

</mosaic_0001>

<sc_bundles>
// kernel: kernel.4.cloned.1.call-start
scs
__scs_entry_jumppad:
0x0: {  	(pc) =	sbr.rel $0x88, $3  }
0x1: {  	(tag) =	ssettag $0x0;
	lr =	simm.s32 $0x1  }
0x2: {  	[smem:$0x3F98] =	sst lr;
	_ =	strace $0xD0000000  }
0x3: {  	_ = 	snop  }
0x4: {  	_ = 	snop  }
0x5: {  	_ = 	snop  }
0x6: {  	_ = 	snop  }
0x7: {  	_ = 	snop  }
__scs_overlays_trampoline_lowered:
0x8: {  	[smem:$0x3FA7] =	sst s0  }
0x9: {  	[smem:$0x3FA8] =	sst s1  }
0xa: {  	[smem:$0x3FA9] =	sst s2  }
0xb: {  	[smem:$0x3FAA] =	sst s3  }
0xc: {  	[smem:$0x3FAB] =	sst s4  }
0xd: {  	[smem:$0x3FAC] =	sst s5  }
0xe: {  	[smem:$0x3FAD] =	sst s6  }
0xf: {  	[smem:$0x3FAE] =	sst s7  }
0x10: {  	[smem:$0x3FAF] =	sst s8  }
0x11: {  	[smem:$0x3FB0] =	sst s9;
	s0 =	simm.s32 @!p0 $0x0  }
0x12: {  	s1 =	sld [smem:$0x3F96];
	s0 =	simm.s32 @p0 $0x1  }
0x13: {  	[smem:$0x3FB1] =	sst s0;
	s0 =	simm.s32 @!p1 $0x0  }
0x14: {  	s2 =	sld [smem:$0x3F95];
	s0 =	simm.s32 @p1 $0x1  }
0x15: {  	[smem:$0x3FB2] =	sst s0;
	s0 =	simm.s32 @!p2 $0x0  }
0x16: {  	s3 =	sld [smem:$0x3FDB];
	s0 =	simm.s32 @p2 $0x1  }
0x17: {  	s4 =	simm.s32 $0x1BF5;
	[smem:$0x3FB4] =	sst s0  }
0x18: {  	s0 =	sld [smem:$0x3F97];
	_ =	swait.ge [sflag:s4], $0x0  }
0x19: {  	s7 =	sld [smem:$0x3F98]  }
0x1a: {  	s8 =	sadd.s32 $0xFFFFE003, lr  }
0x1b: {  	s9 =	sadd.s32 $0xFFFFFEF7, lr;
	s5 =	simm.s32 $0xFFFFFFFF;
	p2 =	slt.u32 s8, $0xFFFFF086  }
0x1c: {  	p1 =	slt.u32 s9, $0xF7A;
	s5 =	simm.s32 @!p2 $0x0  }
0x1d: {  	s5 =	simm.s32 @p1 $0x1;
	p0 =	seq.s32 s7, s2  }
0x1e: {  	s7 =	smul.u32 @!p0 $0xF7A, s2;
	p2 =	seq.s32 @!p0 s5, $0x0  }
0x1f: {  	s9 =	smul.u32 $0xF7A, s1;
	s8 =	simm.s32 @!p0 $0x1BF5;
	p2 =	por !p2, p0  }
0x20: {  	[sflag:s8] =	ssyncset.s32 @!p0 $0xFFFFF086;
	s6 =	sadd.s32 @!p0 s3, s7;
	s7 =	simm.s32 @!p0 $0x108  }
0x21: {  	s3 =	sadd.s32 s3, s9;
	s6 =	sadd.s32 @!p0 $0x88, s6;
	s7 =	simm.s32 @p2 $0x1082  }
0x22: {  	[simem:s7], [sflag:s8] =	dma.local @!p0 [hbm:s6], $0xF7A  }
0x23: {  	s9 =	sor.u32 $0xD0000000, s2;
	s6 =	simm.s32 $0x108;
	_ =	swait.ge @!p0 [sflag:s8], $0x0  }
0x24: {  	s3 =	sadd.s32 $0x88, s3;
	s6 =	simm.s32 @!p1 $0x1082;
	[sflag:s4] =	ssyncset.s32 $0xFFFFF086  }
0x25: {  	[simem:s6], [sflag:s4] =	dma.local [hbm:s3], $0xF7A  }
0x26: {  	[smem:$0x3F98] =	sst s1;
	(tag) =	ssettag s2;
	_ =	strace s9  }
0x27: {  	s1 =	sld [smem:$0x3FA8]  }
0x28: {  	s2 =	sld [smem:$0x3FA9]  }
0x29: {  	s4 =	sld [smem:$0x3FAB]  }
0x2a: {  	p0 =	seq.s32 s5, $0x0;
	s5 =	sld [smem:$0x3FAC]  }
0x2b: {  	s6 =	sld [smem:$0x3FAD]  }
0x2c: {  	s7 =	sld [smem:$0x3FAE]  }
0x2d: {  	s3 =	simm.s32 $0x108;
	s8 =	sld [smem:$0x3FAF]  }
0x2e: {  	s3 =	simm.s32 @!p0 $0x1082;
	s9 =	sld [smem:$0x3FB0]  }
0x2f: {  	lr =	sadd.s32 s0, s3;
	s0 =	sld [smem:$0x3FA7]  }
0x30: {  	s3 =	sld [smem:$0x3FAA]  }
0x31: {  	[smem:$0x3FB3] =	sst s10  }
0x32: {  	s10 =	sld [smem:$0x3FB1];
	_ =	sdelay $0x3  }
0x33: {  	p0 =	seq.s32 s10, $0x1;
	s10 =	sld [smem:$0x3FB3];
	_ =	sdelay $0x3  }
0x34: {  	[smem:$0x3FB3] =	sst s10  }
0x35: {  	s10 =	sld [smem:$0x3FB2];
	_ =	sdelay $0x3  }
0x36: {  	p1 =	seq.s32 s10, $0x1;
	s10 =	sld [smem:$0x3FB3];
	_ =	sdelay $0x3  }
0x37: {  	[smem:$0x3FB3] =	sst s10  }
0x38: {  	s10 =	sld [smem:$0x3FB4]  }
0x39: {  	_ = 	snop;
	(pc) =	sbr.ind lr, $3  }
0x3a: {  	_ = 	snop  }
0x3b: {  	_ = 	snop  }
0x3c: {  	p2 =	seq.s32 s10, $0x1;
	s10 =	sld [smem:$0x3FB3]  }
0x3d: {  	_ =	shalt  }
0x3e: {  	_ =	shalt  }
0x3f: {  	_ =	shalt  }
0x40: {  	_ =	shalt  }
0x41: {  	_ =	shalt  }
0x42: {  	_ =	shalt  }
0x43: {  	_ =	shalt  }
0x44: {  	_ =	shalt  }
0x45: {  	_ =	shalt  }
0x46: {  	_ =	shalt  }
0x47: {  	_ =	shalt  }
0x48: {  	_ =	shalt  }
0x49: {  	_ =	shalt  }
0x4a: {  	_ =	shalt  }
0x4b: {  	_ =	shalt  }
0x4c: {  	_ =	shalt  }
0x4d: {  	_ =	shalt  }
0x4e: {  	_ =	shalt  }
0x4f: {  	_ =	shalt  }
0x50: {  	_ =	shalt  }
0x51: {  	_ =	shalt  }
0x52: {  	_ =	shalt  }
0x53: {  	_ =	shalt  }
0x54: {  	_ =	shalt  }
0x55: {  	_ =	shalt  }
0x56: {  	_ =	shalt  }
0x57: {  	_ =	shalt  }
0x58: {  	_ =	shalt  }
0x59: {  	_ =	shalt  }
0x5a: {  	_ =	shalt  }
0x5b: {  	_ =	shalt  }
0x5c: {  	_ =	shalt  }
0x5d: {  	_ =	shalt  }
0x5e: {  	_ =	shalt  }
0x5f: {  	_ =	shalt  }
0x60: {  	_ =	shalt  }
0x61: {  	_ =	shalt  }
0x62: {  	_ =	shalt  }
0x63: {  	_ =	shalt  }
0x64: {  	_ =	shalt  }
0x65: {  	_ =	shalt  }
0x66: {  	_ =	shalt  }
0x67: {  	_ =	shalt  }
0x68: {  	_ =	shalt  }
0x69: {  	_ =	shalt  }
0x6a: {  	_ =	shalt  }
0x6b: {  	_ =	shalt  }
0x6c: {  	_ =	shalt  }
0x6d: {  	_ =	shalt  }
0x6e: {  	_ =	shalt  }
0x6f: {  	_ =	shalt  }
0x70: {  	_ =	shalt  }
0x71: {  	_ =	shalt  }
0x72: {  	_ =	shalt  }
0x73: {  	_ =	shalt  }
0x74: {  	_ =	shalt  }
0x75: {  	_ =	shalt  }
0x76: {  	_ =	shalt  }
0x77: {  	_ =	shalt  }
0x78: {  	_ =	shalt  }
0x79: {  	_ =	shalt  }
0x7a: {  	_ =	shalt  }
0x7b: {  	_ =	shalt  }
0x7c: {  	_ =	shalt  }
0x7d: {  	_ =	shalt  }
0x7e: {  	_ =	shalt  }
0x7f: {  	_ =	shalt  }
0x80: {  	_ =	shalt  }
0x81: {  	_ =	shalt  }
0x82: {  	_ =	shalt  }
0x83: {  	_ =	shalt  }
0x84: {  	_ =	shalt  }
0x85: {  	_ =	shalt  }
0x86: {  	_ =	shalt  }
0x87: {  	_ =	shalt  }
.Lfunc_end0:
.L_simem_size_0:
called_computation_lowered:
.L_overlay_start_0:
0x88: {  	s2 =	sld [smem:$0x3FD9]  }
0x89: {  	s3 =	sld [smem:$0x3FFE];
	_ =	sdelay $0x1  }
0x8a: {  	s1 =	srdreg.scid  }
0x8b: {  	s0 =	sand.u32 $0x1, s1  }
0x8c: {  	s17 =	sshll.u32 s0, $0xA;
	s2 =	sadd.s32 s3, s2  }
0x8d: {  	s2 =	sadd.s32 s2, s17  }
0x8e: {  	[smem:$0x3FBF] =	sst s2  }
0x8f: {  	_ = 	snop  }
0x90: {  	s2 =	sld [smem:$0x3FC7];
	(tm) =	ssettm $0x1  }
0x91: {  	s18 =	sld [smem:$0x3FFB];
	_ =	sdelay $0x3  }
0x92: {  	_ =	strace s18  }
0x93: {  	s3 =	sld [smem:$0x3FFC];
	_ =	sdelay $0x3  }
0x94: {  	_ =	strace s3  }
0x95: {  	s3 =	sld [smem:$0x3FFD];
	_ =	sdelay $0x3  }
0x96: {  	_ =	strace s3  }
0x97: {  	_ =	strace $0x8FFFFFFF  }
0x98: {  	s19 =	sld [smem:$0x3FDB];
	_ =	sdelay $0x1  }
0x99: {  	s4 =	simm.s32 $_scs_section_size  }
0x9a: {  	s5 =	simm.s32 $_size__tile_overlayer_lowered;
	s6 =	simm.s32 $_tile_overlayer_lowered  }
0x9b: {  	s22 =	simm.s32 $0x1BFF;
	s21 =	sshll.u32 s6, $0x1;
	s3 =	sadd.s32 s4, s19  }
0x9c: {  	s7 =	simm.s32 $0x0;
	s20 =	sshll.u32 s5, $0x1;
	s5 =	sadd.s32 s21, s3  }
0x9d: {  	[timem:s7], [sflag:s22] =	dma.local [hbm:s5], s20  }
0x9e: {  	_ =	swait.ge [sflag:s22], s20  }
0x9f: {  	s4 =	ssub.s32 $0x0, s20;
	[sflag:s22] =	ssyncset.done $0x0  }
0xa0: {  	[sflag:s22] =	ssyncadd.s32 s4;
	_ =	sdelay $0x1  }
0xa1: {  	s23 =	simm.s32 $0x1B8B  }
0xa2: {  	_ =	swait.ge [sflag:s23], $0x1  }
0xa3: {  	[sflag:s23] =	ssyncset.done $0x0  }
0xa4: {  	s25 =	simm.s32 $0x1B8E;
	s24 =	sld [smem:$0x3FFE];
	[sflag:s23] =	ssyncadd.s32 $0xFFFFFFFF  }
0xa5: {  	s26 =	simm.s32 $execute0_lowered;
	[smem:$0x3FD2] =	sst s25  }
0xa6: {  	s5 =	sshll.u32 s26, $0x1;
	_ =	strace $0x80000046;
	[dreg:$0x1] =	wrdreg $0xFFFFFFFF  }
0xa7: {  	s28 =	simm.s32 $_size_execute0_lowered;
	s3 =	sadd.s32 s3, s5;
	[dreg:$0x0] =	wrdreg $0x0  }
0xa8: {  	s5 =	sshll.u32 s28, $0x1;
	[dreg:$0x2] =	wrdreg s3  }
0xa9: {  	[dreg:$0x3] =	wrdreg s5  }
0xaa: {  	[dreg:$0x4] =	wrdreg $0xC0  }
0xab: {  	_ =	task [dreg:s7], $0x5FFFF  }
0xac: {  	[dreg:$0x1] =	wrdreg $0xFFFFFFFF  }
0xad: {  	[dreg:$0x0] =	wrdreg $0x60  }
0xae: {  	[dreg:$0x2] =	wrdreg s2  }
0xaf: {  	[dreg:$0x3] =	wrdreg s24  }
0xb0: {  	[dreg:$0x4] =	wrdreg $0x9  }
0xb1: {  	_ =	task.clear_ibuf [dreg:s7], $0x5FFFF;
	_ =	strace $0x90000046  }
0xb2: {  	s29 =	simm.s32 $0x9;
	_ =	strace $0x80000048  }
0xb3: {  	_ =	swait.ge [sflag:s29], $0x1  }
0xb4: {  	[sflag:s29] =	ssyncadd.s32 $0xFFFFFFFF  }
0xb5: {  	_ =	strace $0x90000048  }
0xb6: {  	_ =	sfence  }
0xb7: {  	s30 =	sld [smem:$0x0];
	_ =	sdelay $0x2  }
0xb8: {  	s31 =	sshll.u32 s1, $0xD;
	s1 =	sshrl.u32 s1, $0x2  }
0xb9: {  	s3 =	sand.u32 $0x4000, s31;
	s1 =	sadd.s32 s1, s30  }
0xba: {  	s0 =	sor.u32 s3, s0;
	s1 =	sshll.u32 s1, $0x11  }
0xbb: {  	s0 =	sor.u32 s1, s0  }
0xbc: {  	s0 =	sadd.s32 $0x8F2B, s0  }
0xbd: {  	[sflag:s0] =	ssyncadd.remote.s32 $0x1  }
0xbe: {  	_ =	sfence.sel $0xFFFF  }
0xbf: {  	[dreg:$0x0] =	wrdreg $0xFFFFFFFF;
	(pc) =	sbr.abs _section_cstart, $3  }
0xc0: {  	[dreg:$0x1] =	wrdreg $0xFFFFFFFF  }
0xc1: {  	_ =	task.clear_ibuf [dreg:s7], $0x2FFFF;
	_ =	strace $0x9FFFFFFF  }
0xc2: {  	(tm) =	ssettm $0x7FFFFFFF  }
0xc3: {  	_ =	shalt  }
tec
execute0_lowered:
.L_overlay_start_1:
0x0: {  	(tag) =	ssettag $0x1  }
0x1: {  	s1 =	rddreg [dreg:$0x0]  }
0x2: {  	s0 =	rddreg [dreg:$0x1];
	s3 =	simm.s32 $0x0  }
0x3: {  	s2 =	srdreg.scid;
	s4 =	stileid.u32;
	s7 =	simm.s32 $0x9  }
0x4: {  	s8 =	simm.s32 $0x64;
	s16 =	simm.s32 $0x200;
	s17 =	simm.s32 $0xF000  }
0x5: {  	s18 =	simm.s32 $0x280;
	s19 =	simm.s32 $0x12400;
	s20 =	simm.s32 $0x300  }
0x6: {  	s21 =	simm.s32 $0x15800;
	s22 =	simm.s32 $0x18C00;
	s23 =	simm.s32 $0x1  }
0x7: {  	s24 =	simm.s32 $0x2;
	s25 =	simm.s32 $0x3;
	s28 =	simm.s32 $0x5  }
0x8: {  	s29 =	simm.s32 $0x6;
	s30 =	simm.s32 $0x7;
	s31 =	simm.s32 $0x8  }
0x9: {  	[smem:$0x7FF] =	sst s3;
	s2 =	sand.u32 $0x1, s2;
	s4 =	sshll.u32 s4, $0x1  }
0xa: {  	_ =	strace $0x80000047;
	s4 =	sor.u32 s2, s4;
	s2 =	ssub.s32 $0x2, s2  }
0xb: {  	s5 =	sshll.u32 s4, $0xA;
	s4 =	sshll.u32 s4, $0xB;
	s26 =	sshrl.u32 s2, $0x1  }
0xc: {  	s5 =	sadd.s32 s5, s0;
	s0 =	sadd.s32 s4, s0;
	s2 =	ssub.s32 s2, s26  }
0xd: {  	s26 =	simm.s32 $0x4;
	s4 =	sadd.s32 $0x1400, s5;
	s5 =	sadd.s32 $0x9400, s0  }
0xe: {  	s6 =	smax.u32 s2, $0x1;
	s0 =	simm.s32 $0x1C000;
	s2 =	simm.s32 $0x0  }
.LBB2_1:
0xf: {  	[tilespmem:s3], [sflag:$0x9] =	stream.linear.gather [hbm4b:s4+s3], $0x2000, $0x38;
	v63 =	vld [tilespmem:$0x0]  }
0x10: {  	_ =	swait.ge [sflag:s7], $0x2000  }
0x11: {  	[sflag:s7] =	ssyncset.done $0x0  }
0x12: {  	s9 =	simm.s32 $0x2000;
	[sflag:s7] =	ssyncadd.s32 $0xFFFFE000  }
0x13: {  	[tilespmem:s9], [sflag:$0x1] =	stream.indirect.gather [hbm4b:s1+s8], $0x80, s3, s8, $0xb8;
	v63 =	vld [tilespmem:$0x0]  }
0x14: {  	s11 =	simm.s32 $0x80;
	s10 =	simm.s32 $0x5400  }
0x15: {  	[tilespmem:s10], [sflag:$0x2] =	stream.indirect.gather [hbm4b:s1+s8], $0x80, s11, s8, $0xb8;
	v63 =	vld [tilespmem:$0x0]  }
0x16: {  	s12 =	simm.s32 $0x100;
	s13 =	simm.s32 $0x8800  }
0x17: {  	[tilespmem:s13], [sflag:$0x3] =	stream.indirect.gather [hbm4b:s1+s8], $0x80, s12, s8, $0xb8;
	v63 =	vld [tilespmem:$0x0]  }
0x18: {  	s14 =	simm.s32 $0x180;
	s15 =	simm.s32 $0xBC00  }
0x19: {  	[tilespmem:s15], [sflag:$0x4] =	stream.indirect.gather [hbm4b:s1+s8], $0x80, s14, s8, $0xb8;
	v63 =	vld [tilespmem:$0x0]  }
0x1a: {  	_ = 	snop  }
0x1b: {  	[tilespmem:s17], [sflag:$0x5] =	stream.indirect.gather [hbm4b:s1+s8], $0x80, s16, s8, $0xb8;
	v63 =	vld [tilespmem:$0x0]  }
0x1c: {  	_ = 	snop  }
0x1d: {  	[tilespmem:s19], [sflag:$0x6] =	stream.indirect.gather [hbm4b:s1+s8], $0x80, s18, s8, $0xb8;
	v63 =	vld [tilespmem:$0x0]  }
0x1e: {  	s9 =	simm.s32 $0x0  }
0x1f: {  	[tilespmem:s21], [sflag:$0x7] =	stream.indirect.gather [hbm4b:s1+s8], $0x80, s20, s8, $0xb8;
	v63 =	vld [tilespmem:$0x0]  }
.LBB2_2:
0x20: {  	s10 =	sshllo.u32 s9, $0x3  }
0x21: {  	s11 =	sshll.u32 s10, $0x7  }
0x22: {  	s11 =	sand.u32 $0x3FFFFF80, s11  }
0x23: {  	[tilespmem:s22], [sflag:$0x8] =	stream.indirect.gather [hbm4b:s1+s8], $0x80, s11, s8, $0xb8;
	v63 =	vld [tilespmem:$0x0]  }
0x24: {  	_ =	swait.ge [sflag:s23], $0x3200  }
0x25: {  	[sflag:s23] =	ssyncset.done $0x0  }
0x26: {  	[sflag:s23] =	ssyncadd.s32 $0xFFFFCE00  }
0x27: {  	v8 =	vld [tilespmem:$0x2000]  }
0x28: {  	v9 =	vld [tilespmem:$0x2010]  }
0x29: {  	v5 =	vld [tilespmem:$0x2020]  }
0x2a: {  	v4 =	vld [tilespmem:$0x2030]  }
0x2b: {  	v3 =	vld [tilespmem:$0x2040]  }
0x2c: {  	v1 =	vld [tilespmem:$0x2050]  }
0x2d: {  	v0 =	vld [tilespmem:$0x2060]  }
0x2e: {  	s13 =	simm.s32 $0xF0;
	v2 =	vld [tilespmem:$0x2070]  }
0x2f: {  	v7 =	vld [tilespmem:s13+$0x2000]  }
0x30: {  	v10 =	vld [tilespmem:s13+$0x1F90]  }
0x31: {  	v13 =	vld [tilespmem:s13+$0x1FA0]  }
0x32: {  	v12 =	vld [tilespmem:s13+$0x1FB0]  }
0x33: {  	v11 =	vld [tilespmem:s13+$0x1FC0]  }
0x34: {  	v6 =	vld [tilespmem:s13+$0x1FD0]  }
0x35: {  	v2 =	vadd.f32 v7, v2;
	v7 =	vld [tilespmem:s13+$0x1FE0]  }
0x36: {  	s12 =	simm.s32 $0x7C0;
	s11 =	simm.s32 $0x170;
	v10 =	vadd.f32 v10, v8;
	v8 =	vadd.f32 v13, v9;
	v9 =	vld [tilespmem:s13+$0x1FF0]  }
.LBB2_3:
0x37: {  	p0 =	sne.s32 s12, $0x63C0;
	v13 =	vld [tilespmem:s11+$0x2000];
	v5 =	vadd.f32 v12, v5  }
0x38: {  	v14 =	vld [tilespmem:s11+$0x1F90];
	v4 =	vadd.f32 v11, v4  }
0x39: {  	v15 =	vld [tilespmem:s11+$0x1FA0];
	v3 =	vadd.f32 v6, v3  }
.Ltmp0:
0x3a: {  	v12 =	vld [tilespmem:s11+$0x1FB0];
	v1 =	vadd.f32 v7, v1;
	(pc) =	sbr.rel @p0 .LBB2_3-.Ltmp0, $4  }
0x3b: {  	v11 =	vld [tilespmem:s11+$0x1FC0];
	v0 =	vadd.f32 v9, v0  }
0x3c: {  	v6 =	vld [tilespmem:s11+$0x1FD0];
	v2 =	vadd.f32 v13, v2  }
0x3d: {  	v10 =	vadd.f32 v14, v10;
	v7 =	vld [tilespmem:s11+$0x1FE0]  }
0x3e: {  	v8 =	vadd.f32 v15, v8;
	v9 =	vld [tilespmem:s11+$0x1FF0];
	s11 =	sshra.s32 s12, $0x2;
	s12 =	sadd.s32 $0x200, s12  }
0x3f: {  	v13 =	vld [tilespmem:s11+$0x2000]  }
0x40: {  	v14 =	vld [tilespmem:s11+$0x1F90]  }
0x41: {  	v15 =	vld [tilespmem:s11+$0x1FA0]  }
0x42: {  	v16 =	vld [tilespmem:s11+$0x1FB0]  }
0x43: {  	v17 =	vld [tilespmem:s11+$0x1FC0]  }
0x44: {  	v18 =	vld [tilespmem:s11+$0x1FD0]  }
0x45: {  	v5 =	vadd.f32 v12, v5;
	v12 =	vld [tilespmem:s11+$0x1FE0];
	s12 =	sshll.u32 s9, $0xD;
	v10 =	vadd.f32 v14, v10  }
0x46: {  	v4 =	vadd.f32 v11, v4;
	v11 =	vld [tilespmem:s11+$0x1FF0];
	s11 =	sshra.s32 s12, $0x2;
	v8 =	vadd.f32 v15, v8  }
0x47: {  	v3 =	vadd.f32 v6, v3;
	v5 =	vadd.f32 v16, v5;
	[tilespmem:s11+$0x1C000] =	vst v10  }
0x48: {  	v1 =	vadd.f32 v7, v1;
	v4 =	vadd.f32 v17, v4;
	[tilespmem:s11+$0x1C010] =	vst v8  }
0x49: {  	v3 =	vadd.f32 v18, v3;
	[tilespmem:s11+$0x1C020] =	vst v5  }
0x4a: {  	v0 =	vadd.f32 v9, v0;
	v1 =	vadd.f32 v12, v1;
	[tilespmem:s11+$0x1C030] =	vst v4  }
0x4b: {  	v2 =	vadd.f32 v13, v2;
	[tilespmem:s11+$0x1C040] =	vst v3  }
0x4c: {  	v0 =	vadd.f32 v11, v0;
	[tilespmem:s11+$0x1C050] =	vst v1  }
0x4d: {  	[tilespmem:s11+$0x1C070] =	vst v2  }
0x4e: {  	[tilespmem:s11+$0x1C060] =	vst v0  }
0x4f: {  	v8 =	vld [tilespmem:$0x3900]  }
0x50: {  	v9 =	vld [tilespmem:$0x3910]  }
0x51: {  	v5 =	vld [tilespmem:$0x3920]  }
0x52: {  	v4 =	vld [tilespmem:$0x3930]  }
0x53: {  	v3 =	vld [tilespmem:$0x3940]  }
0x54: {  	v2 =	vld [tilespmem:$0x3950]  }
0x55: {  	v0 =	vld [tilespmem:$0x3960]  }
0x56: {  	s14 =	simm.s32 $0x0;
	v1 =	vld [tilespmem:$0x3970]  }
0x57: {  	v7 =	vld [tilespmem:s14+$0x39F0]  }
0x58: {  	v11 =	vld [tilespmem:s14+$0x3980]  }
0x59: {  	v13 =	vld [tilespmem:s14+$0x3990]  }
0x5a: {  	v12 =	vld [tilespmem:s14+$0x39A0]  }
0x5b: {  	v10 =	vld [tilespmem:s14+$0x39B0]  }
0x5c: {  	v6 =	vld [tilespmem:s14+$0x39C0]  }
0x5d: {  	v1 =	vadd.f32 v7, v1;
	v7 =	vld [tilespmem:s14+$0x39D0]  }
0x5e: {  	s13 =	simm.s32 $0x400;
	s12 =	simm.s32 $0x80;
	v8 =	vadd.f32 v11, v8;
	v9 =	vadd.f32 v13, v9;
	v11 =	vld [tilespmem:s14+$0x39E0]  }
.LBB2_5:
0x5f: {  	p0 =	sne.s32 s13, $0x6000;
	v13 =	vld [tilespmem:s12+$0x39F0];
	v5 =	vadd.f32 v12, v5  }
0x60: {  	v14 =	vld [tilespmem:s12+$0x3980];
	v4 =	vadd.f32 v10, v4  }
0x61: {  	v15 =	vld [tilespmem:s12+$0x3990];
	v3 =	vadd.f32 v6, v3  }
.Ltmp1:
0x62: {  	v12 =	vld [tilespmem:s12+$0x39A0];
	v2 =	vadd.f32 v7, v2;
	(pc) =	sbr.rel @p0 .LBB2_5-.Ltmp1, $4  }
0x63: {  	v10 =	vld [tilespmem:s12+$0x39B0];
	v0 =	vadd.f32 v11, v0  }
0x64: {  	v6 =	vld [tilespmem:s12+$0x39C0];
	v1 =	vadd.f32 v13, v1  }
0x65: {  	v8 =	vadd.f32 v14, v8;
	v7 =	vld [tilespmem:s12+$0x39D0]  }
0x66: {  	v9 =	vadd.f32 v15, v9;
	v11 =	vld [tilespmem:s12+$0x39E0];
	s12 =	sshra.s32 s13, $0x2;
	s13 =	sadd.s32 $0x200, s13  }
0x67: {  	v14 =	vld [tilespmem:s12+$0x3980]  }
0x68: {  	v15 =	vld [tilespmem:s12+$0x3990]  }
0x69: {  	v16 =	vld [tilespmem:s12+$0x39A0]  }
0x6a: {  	v17 =	vld [tilespmem:s12+$0x39B0]  }
0x6b: {  	v18 =	vld [tilespmem:s12+$0x39C0]  }
0x6c: {  	v5 =	vadd.f32 v12, v5;
	v12 =	vld [tilespmem:s12+$0x39D0];
	v8 =	vadd.f32 v14, v8  }
0x6d: {  	v13 =	vld [tilespmem:s12+$0x39F0];
	v4 =	vadd.f32 v10, v4;
	v9 =	vadd.f32 v15, v9  }
0x6e: {  	v10 =	vld [tilespmem:s12+$0x39E0];
	v3 =	vadd.f32 v6, v3;
	v5 =	vadd.f32 v16, v5;
	[tilespmem:s11+$0x1C080] =	vst v8  }
0x6f: {  	v2 =	vadd.f32 v7, v2;
	v4 =	vadd.f32 v17, v4;
	[tilespmem:s11+$0x1C090] =	vst v9  }
0x70: {  	v3 =	vadd.f32 v18, v3;
	[tilespmem:s11+$0x1C0A0] =	vst v5  }
0x71: {  	v0 =	vadd.f32 v11, v0;
	v2 =	vadd.f32 v12, v2;
	[tilespmem:s11+$0x1C0B0] =	vst v4  }
0x72: {  	p0 =	seq.s32 s9, $0x7;
	v1 =	vadd.f32 v13, v1;
	[tilespmem:s11+$0x1C0C0] =	vst v3  }
0x73: {  	s12 =	sshll.u32 @!p0 s9, $0xA;
	v0 =	vadd.f32 v10, v0;
	[tilespmem:s11+$0x1C0D0] =	vst v2  }
0x74: {  	s12 =	sand.u32 @!p0 $0x3FFFFC00, s12;
	[tilespmem:s11+$0x1C0F0] =	vst v1  }
0x75: {  	s14 =	simm.s32 @!p0 $0x64;
	s15 =	simm.s32 @!p0 $0x2000;
	s13 =	sadd.s32 @!p0 $0x400, s12;
	[tilespmem:s11+$0x1C0E0] =	vst v0  }
0x76: {  	[tilespmem:s15], [sflag:$0x1] =	stream.indirect.gather @!p0 [hbm4b:s1+s14], $0x80, s13, s14, $0xb8;
	v63 =	vld [tilespmem:$0x0]  }
0x77: {  	_ =	swait.ge [sflag:s24], $0x3200  }
0x78: {  	[sflag:s24] =	ssyncset.done $0x0  }
0x79: {  	[sflag:s24] =	ssyncadd.s32 $0xFFFFCE00  }
0x7a: {  	v8 =	vld [tilespmem:$0x5400]  }
0x7b: {  	v9 =	vld [tilespmem:$0x5410]  }
0x7c: {  	v5 =	vld [tilespmem:$0x5420]  }
0x7d: {  	v4 =	vld [tilespmem:$0x5430]  }
0x7e: {  	v3 =	vld [tilespmem:$0x5440]  }
0x7f: {  	v1 =	vld [tilespmem:$0x5450]  }
0x80: {  	v0 =	vld [tilespmem:$0x5460]  }
0x81: {  	s15 =	simm.s32 $0xF0;
	v2 =	vld [tilespmem:$0x5470]  }
0x82: {  	v7 =	vld [tilespmem:s15+$0x5400]  }
0x83: {  	v11 =	vld [tilespmem:s15+$0x5390]  }
0x84: {  	v13 =	vld [tilespmem:s15+$0x53A0]  }
0x85: {  	v12 =	vld [tilespmem:s15+$0x53B0]  }
0x86: {  	v10 =	vld [tilespmem:s15+$0x53C0]  }
0x87: {  	v6 =	vld [tilespmem:s15+$0x53D0]  }
0x88: {  	v2 =	vadd.f32 v7, v2;
	v7 =	vld [tilespmem:s15+$0x53E0]  }
0x89: {  	s13 =	simm.s32 $0x170;
	s14 =	simm.s32 $0x7C0;
	v8 =	vadd.f32 v11, v8;
	v9 =	vadd.f32 v13, v9;
	v11 =	vld [tilespmem:s15+$0x53F0]  }
.LBB2_7:
0x8a: {  	p1 =	sne.s32 s14, $0x63C0;
	v13 =	vld [tilespmem:s13+$0x5400];
	v5 =	vadd.f32 v12, v5  }
0x8b: {  	v14 =	vld [tilespmem:s13+$0x5390];
	v4 =	vadd.f32 v10, v4  }
0x8c: {  	v15 =	vld [tilespmem:s13+$0x53A0];
	v3 =	vadd.f32 v6, v3  }
.Ltmp2:
0x8d: {  	v12 =	vld [tilespmem:s13+$0x53B0];
	v1 =	vadd.f32 v7, v1;
	(pc) =	sbr.rel @p1 .LBB2_7-.Ltmp2, $4  }
0x8e: {  	v10 =	vld [tilespmem:s13+$0x53C0];
	v0 =	vadd.f32 v11, v0  }
0x8f: {  	v6 =	vld [tilespmem:s13+$0x53D0];
	v2 =	vadd.f32 v13, v2  }
0x90: {  	v8 =	vadd.f32 v14, v8;
	v7 =	vld [tilespmem:s13+$0x53E0]  }
0x91: {  	v9 =	vadd.f32 v15, v9;
	v11 =	vld [tilespmem:s13+$0x53F0];
	s13 =	sshra.s32 s14, $0x2;
	s14 =	sadd.s32 $0x200, s14  }
0x92: {  	v14 =	vld [tilespmem:s13+$0x5390]  }
0x93: {  	v15 =	vld [tilespmem:s13+$0x53A0]  }
0x94: {  	v16 =	vld [tilespmem:s13+$0x53B0]  }
0x95: {  	v17 =	vld [tilespmem:s13+$0x53C0]  }
0x96: {  	v18 =	vld [tilespmem:s13+$0x53D0]  }
0x97: {  	v5 =	vadd.f32 v12, v5;
	v12 =	vld [tilespmem:s13+$0x53E0];
	v8 =	vadd.f32 v14, v8  }
0x98: {  	v13 =	vld [tilespmem:s13+$0x5400];
	v4 =	vadd.f32 v10, v4;
	v9 =	vadd.f32 v15, v9  }
0x99: {  	v10 =	vld [tilespmem:s13+$0x53F0];
	v3 =	vadd.f32 v6, v3;
	v5 =	vadd.f32 v16, v5;
	[tilespmem:s11+$0x1C100] =	vst v8  }
0x9a: {  	v1 =	vadd.f32 v7, v1;
	v4 =	vadd.f32 v17, v4;
	[tilespmem:s11+$0x1C110] =	vst v9  }
0x9b: {  	v3 =	vadd.f32 v18, v3;
	[tilespmem:s11+$0x1C120] =	vst v5  }
0x9c: {  	v0 =	vadd.f32 v11, v0;
	v1 =	vadd.f32 v12, v1;
	[tilespmem:s11+$0x1C130] =	vst v4  }
0x9d: {  	v2 =	vadd.f32 v13, v2;
	[tilespmem:s11+$0x1C140] =	vst v3  }
0x9e: {  	v0 =	vadd.f32 v10, v0;
	[tilespmem:s11+$0x1C150] =	vst v1  }
0x9f: {  	[tilespmem:s11+$0x1C170] =	vst v2  }
0xa0: {  	[tilespmem:s11+$0x1C160] =	vst v0  }
0xa1: {  	v8 =	vld [tilespmem:$0x6D00]  }
0xa2: {  	v9 =	vld [tilespmem:$0x6D10]  }
0xa3: {  	v5 =	vld [tilespmem:$0x6D20]  }
0xa4: {  	v4 =	vld [tilespmem:$0x6D30]  }
0xa5: {  	v3 =	vld [tilespmem:$0x6D40]  }
0xa6: {  	v1 =	vld [tilespmem:$0x6D50]  }
0xa7: {  	v0 =	vld [tilespmem:$0x6D60]  }
0xa8: {  	s15 =	simm.s32 $0x0;
	v2 =	vld [tilespmem:$0x6D70]  }
0xa9: {  	v7 =	vld [tilespmem:s15+$0x6DF0]  }
0xaa: {  	v11 =	vld [tilespmem:s15+$0x6D80]  }
0xab: {  	v13 =	vld [tilespmem:s15+$0x6D90]  }
0xac: {  	v12 =	vld [tilespmem:s15+$0x6DA0]  }
0xad: {  	v10 =	vld [tilespmem:s15+$0x6DB0]  }
0xae: {  	v6 =	vld [tilespmem:s15+$0x6DC0]  }
0xaf: {  	v2 =	vadd.f32 v7, v2;
	v7 =	vld [tilespmem:s15+$0x6DD0]  }
0xb0: {  	s14 =	simm.s32 $0x400;
	s13 =	simm.s32 $0x80;
	v8 =	vadd.f32 v11, v8;
	v9 =	vadd.f32 v13, v9;
	v11 =	vld [tilespmem:s15+$0x6DE0]  }
.LBB2_9:
0xb1: {  	p1 =	sne.s32 s14, $0x6000;
	v13 =	vld [tilespmem:s13+$0x6DF0];
	v5 =	vadd.f32 v12, v5  }
0xb2: {  	v14 =	vld [tilespmem:s13+$0x6D80];
	v4 =	vadd.f32 v10, v4  }
0xb3: {  	v15 =	vld [tilespmem:s13+$0x6D90];
	v3 =	vadd.f32 v6, v3  }
.Ltmp3:
0xb4: {  	v12 =	vld [tilespmem:s13+$0x6DA0];
	v1 =	vadd.f32 v7, v1;
	(pc) =	sbr.rel @p1 .LBB2_9-.Ltmp3, $4  }
0xb5: {  	v10 =	vld [tilespmem:s13+$0x6DB0];
	v0 =	vadd.f32 v11, v0  }
0xb6: {  	v6 =	vld [tilespmem:s13+$0x6DC0];
	v2 =	vadd.f32 v13, v2  }
0xb7: {  	v8 =	vadd.f32 v14, v8;
	v7 =	vld [tilespmem:s13+$0x6DD0]  }
0xb8: {  	v9 =	vadd.f32 v15, v9;
	v11 =	vld [tilespmem:s13+$0x6DE0];
	s13 =	sshra.s32 s14, $0x2;
	s14 =	sadd.s32 $0x200, s14  }
0xb9: {  	v14 =	vld [tilespmem:s13+$0x6D80]  }
0xba: {  	v15 =	vld [tilespmem:s13+$0x6D90]  }
0xbb: {  	v16 =	vld [tilespmem:s13+$0x6DA0]  }
0xbc: {  	v17 =	vld [tilespmem:s13+$0x6DB0]  }
0xbd: {  	v18 =	vld [tilespmem:s13+$0x6DC0]  }
0xbe: {  	v5 =	vadd.f32 v12, v5;
	v12 =	vld [tilespmem:s13+$0x6DD0];
	v8 =	vadd.f32 v14, v8  }
0xbf: {  	v13 =	vld [tilespmem:s13+$0x6DF0];
	v4 =	vadd.f32 v10, v4;
	v9 =	vadd.f32 v15, v9  }
0xc0: {  	v10 =	vld [tilespmem:s13+$0x6DE0];
	v3 =	vadd.f32 v6, v3;
	v5 =	vadd.f32 v16, v5;
	[tilespmem:s11+$0x1C180] =	vst v8  }
0xc1: {  	v1 =	vadd.f32 v7, v1;
	v4 =	vadd.f32 v17, v4;
	[tilespmem:s11+$0x1C190] =	vst v9  }
0xc2: {  	v3 =	vadd.f32 v18, v3;
	[tilespmem:s11+$0x1C1A0] =	vst v5  }
0xc3: {  	v0 =	vadd.f32 v11, v0;
	v1 =	vadd.f32 v12, v1;
	[tilespmem:s11+$0x1C1B0] =	vst v4  }
0xc4: {  	v2 =	vadd.f32 v13, v2;
	[tilespmem:s11+$0x1C1C0] =	vst v3  }
0xc5: {  	v0 =	vadd.f32 v10, v0;
	[tilespmem:s11+$0x1C1D0] =	vst v1  }
0xc6: {  	[tilespmem:s11+$0x1C1F0] =	vst v2  }
0xc7: {  	s14 =	simm.s32 @!p0 $0x64;
	s15 =	simm.s32 @!p0 $0x5400;
	s13 =	sadd.s32 @!p0 $0x480, s12;
	[tilespmem:s11+$0x1C1E0] =	vst v0  }
0xc8: {  	[tilespmem:s15], [sflag:$0x2] =	stream.indirect.gather @!p0 [hbm4b:s1+s14], $0x80, s13, s14, $0xb8;
	v63 =	vld [tilespmem:$0x0]  }
0xc9: {  	_ =	swait.ge [sflag:s25], $0x3200  }
0xca: {  	[sflag:s25] =	ssyncset.done $0x0  }
0xcb: {  	[sflag:s25] =	ssyncadd.s32 $0xFFFFCE00  }
0xcc: {  	v8 =	vld [tilespmem:$0x8800]  }
0xcd: {  	v9 =	vld [tilespmem:$0x8810]  }
0xce: {  	v5 =	vld [tilespmem:$0x8820]  }
0xcf: {  	v4 =	vld [tilespmem:$0x8830]  }
0xd0: {  	v3 =	vld [tilespmem:$0x8840]  }
0xd1: {  	v1 =	vld [tilespmem:$0x8850]  }
0xd2: {  	v0 =	vld [tilespmem:$0x8860]  }
0xd3: {  	s15 =	simm.s32 $0xF0;
	v2 =	vld [tilespmem:$0x8870]  }
0xd4: {  	v7 =	vld [tilespmem:s15+$0x8800]  }
0xd5: {  	v11 =	vld [tilespmem:s15+$0x8790]  }
0xd6: {  	v13 =	vld [tilespmem:s15+$0x87A0]  }
0xd7: {  	v12 =	vld [tilespmem:s15+$0x87B0]  }
0xd8: {  	v10 =	vld [tilespmem:s15+$0x87C0]  }
0xd9: {  	v6 =	vld [tilespmem:s15+$0x87D0]  }
0xda: {  	v2 =	vadd.f32 v7, v2;
	v7 =	vld [tilespmem:s15+$0x87E0]  }
0xdb: {  	s13 =	simm.s32 $0x170;
	s14 =	simm.s32 $0x7C0;
	v8 =	vadd.f32 v11, v8;
	v9 =	vadd.f32 v13, v9;
	v11 =	vld [tilespmem:s15+$0x87F0]  }
.LBB2_11:
0xdc: {  	p1 =	sne.s32 s14, $0x63C0;
	v13 =	vld [tilespmem:s13+$0x8800];
	v5 =	vadd.f32 v12, v5  }
0xdd: {  	v14 =	vld [tilespmem:s13+$0x8790];
	v4 =	vadd.f32 v10, v4  }
0xde: {  	v15 =	vld [tilespmem:s13+$0x87A0];
	v3 =	vadd.f32 v6, v3  }
.Ltmp4:
0xdf: {  	v12 =	vld [tilespmem:s13+$0x87B0];
	v1 =	vadd.f32 v7, v1;
	(pc) =	sbr.rel @p1 .LBB2_11-.Ltmp4, $4  }
0xe0: {  	v10 =	vld [tilespmem:s13+$0x87C0];
	v0 =	vadd.f32 v11, v0  }
0xe1: {  	v6 =	vld [tilespmem:s13+$0x87D0];
	v2 =	vadd.f32 v13, v2  }
0xe2: {  	v8 =	vadd.f32 v14, v8;
	v7 =	vld [tilespmem:s13+$0x87E0]  }
0xe3: {  	v9 =	vadd.f32 v15, v9;
	v11 =	vld [tilespmem:s13+$0x87F0];
	s13 =	sshra.s32 s14, $0x2;
	s14 =	sadd.s32 $0x200, s14  }
0xe4: {  	v14 =	vld [tilespmem:s13+$0x8790]  }
0xe5: {  	v15 =	vld [tilespmem:s13+$0x87A0]  }
0xe6: {  	v16 =	vld [tilespmem:s13+$0x87B0]  }
0xe7: {  	v17 =	vld [tilespmem:s13+$0x87C0]  }
0xe8: {  	v18 =	vld [tilespmem:s13+$0x87D0]  }
0xe9: {  	v5 =	vadd.f32 v12, v5;
	v12 =	vld [tilespmem:s13+$0x87E0];
	v8 =	vadd.f32 v14, v8  }
0xea: {  	v13 =	vld [tilespmem:s13+$0x8800];
	v4 =	vadd.f32 v10, v4;
	v9 =	vadd.f32 v15, v9  }
0xeb: {  	v10 =	vld [tilespmem:s13+$0x87F0];
	v3 =	vadd.f32 v6, v3;
	v5 =	vadd.f32 v16, v5;
	[tilespmem:s11+$0x1C200] =	vst v8  }
0xec: {  	v1 =	vadd.f32 v7, v1;
	v4 =	vadd.f32 v17, v4;
	[tilespmem:s11+$0x1C210] =	vst v9  }
0xed: {  	v3 =	vadd.f32 v18, v3;
	[tilespmem:s11+$0x1C220] =	vst v5  }
0xee: {  	v0 =	vadd.f32 v11, v0;
	v1 =	vadd.f32 v12, v1;
	[tilespmem:s11+$0x1C230] =	vst v4  }
0xef: {  	v2 =	vadd.f32 v13, v2;
	[tilespmem:s11+$0x1C240] =	vst v3  }
0xf0: {  	v0 =	vadd.f32 v10, v0;
	[tilespmem:s11+$0x1C250] =	vst v1  }
0xf1: {  	[tilespmem:s11+$0x1C270] =	vst v2  }
0xf2: {  	[tilespmem:s11+$0x1C260] =	vst v0  }
0xf3: {  	v8 =	vld [tilespmem:$0xA100]  }
0xf4: {  	v9 =	vld [tilespmem:$0xA110]  }
0xf5: {  	v5 =	vld [tilespmem:$0xA120]  }
0xf6: {  	v4 =	vld [tilespmem:$0xA130]  }
0xf7: {  	v3 =	vld [tilespmem:$0xA140]  }
0xf8: {  	v1 =	vld [tilespmem:$0xA150]  }
0xf9: {  	v0 =	vld [tilespmem:$0xA160]  }
0xfa: {  	s15 =	simm.s32 $0x0;
	v2 =	vld [tilespmem:$0xA170]  }
0xfb: {  	v7 =	vld [tilespmem:s15+$0xA1F0]  }
0xfc: {  	v11 =	vld [tilespmem:s15+$0xA180]  }
0xfd: {  	v13 =	vld [tilespmem:s15+$0xA190]  }
0xfe: {  	v12 =	vld [tilespmem:s15+$0xA1A0]  }
0xff: {  	v10 =	vld [tilespmem:s15+$0xA1B0]  }
0x100: {  	v6 =	vld [tilespmem:s15+$0xA1C0]  }
0x101: {  	v2 =	vadd.f32 v7, v2;
	v7 =	vld [tilespmem:s15+$0xA1D0]  }
0x102: {  	s14 =	simm.s32 $0x400;
	s13 =	simm.s32 $0x80;
	v8 =	vadd.f32 v11, v8;
	v9 =	vadd.f32 v13, v9;
	v11 =	vld [tilespmem:s15+$0xA1E0]  }
.LBB2_13:
0x103: {  	p1 =	sne.s32 s14, $0x6000;
	v13 =	vld [tilespmem:s13+$0xA1F0];
	v5 =	vadd.f32 v12, v5  }
0x104: {  	v14 =	vld [tilespmem:s13+$0xA180];
	v4 =	vadd.f32 v10, v4  }
0x105: {  	v15 =	vld [tilespmem:s13+$0xA190];
	v3 =	vadd.f32 v6, v3  }
.Ltmp5:
0x106: {  	v12 =	vld [tilespmem:s13+$0xA1A0];
	v1 =	vadd.f32 v7, v1;
	(pc) =	sbr.rel @p1 .LBB2_13-.Ltmp5, $4  }
0x107: {  	v10 =	vld [tilespmem:s13+$0xA1B0];
	v0 =	vadd.f32 v11, v0  }
0x108: {  	v6 =	vld [tilespmem:s13+$0xA1C0];
	v2 =	vadd.f32 v13, v2  }
0x109: {  	v8 =	vadd.f32 v14, v8;
	v7 =	vld [tilespmem:s13+$0xA1D0]  }
0x10a: {  	v9 =	vadd.f32 v15, v9;
	v11 =	vld [tilespmem:s13+$0xA1E0];
	s13 =	sshra.s32 s14, $0x2;
	s14 =	sadd.s32 $0x200, s14  }
0x10b: {  	v14 =	vld [tilespmem:s13+$0xA180]  }
0x10c: {  	v15 =	vld [tilespmem:s13+$0xA190]  }
0x10d: {  	v16 =	vld [tilespmem:s13+$0xA1A0]  }
0x10e: {  	v17 =	vld [tilespmem:s13+$0xA1B0]  }
0x10f: {  	v18 =	vld [tilespmem:s13+$0xA1C0]  }
0x110: {  	v5 =	vadd.f32 v12, v5;
	v12 =	vld [tilespmem:s13+$0xA1D0];
	v8 =	vadd.f32 v14, v8  }
0x111: {  	v13 =	vld [tilespmem:s13+$0xA1F0];
	v4 =	vadd.f32 v10, v4;
	v9 =	vadd.f32 v15, v9  }
0x112: {  	v10 =	vld [tilespmem:s13+$0xA1E0];
	v3 =	vadd.f32 v6, v3;
	v5 =	vadd.f32 v16, v5;
	[tilespmem:s11+$0x1C280] =	vst v8  }
0x113: {  	v1 =	vadd.f32 v7, v1;
	v4 =	vadd.f32 v17, v4;
	[tilespmem:s11+$0x1C290] =	vst v9  }
0x114: {  	v3 =	vadd.f32 v18, v3;
	[tilespmem:s11+$0x1C2A0] =	vst v5  }
0x115: {  	v0 =	vadd.f32 v11, v0;
	v1 =	vadd.f32 v12, v1;
	[tilespmem:s11+$0x1C2B0] =	vst v4  }
0x116: {  	v2 =	vadd.f32 v13, v2;
	[tilespmem:s11+$0x1C2C0] =	vst v3  }
0x117: {  	v0 =	vadd.f32 v10, v0;
	[tilespmem:s11+$0x1C2D0] =	vst v1  }
0x118: {  	[tilespmem:s11+$0x1C2F0] =	vst v2  }
0x119: {  	s14 =	simm.s32 @!p0 $0x64;
	s15 =	simm.s32 @!p0 $0x8800;
	s13 =	sadd.s32 @!p0 $0x500, s12;
	[tilespmem:s11+$0x1C2E0] =	vst v0  }
0x11a: {  	[tilespmem:s15], [sflag:$0x3] =	stream.indirect.gather @!p0 [hbm4b:s1+s14], $0x80, s13, s14, $0xb8;
	v63 =	vld [tilespmem:$0x0]  }
0x11b: {  	_ =	swait.ge [sflag:s26], $0x3200  }
0x11c: {  	[sflag:s26] =	ssyncset.done $0x0  }
0x11d: {  	[sflag:s26] =	ssyncadd.s32 $0xFFFFCE00  }
0x11e: {  	v8 =	vld [tilespmem:$0xBC00]  }
0x11f: {  	v9 =	vld [tilespmem:$0xBC10]  }
0x120: {  	v5 =	vld [tilespmem:$0xBC20]  }
0x121: {  	v4 =	vld [tilespmem:$0xBC30]  }
0x122: {  	v3 =	vld [tilespmem:$0xBC40]  }
0x123: {  	v1 =	vld [tilespmem:$0xBC50]  }
0x124: {  	v0 =	vld [tilespmem:$0xBC60]  }
0x125: {  	s15 =	simm.s32 $0xF0;
	v2 =	vld [tilespmem:$0xBC70]  }
0x126: {  	v7 =	vld [tilespmem:s15+$0xBC00]  }
0x127: {  	v11 =	vld [tilespmem:s15+$0xBB90]  }
0x128: {  	v13 =	vld [tilespmem:s15+$0xBBA0]  }
0x129: {  	v12 =	vld [tilespmem:s15+$0xBBB0]  }
0x12a: {  	v10 =	vld [tilespmem:s15+$0xBBC0]  }
0x12b: {  	v6 =	vld [tilespmem:s15+$0xBBD0]  }
0x12c: {  	v2 =	vadd.f32 v7, v2;
	v7 =	vld [tilespmem:s15+$0xBBE0]  }
0x12d: {  	s13 =	simm.s32 $0x170;
	s14 =	simm.s32 $0x7C0;
	v8 =	vadd.f32 v11, v8;
	v9 =	vadd.f32 v13, v9;
	v11 =	vld [tilespmem:s15+$0xBBF0]  }
.LBB2_15:
0x12e: {  	p1 =	sne.s32 s14, $0x63C0;
	v13 =	vld [tilespmem:s13+$0xBC00];
	v5 =	vadd.f32 v12, v5  }
0x12f: {  	v14 =	vld [tilespmem:s13+$0xBB90];
	v4 =	vadd.f32 v10, v4  }
0x130: {  	v15 =	vld [tilespmem:s13+$0xBBA0];
	v3 =	vadd.f32 v6, v3  }
.Ltmp6:
0x131: {  	v12 =	vld [tilespmem:s13+$0xBBB0];
	v1 =	vadd.f32 v7, v1;
	(pc) =	sbr.rel @p1 .LBB2_15-.Ltmp6, $4  }
0x132: {  	v10 =	vld [tilespmem:s13+$0xBBC0];
	v0 =	vadd.f32 v11, v0  }
0x133: {  	v6 =	vld [tilespmem:s13+$0xBBD0];
	v2 =	vadd.f32 v13, v2  }
0x134: {  	v8 =	vadd.f32 v14, v8;
	v7 =	vld [tilespmem:s13+$0xBBE0]  }
0x135: {  	v9 =	vadd.f32 v15, v9;
	v11 =	vld [tilespmem:s13+$0xBBF0];
	s13 =	sshra.s32 s14, $0x2;
	s14 =	sadd.s32 $0x200, s14  }
0x136: {  	v14 =	vld [tilespmem:s13+$0xBB90]  }
0x137: {  	v15 =	vld [tilespmem:s13+$0xBBA0]  }
0x138: {  	v16 =	vld [tilespmem:s13+$0xBBB0]  }
0x139: {  	v17 =	vld [tilespmem:s13+$0xBBC0]  }
0x13a: {  	v18 =	vld [tilespmem:s13+$0xBBD0]  }
0x13b: {  	v5 =	vadd.f32 v12, v5;
	v12 =	vld [tilespmem:s13+$0xBBE0];
	v8 =	vadd.f32 v14, v8  }
0x13c: {  	v13 =	vld [tilespmem:s13+$0xBC00];
	v4 =	vadd.f32 v10, v4;
	v9 =	vadd.f32 v15, v9  }
0x13d: {  	v10 =	vld [tilespmem:s13+$0xBBF0];
	v3 =	vadd.f32 v6, v3;
	v5 =	vadd.f32 v16, v5;
	[tilespmem:s11+$0x1C300] =	vst v8  }
0x13e: {  	v1 =	vadd.f32 v7, v1;
	v4 =	vadd.f32 v17, v4;
	[tilespmem:s11+$0x1C310] =	vst v9  }
0x13f: {  	v3 =	vadd.f32 v18, v3;
	[tilespmem:s11+$0x1C320] =	vst v5  }
0x140: {  	v0 =	vadd.f32 v11, v0;
	v1 =	vadd.f32 v12, v1;
	[tilespmem:s11+$0x1C330] =	vst v4  }
0x141: {  	v2 =	vadd.f32 v13, v2;
	[tilespmem:s11+$0x1C340] =	vst v3  }
0x142: {  	v0 =	vadd.f32 v10, v0;
	[tilespmem:s11+$0x1C350] =	vst v1  }
0x143: {  	[tilespmem:s11+$0x1C370] =	vst v2  }
0x144: {  	[tilespmem:s11+$0x1C360] =	vst v0  }
0x145: {  	v8 =	vld [tilespmem:$0xD500]  }
0x146: {  	v9 =	vld [tilespmem:$0xD510]  }
0x147: {  	v5 =	vld [tilespmem:$0xD520]  }
0x148: {  	v4 =	vld [tilespmem:$0xD530]  }
0x149: {  	v3 =	vld [tilespmem:$0xD540]  }
0x14a: {  	v1 =	vld [tilespmem:$0xD550]  }
0x14b: {  	v0 =	vld [tilespmem:$0xD560]  }
0x14c: {  	s15 =	simm.s32 $0x0;
	v2 =	vld [tilespmem:$0xD570]  }
0x14d: {  	v7 =	vld [tilespmem:s15+$0xD5F0]  }
0x14e: {  	v11 =	vld [tilespmem:s15+$0xD580]  }
0x14f: {  	v13 =	vld [tilespmem:s15+$0xD590]  }
0x150: {  	v12 =	vld [tilespmem:s15+$0xD5A0]  }
0x151: {  	v10 =	vld [tilespmem:s15+$0xD5B0]  }
0x152: {  	v6 =	vld [tilespmem:s15+$0xD5C0]  }
0x153: {  	v2 =	vadd.f32 v7, v2;
	v7 =	vld [tilespmem:s15+$0xD5D0]  }
0x154: {  	s14 =	simm.s32 $0x400;
	s13 =	simm.s32 $0x80;
	v8 =	vadd.f32 v11, v8;
	v9 =	vadd.f32 v13, v9;
	v11 =	vld [tilespmem:s15+$0xD5E0]  }
.LBB2_17:
0x155: {  	p1 =	sne.s32 s14, $0x6000;
	v13 =	vld [tilespmem:s13+$0xD5F0];
	v5 =	vadd.f32 v12, v5  }
0x156: {  	v14 =	vld [tilespmem:s13+$0xD580];
	v4 =	vadd.f32 v10, v4  }
0x157: {  	v15 =	vld [tilespmem:s13+$0xD590];
	v3 =	vadd.f32 v6, v3  }
.Ltmp7:
0x158: {  	v12 =	vld [tilespmem:s13+$0xD5A0];
	v1 =	vadd.f32 v7, v1;
	(pc) =	sbr.rel @p1 .LBB2_17-.Ltmp7, $4  }
0x159: {  	v10 =	vld [tilespmem:s13+$0xD5B0];
	v0 =	vadd.f32 v11, v0  }
0x15a: {  	v6 =	vld [tilespmem:s13+$0xD5C0];
	v2 =	vadd.f32 v13, v2  }
0x15b: {  	v8 =	vadd.f32 v14, v8;
	v7 =	vld [tilespmem:s13+$0xD5D0]  }
0x15c: {  	v9 =	vadd.f32 v15, v9;
	v11 =	vld [tilespmem:s13+$0xD5E0];
	s13 =	sshra.s32 s14, $0x2;
	s14 =	sadd.s32 $0x200, s14  }
0x15d: {  	v14 =	vld [tilespmem:s13+$0xD580]  }
0x15e: {  	v15 =	vld [tilespmem:s13+$0xD590]  }
0x15f: {  	v16 =	vld [tilespmem:s13+$0xD5A0]  }
0x160: {  	v17 =	vld [tilespmem:s13+$0xD5B0]  }
0x161: {  	v18 =	vld [tilespmem:s13+$0xD5C0]  }
0x162: {  	v5 =	vadd.f32 v12, v5;
	v12 =	vld [tilespmem:s13+$0xD5D0];
	v8 =	vadd.f32 v14, v8  }
0x163: {  	v13 =	vld [tilespmem:s13+$0xD5F0];
	v4 =	vadd.f32 v10, v4;
	v9 =	vadd.f32 v15, v9  }
0x164: {  	v10 =	vld [tilespmem:s13+$0xD5E0];
	v3 =	vadd.f32 v6, v3;
	v5 =	vadd.f32 v16, v5;
	[tilespmem:s11+$0x1C380] =	vst v8  }
0x165: {  	v1 =	vadd.f32 v7, v1;
	v4 =	vadd.f32 v17, v4;
	[tilespmem:s11+$0x1C390] =	vst v9  }
0x166: {  	v3 =	vadd.f32 v18, v3;
	[tilespmem:s11+$0x1C3A0] =	vst v5  }
0x167: {  	v0 =	vadd.f32 v11, v0;
	v1 =	vadd.f32 v12, v1;
	[tilespmem:s11+$0x1C3B0] =	vst v4  }
0x168: {  	v2 =	vadd.f32 v13, v2;
	[tilespmem:s11+$0x1C3C0] =	vst v3  }
0x169: {  	v0 =	vadd.f32 v10, v0;
	[tilespmem:s11+$0x1C3D0] =	vst v1  }
0x16a: {  	[tilespmem:s11+$0x1C3F0] =	vst v2  }
0x16b: {  	s14 =	simm.s32 @!p0 $0x64;
	s15 =	simm.s32 @!p0 $0xBC00;
	s13 =	sadd.s32 @!p0 $0x580, s12;
	[tilespmem:s11+$0x1C3E0] =	vst v0  }
0x16c: {  	[tilespmem:s15], [sflag:$0x4] =	stream.indirect.gather @!p0 [hbm4b:s1+s14], $0x80, s13, s14, $0xb8;
	v63 =	vld [tilespmem:$0x0]  }
0x16d: {  	_ =	swait.ge [sflag:s28], $0x3200  }
0x16e: {  	[sflag:s28] =	ssyncset.done $0x0  }
0x16f: {  	[sflag:s28] =	ssyncadd.s32 $0xFFFFCE00  }
0x170: {  	v8 =	vld [tilespmem:$0xF000]  }
0x171: {  	v9 =	vld [tilespmem:$0xF010]  }
0x172: {  	v5 =	vld [tilespmem:$0xF020]  }
0x173: {  	v4 =	vld [tilespmem:$0xF030]  }
0x174: {  	v3 =	vld [tilespmem:$0xF040]  }
0x175: {  	v1 =	vld [tilespmem:$0xF050]  }
0x176: {  	v0 =	vld [tilespmem:$0xF060]  }
0x177: {  	s15 =	simm.s32 $0xF0;
	v2 =	vld [tilespmem:$0xF070]  }
0x178: {  	v7 =	vld [tilespmem:s15+$0xF000]  }
0x179: {  	v11 =	vld [tilespmem:s15+$0xEF90]  }
0x17a: {  	v13 =	vld [tilespmem:s15+$0xEFA0]  }
0x17b: {  	v12 =	vld [tilespmem:s15+$0xEFB0]  }
0x17c: {  	v10 =	vld [tilespmem:s15+$0xEFC0]  }
0x17d: {  	v6 =	vld [tilespmem:s15+$0xEFD0]  }
0x17e: {  	v2 =	vadd.f32 v7, v2;
	v7 =	vld [tilespmem:s15+$0xEFE0]  }
0x17f: {  	s13 =	simm.s32 $0x170;
	s14 =	simm.s32 $0x7C0;
	v8 =	vadd.f32 v11, v8;
	v9 =	vadd.f32 v13, v9;
	v11 =	vld [tilespmem:s15+$0xEFF0]  }
.LBB2_19:
0x180: {  	p1 =	sne.s32 s14, $0x63C0;
	v13 =	vld [tilespmem:s13+$0xF000];
	v5 =	vadd.f32 v12, v5  }
0x181: {  	v14 =	vld [tilespmem:s13+$0xEF90];
	v4 =	vadd.f32 v10, v4  }
0x182: {  	v15 =	vld [tilespmem:s13+$0xEFA0];
	v3 =	vadd.f32 v6, v3  }
.Ltmp8:
0x183: {  	v12 =	vld [tilespmem:s13+$0xEFB0];
	v1 =	vadd.f32 v7, v1;
	(pc) =	sbr.rel @p1 .LBB2_19-.Ltmp8, $4  }
0x184: {  	v10 =	vld [tilespmem:s13+$0xEFC0];
	v0 =	vadd.f32 v11, v0  }
0x185: {  	v6 =	vld [tilespmem:s13+$0xEFD0];
	v2 =	vadd.f32 v13, v2  }
0x186: {  	v8 =	vadd.f32 v14, v8;
	v7 =	vld [tilespmem:s13+$0xEFE0]  }
0x187: {  	v9 =	vadd.f32 v15, v9;
	v11 =	vld [tilespmem:s13+$0xEFF0];
	s13 =	sshra.s32 s14, $0x2;
	s14 =	sadd.s32 $0x200, s14  }
0x188: {  	v14 =	vld [tilespmem:s13+$0xEF90]  }
0x189: {  	v15 =	vld [tilespmem:s13+$0xEFA0]  }
0x18a: {  	v16 =	vld [tilespmem:s13+$0xEFB0]  }
0x18b: {  	v17 =	vld [tilespmem:s13+$0xEFC0]  }
0x18c: {  	v18 =	vld [tilespmem:s13+$0xEFD0]  }
0x18d: {  	v5 =	vadd.f32 v12, v5;
	v12 =	vld [tilespmem:s13+$0xEFE0];
	v8 =	vadd.f32 v14, v8  }
0x18e: {  	v13 =	vld [tilespmem:s13+$0xF000];
	v4 =	vadd.f32 v10, v4;
	v9 =	vadd.f32 v15, v9  }
0x18f: {  	v10 =	vld [tilespmem:s13+$0xEFF0];
	v3 =	vadd.f32 v6, v3;
	v5 =	vadd.f32 v16, v5;
	[tilespmem:s11+$0x1C400] =	vst v8  }
0x190: {  	v1 =	vadd.f32 v7, v1;
	v4 =	vadd.f32 v17, v4;
	[tilespmem:s11+$0x1C410] =	vst v9  }
0x191: {  	v3 =	vadd.f32 v18, v3;
	[tilespmem:s11+$0x1C420] =	vst v5  }
0x192: {  	v0 =	vadd.f32 v11, v0;
	v1 =	vadd.f32 v12, v1;
	[tilespmem:s11+$0x1C430] =	vst v4  }
0x193: {  	v2 =	vadd.f32 v13, v2;
	[tilespmem:s11+$0x1C440] =	vst v3  }
0x194: {  	v0 =	vadd.f32 v10, v0;
	[tilespmem:s11+$0x1C450] =	vst v1  }
0x195: {  	[tilespmem:s11+$0x1C470] =	vst v2  }
0x196: {  	[tilespmem:s11+$0x1C460] =	vst v0  }
0x197: {  	v8 =	vld [tilespmem:$0x10900]  }
0x198: {  	v9 =	vld [tilespmem:$0x10910]  }
0x199: {  	v5 =	vld [tilespmem:$0x10920]  }
0x19a: {  	v4 =	vld [tilespmem:$0x10930]  }
0x19b: {  	v3 =	vld [tilespmem:$0x10940]  }
0x19c: {  	v1 =	vld [tilespmem:$0x10950]  }
0x19d: {  	v0 =	vld [tilespmem:$0x10960]  }
0x19e: {  	s15 =	simm.s32 $0x0;
	v2 =	vld [tilespmem:$0x10970]  }
0x19f: {  	v7 =	vld [tilespmem:s15+$0x109F0]  }
0x1a0: {  	v11 =	vld [tilespmem:s15+$0x10980]  }
0x1a1: {  	v13 =	vld [tilespmem:s15+$0x10990]  }
0x1a2: {  	v12 =	vld [tilespmem:s15+$0x109A0]  }
0x1a3: {  	v10 =	vld [tilespmem:s15+$0x109B0]  }
0x1a4: {  	v6 =	vld [tilespmem:s15+$0x109C0]  }
0x1a5: {  	v2 =	vadd.f32 v7, v2;
	v7 =	vld [tilespmem:s15+$0x109D0]  }
0x1a6: {  	s14 =	simm.s32 $0x400;
	s13 =	simm.s32 $0x80;
	v8 =	vadd.f32 v11, v8;
	v9 =	vadd.f32 v13, v9;
	v11 =	vld [tilespmem:s15+$0x109E0]  }
.LBB2_21:
0x1a7: {  	p1 =	sne.s32 s14, $0x6000;
	v13 =	vld [tilespmem:s13+$0x109F0];
	v5 =	vadd.f32 v12, v5  }
0x1a8: {  	v14 =	vld [tilespmem:s13+$0x10980];
	v4 =	vadd.f32 v10, v4  }
0x1a9: {  	v15 =	vld [tilespmem:s13+$0x10990];
	v3 =	vadd.f32 v6, v3  }
.Ltmp9:
0x1aa: {  	v12 =	vld [tilespmem:s13+$0x109A0];
	v1 =	vadd.f32 v7, v1;
	(pc) =	sbr.rel @p1 .LBB2_21-.Ltmp9, $4  }
0x1ab: {  	v10 =	vld [tilespmem:s13+$0x109B0];
	v0 =	vadd.f32 v11, v0  }
0x1ac: {  	v6 =	vld [tilespmem:s13+$0x109C0];
	v2 =	vadd.f32 v13, v2  }
0x1ad: {  	v8 =	vadd.f32 v14, v8;
	v7 =	vld [tilespmem:s13+$0x109D0]  }
0x1ae: {  	v9 =	vadd.f32 v15, v9;
	v11 =	vld [tilespmem:s13+$0x109E0];
	s13 =	sshra.s32 s14, $0x2;
	s14 =	sadd.s32 $0x200, s14  }
0x1af: {  	v14 =	vld [tilespmem:s13+$0x10980]  }
0x1b0: {  	v15 =	vld [tilespmem:s13+$0x10990]  }
0x1b1: {  	v16 =	vld [tilespmem:s13+$0x109A0]  }
0x1b2: {  	v17 =	vld [tilespmem:s13+$0x109B0]  }
0x1b3: {  	v18 =	vld [tilespmem:s13+$0x109C0]  }
0x1b4: {  	v5 =	vadd.f32 v12, v5;
	v12 =	vld [tilespmem:s13+$0x109D0];
	v8 =	vadd.f32 v14, v8  }
0x1b5: {  	v13 =	vld [tilespmem:s13+$0x109F0];
	v4 =	vadd.f32 v10, v4;
	v9 =	vadd.f32 v15, v9  }
0x1b6: {  	v10 =	vld [tilespmem:s13+$0x109E0];
	v3 =	vadd.f32 v6, v3;
	v5 =	vadd.f32 v16, v5;
	[tilespmem:s11+$0x1C480] =	vst v8  }
0x1b7: {  	v1 =	vadd.f32 v7, v1;
	v4 =	vadd.f32 v17, v4;
	[tilespmem:s11+$0x1C490] =	vst v9  }
0x1b8: {  	v3 =	vadd.f32 v18, v3;
	[tilespmem:s11+$0x1C4A0] =	vst v5  }
0x1b9: {  	v0 =	vadd.f32 v11, v0;
	v1 =	vadd.f32 v12, v1;
	[tilespmem:s11+$0x1C4B0] =	vst v4  }
0x1ba: {  	v2 =	vadd.f32 v13, v2;
	[tilespmem:s11+$0x1C4C0] =	vst v3  }
0x1bb: {  	v0 =	vadd.f32 v10, v0;
	[tilespmem:s11+$0x1C4D0] =	vst v1  }
0x1bc: {  	[tilespmem:s11+$0x1C4F0] =	vst v2  }
0x1bd: {  	s14 =	simm.s32 @!p0 $0x64;
	s15 =	simm.s32 @!p0 $0xF000;
	s13 =	sadd.s32 @!p0 $0x600, s12;
	[tilespmem:s11+$0x1C4E0] =	vst v0  }
0x1be: {  	[tilespmem:s15], [sflag:$0x5] =	stream.indirect.gather @!p0 [hbm4b:s1+s14], $0x80, s13, s14, $0xb8;
	v63 =	vld [tilespmem:$0x0]  }
0x1bf: {  	_ =	swait.ge [sflag:s29], $0x3200  }
0x1c0: {  	[sflag:s29] =	ssyncset.done $0x0  }
0x1c1: {  	[sflag:s29] =	ssyncadd.s32 $0xFFFFCE00  }
0x1c2: {  	v8 =	vld [tilespmem:$0x12400]  }
0x1c3: {  	v9 =	vld [tilespmem:$0x12410]  }
0x1c4: {  	v5 =	vld [tilespmem:$0x12420]  }
0x1c5: {  	v4 =	vld [tilespmem:$0x12430]  }
0x1c6: {  	v3 =	vld [tilespmem:$0x12440]  }
0x1c7: {  	v1 =	vld [tilespmem:$0x12450]  }
0x1c8: {  	v0 =	vld [tilespmem:$0x12460]  }
0x1c9: {  	s15 =	simm.s32 $0xF0;
	v2 =	vld [tilespmem:$0x12470]  }
0x1ca: {  	v7 =	vld [tilespmem:s15+$0x12400]  }
0x1cb: {  	v11 =	vld [tilespmem:s15+$0x12390]  }
0x1cc: {  	v13 =	vld [tilespmem:s15+$0x123A0]  }
0x1cd: {  	v12 =	vld [tilespmem:s15+$0x123B0]  }
0x1ce: {  	v10 =	vld [tilespmem:s15+$0x123C0]  }
0x1cf: {  	v6 =	vld [tilespmem:s15+$0x123D0]  }
0x1d0: {  	v2 =	vadd.f32 v7, v2;
	v7 =	vld [tilespmem:s15+$0x123E0]  }
0x1d1: {  	s13 =	simm.s32 $0x170;
	s14 =	simm.s32 $0x7C0;
	v8 =	vadd.f32 v11, v8;
	v9 =	vadd.f32 v13, v9;
	v11 =	vld [tilespmem:s15+$0x123F0]  }
.LBB2_23:
0x1d2: {  	p1 =	sne.s32 s14, $0x63C0;
	v13 =	vld [tilespmem:s13+$0x12400];
	v5 =	vadd.f32 v12, v5  }
0x1d3: {  	v14 =	vld [tilespmem:s13+$0x12390];
	v4 =	vadd.f32 v10, v4  }
0x1d4: {  	v15 =	vld [tilespmem:s13+$0x123A0];
	v3 =	vadd.f32 v6, v3  }
.Ltmp10:
0x1d5: {  	v12 =	vld [tilespmem:s13+$0x123B0];
	v1 =	vadd.f32 v7, v1;
	(pc) =	sbr.rel @p1 .LBB2_23-.Ltmp10, $4  }
0x1d6: {  	v10 =	vld [tilespmem:s13+$0x123C0];
	v0 =	vadd.f32 v11, v0  }
0x1d7: {  	v6 =	vld [tilespmem:s13+$0x123D0];
	v2 =	vadd.f32 v13, v2  }
0x1d8: {  	v8 =	vadd.f32 v14, v8;
	v7 =	vld [tilespmem:s13+$0x123E0]  }
0x1d9: {  	v9 =	vadd.f32 v15, v9;
	v11 =	vld [tilespmem:s13+$0x123F0];
	s13 =	sshra.s32 s14, $0x2;
	s14 =	sadd.s32 $0x200, s14  }
0x1da: {  	v14 =	vld [tilespmem:s13+$0x12390]  }
0x1db: {  	v15 =	vld [tilespmem:s13+$0x123A0]  }
0x1dc: {  	v16 =	vld [tilespmem:s13+$0x123B0]  }
0x1dd: {  	v17 =	vld [tilespmem:s13+$0x123C0]  }
0x1de: {  	v18 =	vld [tilespmem:s13+$0x123D0]  }
0x1df: {  	v5 =	vadd.f32 v12, v5;
	v12 =	vld [tilespmem:s13+$0x123E0];
	v8 =	vadd.f32 v14, v8  }
0x1e0: {  	v13 =	vld [tilespmem:s13+$0x12400];
	v4 =	vadd.f32 v10, v4;
	v9 =	vadd.f32 v15, v9  }
0x1e1: {  	v10 =	vld [tilespmem:s13+$0x123F0];
	v3 =	vadd.f32 v6, v3;
	v5 =	vadd.f32 v16, v5;
	[tilespmem:s11+$0x1C500] =	vst v8  }
0x1e2: {  	v1 =	vadd.f32 v7, v1;
	v4 =	vadd.f32 v17, v4;
	[tilespmem:s11+$0x1C510] =	vst v9  }
0x1e3: {  	v3 =	vadd.f32 v18, v3;
	[tilespmem:s11+$0x1C520] =	vst v5  }
0x1e4: {  	v0 =	vadd.f32 v11, v0;
	v1 =	vadd.f32 v12, v1;
	[tilespmem:s11+$0x1C530] =	vst v4  }
0x1e5: {  	v2 =	vadd.f32 v13, v2;
	[tilespmem:s11+$0x1C540] =	vst v3  }
0x1e6: {  	v0 =	vadd.f32 v10, v0;
	[tilespmem:s11+$0x1C550] =	vst v1  }
0x1e7: {  	[tilespmem:s11+$0x1C570] =	vst v2  }
0x1e8: {  	[tilespmem:s11+$0x1C560] =	vst v0  }
0x1e9: {  	v8 =	vld [tilespmem:$0x13D00]  }
0x1ea: {  	v9 =	vld [tilespmem:$0x13D10]  }
0x1eb: {  	v5 =	vld [tilespmem:$0x13D20]  }
0x1ec: {  	v4 =	vld [tilespmem:$0x13D30]  }
0x1ed: {  	v3 =	vld [tilespmem:$0x13D40]  }
0x1ee: {  	v1 =	vld [tilespmem:$0x13D50]  }
0x1ef: {  	v0 =	vld [tilespmem:$0x13D60]  }
0x1f0: {  	s15 =	simm.s32 $0x0;
	v2 =	vld [tilespmem:$0x13D70]  }
0x1f1: {  	v7 =	vld [tilespmem:s15+$0x13DF0]  }
0x1f2: {  	v11 =	vld [tilespmem:s15+$0x13D80]  }
0x1f3: {  	v13 =	vld [tilespmem:s15+$0x13D90]  }
0x1f4: {  	v12 =	vld [tilespmem:s15+$0x13DA0]  }
0x1f5: {  	v10 =	vld [tilespmem:s15+$0x13DB0]  }
0x1f6: {  	v6 =	vld [tilespmem:s15+$0x13DC0]  }
0x1f7: {  	v2 =	vadd.f32 v7, v2;
	v7 =	vld [tilespmem:s15+$0x13DD0]  }
0x1f8: {  	s14 =	simm.s32 $0x400;
	s13 =	simm.s32 $0x80;
	v8 =	vadd.f32 v11, v8;
	v9 =	vadd.f32 v13, v9;
	v11 =	vld [tilespmem:s15+$0x13DE0]  }
.LBB2_25:
0x1f9: {  	p1 =	sne.s32 s14, $0x6000;
	v13 =	vld [tilespmem:s13+$0x13DF0];
	v5 =	vadd.f32 v12, v5  }
0x1fa: {  	v14 =	vld [tilespmem:s13+$0x13D80];
	v4 =	vadd.f32 v10, v4  }
0x1fb: {  	v15 =	vld [tilespmem:s13+$0x13D90];
	v3 =	vadd.f32 v6, v3  }
.Ltmp11:
0x1fc: {  	v12 =	vld [tilespmem:s13+$0x13DA0];
	v1 =	vadd.f32 v7, v1;
	(pc) =	sbr.rel @p1 .LBB2_25-.Ltmp11, $4  }
0x1fd: {  	v10 =	vld [tilespmem:s13+$0x13DB0];
	v0 =	vadd.f32 v11, v0  }
0x1fe: {  	v6 =	vld [tilespmem:s13+$0x13DC0];
	v2 =	vadd.f32 v13, v2  }
0x1ff: {  	v8 =	vadd.f32 v14, v8;
	v7 =	vld [tilespmem:s13+$0x13DD0]  }
0x200: {  	v9 =	vadd.f32 v15, v9;
	v11 =	vld [tilespmem:s13+$0x13DE0];
	s13 =	sshra.s32 s14, $0x2;
	s14 =	sadd.s32 $0x200, s14  }
0x201: {  	v14 =	vld [tilespmem:s13+$0x13D80]  }
0x202: {  	v15 =	vld [tilespmem:s13+$0x13D90]  }
0x203: {  	v16 =	vld [tilespmem:s13+$0x13DA0]  }
0x204: {  	v17 =	vld [tilespmem:s13+$0x13DB0]  }
0x205: {  	v18 =	vld [tilespmem:s13+$0x13DC0]  }
0x206: {  	v5 =	vadd.f32 v12, v5;
	v12 =	vld [tilespmem:s13+$0x13DD0];
	v8 =	vadd.f32 v14, v8  }
0x207: {  	v13 =	vld [tilespmem:s13+$0x13DF0];
	v4 =	vadd.f32 v10, v4;
	v9 =	vadd.f32 v15, v9  }
0x208: {  	v10 =	vld [tilespmem:s13+$0x13DE0];
	v3 =	vadd.f32 v6, v3;
	v5 =	vadd.f32 v16, v5;
	[tilespmem:s11+$0x1C580] =	vst v8  }
0x209: {  	v1 =	vadd.f32 v7, v1;
	v4 =	vadd.f32 v17, v4;
	[tilespmem:s11+$0x1C590] =	vst v9  }
0x20a: {  	v3 =	vadd.f32 v18, v3;
	[tilespmem:s11+$0x1C5A0] =	vst v5  }
0x20b: {  	v0 =	vadd.f32 v11, v0;
	v1 =	vadd.f32 v12, v1;
	[tilespmem:s11+$0x1C5B0] =	vst v4  }
0x20c: {  	v2 =	vadd.f32 v13, v2;
	[tilespmem:s11+$0x1C5C0] =	vst v3  }
0x20d: {  	v0 =	vadd.f32 v10, v0;
	[tilespmem:s11+$0x1C5D0] =	vst v1  }
0x20e: {  	[tilespmem:s11+$0x1C5F0] =	vst v2  }
0x20f: {  	s14 =	simm.s32 @!p0 $0x64;
	s15 =	simm.s32 @!p0 $0x12400;
	s13 =	sadd.s32 @!p0 $0x680, s12;
	[tilespmem:s11+$0x1C5E0] =	vst v0  }
0x210: {  	[tilespmem:s15], [sflag:$0x6] =	stream.indirect.gather @!p0 [hbm4b:s1+s14], $0x80, s13, s14, $0xb8;
	v63 =	vld [tilespmem:$0x0]  }
0x211: {  	_ =	swait.ge [sflag:s30], $0x3200  }
0x212: {  	[sflag:s30] =	ssyncset.done $0x0  }
0x213: {  	[sflag:s30] =	ssyncadd.s32 $0xFFFFCE00  }
0x214: {  	v8 =	vld [tilespmem:$0x15800]  }
0x215: {  	v9 =	vld [tilespmem:$0x15810]  }
0x216: {  	v5 =	vld [tilespmem:$0x15820]  }
0x217: {  	v4 =	vld [tilespmem:$0x15830]  }
0x218: {  	v3 =	vld [tilespmem:$0x15840]  }
0x219: {  	v1 =	vld [tilespmem:$0x15850]  }
0x21a: {  	v0 =	vld [tilespmem:$0x15860]  }
0x21b: {  	s15 =	simm.s32 $0xF0;
	v2 =	vld [tilespmem:$0x15870]  }
0x21c: {  	v7 =	vld [tilespmem:s15+$0x15800]  }
0x21d: {  	v11 =	vld [tilespmem:s15+$0x15790]  }
0x21e: {  	v13 =	vld [tilespmem:s15+$0x157A0]  }
0x21f: {  	v12 =	vld [tilespmem:s15+$0x157B0]  }
0x220: {  	v10 =	vld [tilespmem:s15+$0x157C0]  }
0x221: {  	v6 =	vld [tilespmem:s15+$0x157D0]  }
0x222: {  	v2 =	vadd.f32 v7, v2;
	v7 =	vld [tilespmem:s15+$0x157E0]  }
0x223: {  	s13 =	simm.s32 $0x170;
	s14 =	simm.s32 $0x7C0;
	v8 =	vadd.f32 v11, v8;
	v9 =	vadd.f32 v13, v9;
	v11 =	vld [tilespmem:s15+$0x157F0]  }
.LBB2_27:
0x224: {  	p1 =	sne.s32 s14, $0x63C0;
	v13 =	vld [tilespmem:s13+$0x15800];
	v5 =	vadd.f32 v12, v5  }
0x225: {  	v14 =	vld [tilespmem:s13+$0x15790];
	v4 =	vadd.f32 v10, v4  }
0x226: {  	v15 =	vld [tilespmem:s13+$0x157A0];
	v3 =	vadd.f32 v6, v3  }
.Ltmp12:
0x227: {  	v12 =	vld [tilespmem:s13+$0x157B0];
	v1 =	vadd.f32 v7, v1;
	(pc) =	sbr.rel @p1 .LBB2_27-.Ltmp12, $4  }
0x228: {  	v10 =	vld [tilespmem:s13+$0x157C0];
	v0 =	vadd.f32 v11, v0  }
0x229: {  	v6 =	vld [tilespmem:s13+$0x157D0];
	v2 =	vadd.f32 v13, v2  }
0x22a: {  	v8 =	vadd.f32 v14, v8;
	v7 =	vld [tilespmem:s13+$0x157E0]  }
0x22b: {  	v9 =	vadd.f32 v15, v9;
	v11 =	vld [tilespmem:s13+$0x157F0];
	s13 =	sshra.s32 s14, $0x2;
	s14 =	sadd.s32 $0x200, s14  }
0x22c: {  	v14 =	vld [tilespmem:s13+$0x15790]  }
0x22d: {  	v15 =	vld [tilespmem:s13+$0x157A0]  }
0x22e: {  	v16 =	vld [tilespmem:s13+$0x157B0]  }
0x22f: {  	v17 =	vld [tilespmem:s13+$0x157C0]  }
0x230: {  	v18 =	vld [tilespmem:s13+$0x157D0]  }
0x231: {  	v5 =	vadd.f32 v12, v5;
	v12 =	vld [tilespmem:s13+$0x157E0];
	v8 =	vadd.f32 v14, v8  }
0x232: {  	v13 =	vld [tilespmem:s13+$0x15800];
	v4 =	vadd.f32 v10, v4;
	v9 =	vadd.f32 v15, v9  }
0x233: {  	v10 =	vld [tilespmem:s13+$0x157F0];
	v3 =	vadd.f32 v6, v3;
	v5 =	vadd.f32 v16, v5;
	[tilespmem:s11+$0x1C600] =	vst v8  }
0x234: {  	v1 =	vadd.f32 v7, v1;
	v4 =	vadd.f32 v17, v4;
	[tilespmem:s11+$0x1C610] =	vst v9  }
0x235: {  	v3 =	vadd.f32 v18, v3;
	[tilespmem:s11+$0x1C620] =	vst v5  }
0x236: {  	v0 =	vadd.f32 v11, v0;
	v1 =	vadd.f32 v12, v1;
	[tilespmem:s11+$0x1C630] =	vst v4  }
0x237: {  	v2 =	vadd.f32 v13, v2;
	[tilespmem:s11+$0x1C640] =	vst v3  }
0x238: {  	v0 =	vadd.f32 v10, v0;
	[tilespmem:s11+$0x1C650] =	vst v1  }
0x239: {  	[tilespmem:s11+$0x1C670] =	vst v2  }
0x23a: {  	[tilespmem:s11+$0x1C660] =	vst v0  }
0x23b: {  	v8 =	vld [tilespmem:$0x17100]  }
0x23c: {  	v9 =	vld [tilespmem:$0x17110]  }
0x23d: {  	v5 =	vld [tilespmem:$0x17120]  }
0x23e: {  	v4 =	vld [tilespmem:$0x17130]  }
0x23f: {  	v3 =	vld [tilespmem:$0x17140]  }
0x240: {  	v1 =	vld [tilespmem:$0x17150]  }
0x241: {  	v0 =	vld [tilespmem:$0x17160]  }
0x242: {  	s15 =	simm.s32 $0x0;
	v2 =	vld [tilespmem:$0x17170]  }
0x243: {  	v7 =	vld [tilespmem:s15+$0x171F0]  }
0x244: {  	v11 =	vld [tilespmem:s15+$0x17180]  }
0x245: {  	v13 =	vld [tilespmem:s15+$0x17190]  }
0x246: {  	v12 =	vld [tilespmem:s15+$0x171A0]  }
0x247: {  	v10 =	vld [tilespmem:s15+$0x171B0]  }
0x248: {  	v6 =	vld [tilespmem:s15+$0x171C0]  }
0x249: {  	v2 =	vadd.f32 v7, v2;
	v7 =	vld [tilespmem:s15+$0x171D0]  }
0x24a: {  	s14 =	simm.s32 $0x400;
	s13 =	simm.s32 $0x80;
	v8 =	vadd.f32 v11, v8;
	v9 =	vadd.f32 v13, v9;
	v11 =	vld [tilespmem:s15+$0x171E0]  }
.LBB2_29:
0x24b: {  	p1 =	sne.s32 s14, $0x6000;
	v13 =	vld [tilespmem:s13+$0x171F0];
	v5 =	vadd.f32 v12, v5  }
0x24c: {  	v14 =	vld [tilespmem:s13+$0x17180];
	v4 =	vadd.f32 v10, v4  }
0x24d: {  	v15 =	vld [tilespmem:s13+$0x17190];
	v3 =	vadd.f32 v6, v3  }
.Ltmp13:
0x24e: {  	v12 =	vld [tilespmem:s13+$0x171A0];
	v1 =	vadd.f32 v7, v1;
	(pc) =	sbr.rel @p1 .LBB2_29-.Ltmp13, $4  }
0x24f: {  	v10 =	vld [tilespmem:s13+$0x171B0];
	v0 =	vadd.f32 v11, v0  }
0x250: {  	v6 =	vld [tilespmem:s13+$0x171C0];
	v2 =	vadd.f32 v13, v2  }
0x251: {  	v8 =	vadd.f32 v14, v8;
	v7 =	vld [tilespmem:s13+$0x171D0]  }
0x252: {  	v9 =	vadd.f32 v15, v9;
	v11 =	vld [tilespmem:s13+$0x171E0];
	s13 =	sshra.s32 s14, $0x2;
	s14 =	sadd.s32 $0x200, s14  }
0x253: {  	v14 =	vld [tilespmem:s13+$0x17180]  }
0x254: {  	v15 =	vld [tilespmem:s13+$0x17190]  }
0x255: {  	v16 =	vld [tilespmem:s13+$0x171A0]  }
0x256: {  	v17 =	vld [tilespmem:s13+$0x171B0]  }
0x257: {  	v18 =	vld [tilespmem:s13+$0x171C0]  }
0x258: {  	v5 =	vadd.f32 v12, v5;
	v12 =	vld [tilespmem:s13+$0x171D0];
	v8 =	vadd.f32 v14, v8  }
0x259: {  	v13 =	vld [tilespmem:s13+$0x171F0];
	v4 =	vadd.f32 v10, v4;
	v9 =	vadd.f32 v15, v9  }
0x25a: {  	v10 =	vld [tilespmem:s13+$0x171E0];
	v3 =	vadd.f32 v6, v3;
	v5 =	vadd.f32 v16, v5;
	[tilespmem:s11+$0x1C680] =	vst v8  }
0x25b: {  	v1 =	vadd.f32 v7, v1;
	v4 =	vadd.f32 v17, v4;
	[tilespmem:s11+$0x1C690] =	vst v9  }
0x25c: {  	v3 =	vadd.f32 v18, v3;
	[tilespmem:s11+$0x1C6A0] =	vst v5  }
0x25d: {  	v0 =	vadd.f32 v11, v0;
	v1 =	vadd.f32 v12, v1;
	[tilespmem:s11+$0x1C6B0] =	vst v4  }
0x25e: {  	v2 =	vadd.f32 v13, v2;
	[tilespmem:s11+$0x1C6C0] =	vst v3  }
0x25f: {  	v0 =	vadd.f32 v10, v0;
	[tilespmem:s11+$0x1C6D0] =	vst v1  }
0x260: {  	[tilespmem:s11+$0x1C6F0] =	vst v2  }
0x261: {  	s13 =	simm.s32 @!p0 $0x15800;
	[tilespmem:s11+$0x1C6E0] =	vst v0;
	s11 =	sadd.s32 @!p0 $0x700, s12;
	s12 =	simm.s32 @!p0 $0x64  }
0x262: {  	[tilespmem:s13], [sflag:$0x7] =	stream.indirect.gather @!p0 [hbm4b:s1+s12], $0x80, s11, s12, $0xb8;
	v63 =	vld [tilespmem:$0x0]  }
0x263: {  	_ =	swait.ge [sflag:s31], $0x3200  }
0x264: {  	[sflag:s31] =	ssyncset.done $0x0  }
0x265: {  	[sflag:s31] =	ssyncadd.s32 $0xFFFFCE00  }
0x266: {  	v8 =	vld [tilespmem:$0x18C00]  }
0x267: {  	v9 =	vld [tilespmem:$0x18C10]  }
0x268: {  	v5 =	vld [tilespmem:$0x18C20]  }
0x269: {  	v4 =	vld [tilespmem:$0x18C30]  }
0x26a: {  	v3 =	vld [tilespmem:$0x18C40]  }
0x26b: {  	v1 =	vld [tilespmem:$0x18C50]  }
0x26c: {  	v0 =	vld [tilespmem:$0x18C60]  }
0x26d: {  	s15 =	simm.s32 $0xF0;
	v2 =	vld [tilespmem:$0x18C70]  }
0x26e: {  	v7 =	vld [tilespmem:s15+$0x18C00]  }
0x26f: {  	v10 =	vld [tilespmem:s15+$0x18B90]  }
0x270: {  	v13 =	vld [tilespmem:s15+$0x18BA0]  }
0x271: {  	v12 =	vld [tilespmem:s15+$0x18BB0]  }
0x272: {  	v11 =	vld [tilespmem:s15+$0x18BC0]  }
0x273: {  	v6 =	vld [tilespmem:s15+$0x18BD0]  }
0x274: {  	v2 =	vadd.f32 v7, v2;
	v7 =	vld [tilespmem:s15+$0x18BE0]  }
0x275: {  	s11 =	simm.s32 $0x170;
	s12 =	simm.s32 $0x7C0;
	v10 =	vadd.f32 v10, v8;
	v8 =	vadd.f32 v13, v9;
	v9 =	vld [tilespmem:s15+$0x18BF0]  }
.LBB2_31:
0x276: {  	p0 =	sne.s32 s12, $0x63C0;
	v13 =	vld [tilespmem:s11+$0x18C00];
	v5 =	vadd.f32 v12, v5  }
0x277: {  	v14 =	vld [tilespmem:s11+$0x18B90];
	v4 =	vadd.f32 v11, v4  }
0x278: {  	v15 =	vld [tilespmem:s11+$0x18BA0];
	v3 =	vadd.f32 v6, v3  }
.Ltmp14:
0x279: {  	v12 =	vld [tilespmem:s11+$0x18BB0];
	v1 =	vadd.f32 v7, v1;
	(pc) =	sbr.rel @p0 .LBB2_31-.Ltmp14, $4  }
0x27a: {  	v11 =	vld [tilespmem:s11+$0x18BC0];
	v0 =	vadd.f32 v9, v0  }
0x27b: {  	v6 =	vld [tilespmem:s11+$0x18BD0];
	v2 =	vadd.f32 v13, v2  }
0x27c: {  	v10 =	vadd.f32 v14, v10;
	v7 =	vld [tilespmem:s11+$0x18BE0]  }
0x27d: {  	v8 =	vadd.f32 v15, v8;
	v9 =	vld [tilespmem:s11+$0x18BF0];
	s11 =	sshra.s32 s12, $0x2;
	s12 =	sadd.s32 $0x200, s12  }
0x27e: {  	v14 =	vld [tilespmem:s11+$0x18B90]  }
0x27f: {  	v15 =	vld [tilespmem:s11+$0x18BA0]  }
0x280: {  	v16 =	vld [tilespmem:s11+$0x18BB0]  }
0x281: {  	v17 =	vld [tilespmem:s11+$0x18BC0]  }
0x282: {  	v18 =	vld [tilespmem:s11+$0x18BD0]  }
0x283: {  	v5 =	vadd.f32 v12, v5;
	v12 =	vld [tilespmem:s11+$0x18BE0];
	s10 =	sshll.u32 s10, $0x8;
	v10 =	vadd.f32 v14, v10  }
0x284: {  	v13 =	vld [tilespmem:s11+$0x18C00];
	v4 =	vadd.f32 v11, v4;
	s10 =	sand.u32 $0x3FFFFF00, s10;
	v8 =	vadd.f32 v15, v8  }
0x285: {  	v11 =	vld [tilespmem:s11+$0x18BF0];
	v3 =	vadd.f32 v6, v3;
	v5 =	vadd.f32 v16, v5;
	[tilespmem:s10+$0x1C000] =	vst v10  }
0x286: {  	v1 =	vadd.f32 v7, v1;
	v4 =	vadd.f32 v17, v4;
	[tilespmem:s10+$0x1C010] =	vst v8  }
0x287: {  	v3 =	vadd.f32 v18, v3;
	[tilespmem:s10+$0x1C020] =	vst v5  }
0x288: {  	v0 =	vadd.f32 v9, v0;
	v1 =	vadd.f32 v12, v1;
	[tilespmem:s10+$0x1C030] =	vst v4  }
0x289: {  	v2 =	vadd.f32 v13, v2;
	[tilespmem:s10+$0x1C040] =	vst v3  }
0x28a: {  	v0 =	vadd.f32 v11, v0;
	[tilespmem:s10+$0x1C050] =	vst v1  }
0x28b: {  	[tilespmem:s10+$0x1C070] =	vst v2  }
0x28c: {  	[tilespmem:s10+$0x1C060] =	vst v0  }
0x28d: {  	v8 =	vld [tilespmem:$0x1A500]  }
0x28e: {  	v9 =	vld [tilespmem:$0x1A510]  }
0x28f: {  	v5 =	vld [tilespmem:$0x1A520]  }
0x290: {  	v4 =	vld [tilespmem:$0x1A530]  }
0x291: {  	v3 =	vld [tilespmem:$0x1A540]  }
0x292: {  	v1 =	vld [tilespmem:$0x1A550]  }
0x293: {  	v0 =	vld [tilespmem:$0x1A560]  }
0x294: {  	s13 =	simm.s32 $0x0;
	v2 =	vld [tilespmem:$0x1A570]  }
0x295: {  	v7 =	vld [tilespmem:s13+$0x1A5F0]  }
0x296: {  	v11 =	vld [tilespmem:s13+$0x1A580]  }
0x297: {  	v13 =	vld [tilespmem:s13+$0x1A590]  }
0x298: {  	v12 =	vld [tilespmem:s13+$0x1A5A0]  }
0x299: {  	v10 =	vld [tilespmem:s13+$0x1A5B0]  }
0x29a: {  	v6 =	vld [tilespmem:s13+$0x1A5C0]  }
0x29b: {  	v2 =	vadd.f32 v7, v2;
	v7 =	vld [tilespmem:s13+$0x1A5D0]  }
0x29c: {  	s12 =	simm.s32 $0x400;
	s11 =	simm.s32 $0x80;
	v8 =	vadd.f32 v11, v8;
	v9 =	vadd.f32 v13, v9;
	v11 =	vld [tilespmem:s13+$0x1A5E0]  }
.LBB2_33:
0x29d: {  	p0 =	sne.s32 s12, $0x6000;
	v13 =	vld [tilespmem:s11+$0x1A5F0];
	v5 =	vadd.f32 v12, v5  }
0x29e: {  	v14 =	vld [tilespmem:s11+$0x1A580];
	v4 =	vadd.f32 v10, v4  }
0x29f: {  	v15 =	vld [tilespmem:s11+$0x1A590];
	v3 =	vadd.f32 v6, v3  }
.Ltmp15:
0x2a0: {  	v12 =	vld [tilespmem:s11+$0x1A5A0];
	v1 =	vadd.f32 v7, v1;
	(pc) =	sbr.rel @p0 .LBB2_33-.Ltmp15, $4  }
0x2a1: {  	v10 =	vld [tilespmem:s11+$0x1A5B0];
	v0 =	vadd.f32 v11, v0  }
0x2a2: {  	v6 =	vld [tilespmem:s11+$0x1A5C0];
	v2 =	vadd.f32 v13, v2  }
0x2a3: {  	v8 =	vadd.f32 v14, v8;
	v7 =	vld [tilespmem:s11+$0x1A5D0]  }
0x2a4: {  	v9 =	vadd.f32 v15, v9;
	v11 =	vld [tilespmem:s11+$0x1A5E0];
	s11 =	sshra.s32 s12, $0x2;
	s12 =	sadd.s32 $0x200, s12  }
0x2a5: {  	v14 =	vld [tilespmem:s11+$0x1A580]  }
0x2a6: {  	v15 =	vld [tilespmem:s11+$0x1A590]  }
0x2a7: {  	v16 =	vld [tilespmem:s11+$0x1A5A0]  }
0x2a8: {  	v17 =	vld [tilespmem:s11+$0x1A5B0]  }
0x2a9: {  	v18 =	vld [tilespmem:s11+$0x1A5C0]  }
0x2aa: {  	v5 =	vadd.f32 v12, v5;
	v61 =	vld [tilespmem:s11+$0x1A5D0];
	v8 =	vadd.f32 v14, v8  }
0x2ab: {  	v13 =	vld [tilespmem:s11+$0x1A5F0];
	v4 =	vadd.f32 v10, v4;
	v9 =	vadd.f32 v15, v9  }
0x2ac: {  	v62 =	vld [tilespmem:s11+$0x1A5E0];
	v3 =	vadd.f32 v6, v3;
	v5 =	vadd.f32 v16, v5;
	[tilespmem:s10+$0x1C080] =	vst v8  }
0x2ad: {  	s9 =	sadd.s32 $0x1, s9;
	v1 =	vadd.f32 v7, v1;
	v4 =	vadd.f32 v17, v4;
	[tilespmem:s10+$0x1C090] =	vst v9  }
0x2ae: {  	p0 =	sne.s32 s9, $0x8;
	v3 =	vadd.f32 v18, v3;
	[tilespmem:s10+$0x1C0A0] =	vst v5  }
.Ltmp16:
0x2af: {  	v0 =	vadd.f32 v11, v0;
	v1 =	vadd.f32 v61, v1;
	[tilespmem:s10+$0x1C0B0] =	vst v4;
	(pc) =	sbr.rel @p0 .LBB2_2-.Ltmp16, $4  }
0x2b0: {  	v2 =	vadd.f32 v13, v2;
	[tilespmem:s10+$0x1C0C0] =	vst v3  }
0x2b1: {  	v0 =	vadd.f32 v62, v0;
	[tilespmem:s10+$0x1C0D0] =	vst v1  }
0x2b2: {  	[tilespmem:s10+$0x1C0F0] =	vst v2  }
0x2b3: {  	[tilespmem:s10+$0x1C0E0] =	vst v0  }
0x2b4: {  	s2 =	sadd.s32 $0x1, s2  }
0x2b5: {  	p0 =	sne.s32 s2, s6  }
.Ltmp17:
0x2b6: {  	_ = 	snop;
	(pc) =	sbr.rel @p0 .LBB2_1-.Ltmp17, $4  }
0x2b7: {  	[hbm4b:s5+s3] =	stream.linear.scatter [tilespmem:s0], [sflag:$0x9], $0x4000, $0x38;
	v63 =	vld [tilespmem:$0x0]  }
0x2b8: {  	_ =	swait.ge [sflag:s7], $0x4000  }
0x2b9: {  	[sflag:s7] =	ssyncset.done $0x0  }
0x2ba: {  	[sflag:s7] =	ssyncadd.s32 $0xFFFFC000  }
0x2bb: {  	_ =	sfence.sel $0x180000  }
0x2bc: {  	[bflag:$0x0] =	sbarrier.arrive $0xFFFF  }
0x2bd: {  	_ =	strace $0x90000047  }
0x2be: {  	s0 =	stileid.u32;
	[bflag:$0x2] =	sbarrier.arrive $0xFFFF  }
0x2bf: {  	p0 =	sne.s32 s0, $0x0;
	s0 =	rddreg [dreg:$0x2]  }
0x2c0: {  	s0 =	sadd.s32 @!p0 $0x100000, s0  }
0x2c1: {  	[sflag:s0] =	ssyncadd.tile.s32 @!p0 $0x1;
	_ =	shalt  }
.Lfunc_end2:
_tile_overlayer_lowered:
.L_overlay_start_2:
0x2c2: {  	(tag) =	ssettag $0x2  }
0x2c3: {  	s0 =	rddreg [dreg:$0x0];
	s2 =	stileid.u32  }
0x2c4: {  	s1 =	rddreg [dreg:$0x1];
	p0 =	sne.s32 s2, $0x0  }
0x2c5: {  	s3 =	rddreg [dreg:$0x2];
	[bflag:$0x3] =	sbarrier.arrive $0xFFFF;
	s2 =	simm.s32 @!p0 $0x1C09  }
0x2c6: {  	[timem:s3], [sflag:s2] =	dma.local @!p0 [hbm:s0], s1  }
0x2c7: {  	s0 =	simm.s32 @!p0 $0x9  }
0x2c8: {  	_ =	swait.ge @!p0 [sflag:s0], s1  }
0x2c9: {  	s1 =	ssub.s32 @!p0 $0x0, s1;
	[sflag:s0] =	ssyncset.done @!p0 $0x0  }
0x2ca: {  	[sflag:s0] =	ssyncadd.s32 @!p0 s1  }
0x2cb: {  	[bflag:$0x3] =	sbarrier.arrive $0xFFFF  }
0x2cc: {  	_ =	shalt  }

</sc_bundles>
